<compile_context>
chip_gen: v7x
topology: tpu7x:2x2x1
jax: 0.10.2.dev20260603
libtpu: 0.0.44.dev20260713+nightly
codegen_flags: <defaults>
</compile_context>

<pallas_src>
import functools

import jax
import jax.numpy as jnp
from jax import lax
from jax.experimental import pallas as pl
from jax.experimental.pallas import tpu as pltpu
from jax.experimental.pallas import tpu_sc as plsc

N_NODES = 10000
D = 128
N_EDGES = 320000

NC, NS = 2, 16
NW = NC * NS
EPT = N_EDGES // NW
CHUNK = 128
NFULL = EPT // CHUNK
REM = EPT - NFULL * CHUNK
ROWS_BLK = 1024
NBLK = 10
N_PAD = ROWS_BLK * NBLK
ROWS_PER_TILE = N_PAD // NS
ZROWS = 128

_mesh = plsc.VectorSubcoreMesh(core_axis_name="c", subcore_axis_name="s")



def _sc_deg_body(dst_hbm, z1_hbm, degp_hbm, dst_v, deg_v):
    c = lax.axis_index("c")
    s = lax.axis_index("s")
    wid = c * NS + s
    one16 = jnp.ones((16,), jnp.float32)

    pltpu.sync_copy(z1_hbm, deg_v)
    pltpu.sync_copy(dst_hbm.at[pl.ds(wid * EPT, EPT)], dst_v)

    def scat_body(i, _):
        for u in range(5):
            idx = dst_v[pl.ds((i * 5 + u) * 16, 16)]
            plsc.addupdate_scatter(deg_v, [idx], one16)
        return 0

    lax.fori_loop(0, EPT // 80, scat_body, 0)
    for j in range(NBLK):
        pltpu.sync_copy(deg_v.at[pl.ds(j * ROWS_BLK, ROWS_BLK)],
                        degp_hbm.at[j, wid])


@functools.partial(
    pl.kernel,
    out_type=jax.ShapeDtypeStruct((NBLK, NW, ROWS_BLK), jnp.float32),
    mesh=_mesh,
    scratch_types=[
        pltpu.VMEM((EPT,), jnp.int32),
        pltpu.VMEM((N_PAD,), jnp.float32),
    ],
    compiler_params=pltpu.CompilerParams(needs_layout_passes=False),
)
def _sc_deg(dst_hbm, z1_hbm, degp_hbm, dst_v, deg_v):
    _sc_deg_body(dst_hbm, z1_hbm, degp_hbm, dst_v, deg_v)


def _sc_scatter_body(y_hbm, src_hbm, dst_hbm, z2_hbm, accp_hbm,
                     src_v0, src_v1, dst_v0, dst_v1, dst_v2, dst16_v,
                     rows0, rows1, acc_sh, gsem, ssem, isem):
    c = lax.axis_index("c")
    s = lax.axis_index("s")
    wid = c * NS + s
    base = wid * EPT

    pltpu.async_copy(z2_hbm, acc_sh.at[pl.ds(s * ROWS_PER_TILE, ROWS_PER_TILE)], ssem)
    pltpu.async_copy(src_hbm.at[pl.ds(base, CHUNK)], src_v0, isem)
    pltpu.async_copy(dst_hbm.at[pl.ds(base, CHUNK)], dst_v0, isem)
    pltpu.make_async_copy(src_hbm.at[pl.ds(base, CHUNK)], src_v0, isem).wait()
    pltpu.async_copy(y_hbm.at[src_v0], rows0, gsem)
    pltpu.make_async_copy(dst_hbm.at[pl.ds(base, CHUNK)], dst_v0, isem).wait()
    pltpu.make_async_copy(
        z2_hbm, acc_sh.at[pl.ds(s * ROWS_PER_TILE, ROWS_PER_TILE)], ssem).wait()
    plsc.subcore_barrier()
    src_ring = (src_v0, src_v1)
    dst_ring = (dst_v0, dst_v1, dst_v2)
    rows_ring = (rows0, rows1)
    UN = 6
    NJ = NFULL // UN

    pltpu.async_copy(src_hbm.at[pl.ds(base + CHUNK, CHUNK)], src_v1, isem)
    pltpu.async_copy(dst_hbm.at[pl.ds(base + CHUNK, CHUNK)], dst_v1, isem)

    def body(j, _):
        for k in range(UN):
            sv, svn = src_ring[k % 2], src_ring[(k + 1) % 2]
            dv = dst_ring[k % 3]
            rv, rvn = rows_ring[k % 2], rows_ring[(k + 1) % 2]
            svp, dvp = src_ring[(k + 1) % 2], dst_ring[(k + 1) % 3]
            off = base + (j * UN + k) * CHUNK

            if k == 5:
                @pl.when(j < NJ - 1)
                def _():
                    pltpu.make_async_copy(src_hbm.at[pl.ds(off + CHUNK, CHUNK)], svp, isem).wait()
                    pltpu.make_async_copy(dst_hbm.at[pl.ds(off + CHUNK, CHUNK)], dvp, isem).wait()
            else:
                pltpu.make_async_copy(src_hbm.at[pl.ds(off + CHUNK, CHUNK)], svp, isem).wait()
                pltpu.make_async_copy(dst_hbm.at[pl.ds(off + CHUNK, CHUNK)], dvp, isem).wait()

            pltpu.make_async_copy(y_hbm.at[sv], rv, gsem).wait()

            pv, pd = rows_ring[(k + 1) % 2], dst_ring[(k + 2) % 3]
            if k == 0:
                @pl.when(j > 0)
                def _():
                    pltpu.make_async_copy(pv, acc_sh.at[pd], ssem).wait()
            else:
                pltpu.make_async_copy(pv, acc_sh.at[pd], ssem).wait()

            if k == 5:
                @pl.when(j < NJ - 1)
                def _():
                    pltpu.async_copy(y_hbm.at[svn], rvn, gsem)
            else:
                pltpu.async_copy(y_hbm.at[svn], rvn, gsem)

            pltpu.async_copy(rv, acc_sh.at[dv], ssem, add=True)

            if k >= 4:
                @pl.when(j < NJ - 1)
                def _():
                    pltpu.async_copy(src_hbm.at[pl.ds(off + 2 * CHUNK, CHUNK)], sv, isem)
                    pltpu.async_copy(dst_hbm.at[pl.ds(off + 2 * CHUNK, CHUNK)], dst_ring[(k + 2) % 3], isem)
            else:
                pltpu.async_copy(src_hbm.at[pl.ds(off + 2 * CHUNK, CHUNK)], sv, isem)
                pltpu.async_copy(dst_hbm.at[pl.ds(off + 2 * CHUNK, CHUNK)], dst_ring[(k + 2) % 3], isem)
        return 0

    lax.fori_loop(0, NJ, body, 0)

    pltpu.make_async_copy(rows1, acc_sh.at[dst_v2], ssem).wait()

    off = base + NFULL * CHUNK
    pltpu.sync_copy(src_hbm.at[pl.ds(off, REM)], src_v0.at[pl.ds(0, REM)])
    pltpu.async_copy(y_hbm.at[src_v0.at[pl.ds(0, REM)]],
                     rows0.at[pl.ds(0, REM)], gsem).wait()
    pltpu.sync_copy(dst_hbm.at[pl.ds(off, REM)], dst16_v)
    pltpu.sync_copy(rows0.at[pl.ds(0, REM)], acc_sh.at[dst16_v], add=True)

    plsc.subcore_barrier()
    pltpu.sync_copy(acc_sh.at[pl.ds(s * ROWS_PER_TILE, ROWS_PER_TILE)],
                    accp_hbm.at[c, pl.ds(s * ROWS_PER_TILE, ROWS_PER_TILE)])


@functools.partial(
    pl.kernel,
    out_type=jax.ShapeDtypeStruct((NC, N_PAD, D), jnp.float32),
    mesh=_mesh,
    scratch_types=(
        [pltpu.VMEM((CHUNK,), jnp.int32)] * 5
        + [pltpu.VMEM((REM,), jnp.int32)]
        + [pltpu.VMEM((CHUNK, D), jnp.float32)] * 2
        + [pltpu.VMEM_SHARED((N_PAD, D), jnp.float32)]
        + [pltpu.SemaphoreType.DMA] * 3
    ),
    compiler_params=pltpu.CompilerParams(needs_layout_passes=False),
)
def _sc_scatter(y_hbm, src_hbm, dst_hbm, z2_hbm, accp_hbm,
                src_v0, src_v1, dst_v0, dst_v1, dst_v2, dst16_v,
                rows0, rows1, acc_sh, gsem, ssem, isem):
    _sc_scatter_body(y_hbm, src_hbm, dst_hbm, z2_hbm, accp_hbm,
                     src_v0, src_v1, dst_v0, dst_v1, dst_v2, dst16_v,
                     rows0, rows1, acc_sh, gsem, ssem, isem)



def _dinv_bcast(degp_ref):
    deg = 1.0 + jnp.sum(degp_ref[0], axis=0, keepdims=True)
    dinv = lax.rsqrt(deg)
    return lax.dot_general(dinv, jnp.ones((1, D), jnp.float32),
                           (((0,), (0,)), ((), ())),
                           preferred_element_type=jnp.float32)


def _tc_a_body(x_ref, w_ref, degp_ref, xw_ref, y_ref):
    db = _dinv_bcast(degp_ref)
    xw = jnp.dot(x_ref[...], w_ref[...], preferred_element_type=jnp.float32)
    xw_ref[...] = xw
    y_ref[...] = db * xw


def _tc_a(x, W1, degp):
    return pl.pallas_call(
        _tc_a_body,
        grid=(NBLK,),
        in_specs=[
            pl.BlockSpec((ROWS_BLK, D), lambda i: (i, 0)),
            pl.BlockSpec((D, D), lambda i: (0, 0)),
            pl.BlockSpec((1, NW, ROWS_BLK), lambda i: (i, 0, 0)),
        ],
        out_specs=[pl.BlockSpec((ROWS_BLK, D), lambda i: (i, 0))] * 2,
        out_shape=[jax.ShapeDtypeStruct((N_NODES, D), jnp.float32)] * 2,
    )(x, W1, degp)


def _tc_mid_body(accp_ref, degp_ref, xw1_ref, b_ref, a_ref, w_ref,
                 xw2_ref, y2_ref):
    acc = accp_ref[0] + accp_ref[1]
    db = _dinv_bcast(degp_ref)
    z = db * acc + db * db * xw1_ref[...] + b_ref[...]
    h = jnp.where(z >= 0, z, a_ref[...] * z)
    xw2 = jnp.dot(h, w_ref[...], preferred_element_type=jnp.float32)
    xw2_ref[...] = xw2
    y2_ref[...] = db * xw2


def _tc_mid(accp, degp, xw1, b1, a_b, W2):
    return pl.pallas_call(
        _tc_mid_body,
        grid=(NBLK,),
        in_specs=[
            pl.BlockSpec((NC, ROWS_BLK, D), lambda i: (0, i, 0)),
            pl.BlockSpec((1, NW, ROWS_BLK), lambda i: (i, 0, 0)),
            pl.BlockSpec((ROWS_BLK, D), lambda i: (i, 0)),
            pl.BlockSpec((1, D), lambda i: (0, 0)),
            pl.BlockSpec((1, D), lambda i: (0, 0)),
            pl.BlockSpec((D, D), lambda i: (0, 0)),
        ],
        out_specs=[pl.BlockSpec((ROWS_BLK, D), lambda i: (i, 0))] * 2,
        out_shape=[jax.ShapeDtypeStruct((N_NODES, D), jnp.float32)] * 2,
    )(accp, degp, xw1, b1, a_b, W2)


def _tc_out_body(accp_ref, degp_ref, xw2_ref, b_ref, a_ref, out_ref):
    acc = accp_ref[0] + accp_ref[1]
    db = _dinv_bcast(degp_ref)
    z = db * acc + db * db * xw2_ref[...] + b_ref[...]
    out_ref[...] = jnp.where(z >= 0, z, a_ref[...] * z)


def _tc_out(accp, degp, xw2, b2, a_b):
    return pl.pallas_call(
        _tc_out_body,
        grid=(NBLK,),
        in_specs=[
            pl.BlockSpec((NC, ROWS_BLK, D), lambda i: (0, i, 0)),
            pl.BlockSpec((1, NW, ROWS_BLK), lambda i: (i, 0, 0)),
            pl.BlockSpec((ROWS_BLK, D), lambda i: (i, 0)),
            pl.BlockSpec((1, D), lambda i: (0, 0)),
            pl.BlockSpec((1, D), lambda i: (0, 0)),
        ],
        out_specs=pl.BlockSpec((ROWS_BLK, D), lambda i: (i, 0)),
        out_shape=jax.ShapeDtypeStruct((N_NODES, D), jnp.float32),
    )(accp, degp, xw2, b2, a_b)



def kernel(x, edge_index, W1, b1, W2, b2, prelu_a):
    src = edge_index[0]
    dst = edge_index[1]
    b1r = jnp.reshape(b1, (1, D))
    b2r = jnp.reshape(b2, (1, D))
    a_b = jnp.broadcast_to(jnp.reshape(prelu_a, (1, 1)), (1, D))

    z1 = jnp.zeros((N_PAD,), jnp.float32)
    z2 = jnp.zeros((ROWS_PER_TILE, D), jnp.float32)

    degp = _sc_deg(dst, z1)
    xw1, y1 = _tc_a(x, W1, degp)
    accp1 = _sc_scatter(y1, src, dst, z2)
    xw2, y2 = _tc_mid(accp1, degp, xw1, b1r, a_b, W2)
    accp2 = _sc_scatter(y2, src, dst, z2)
    return _tc_out(accp2, degp, xw2, b2r, a_b)

# --- scband reference (transcript-rebuilt; emitter-appended) ---
"""Pipeline reference for scband-gca-83167746720143 (READ-ONLY COPY).

The authoritative reference and input builder live on the scoring server;
editing this copy changes nothing except your own understanding.
"""

import jax, jax.numpy as jnp
import numpy as np

N_NODES = 10000
D_IN = 128
D_HID = 128
D_PROJ = 128
N_EDGES = 320000


def prelu(z, a):
    return jnp.where(z >= 0, z, a * z)


def gcn_conv(x, src, dst, W, b, n_nodes):
    # add self loops
    loop = jnp.arange(n_nodes, dtype=src.dtype)
    src_sl = jnp.concatenate([src, loop])
    dst_sl = jnp.concatenate([dst, loop])
    # symmetric normalization with unit edge weights
    deg = jnp.zeros((n_nodes,), dtype=jnp.float32).at[dst_sl].add(1.0)
    dinv = jnp.where(deg > 0, deg ** -0.5, 0.0)
    norm = dinv[src_sl] * dinv[dst_sl]
    xw = x @ W
    msg = jnp.take(xw, src_sl, axis=0) * norm[:, None]
    out = jnp.zeros((n_nodes, W.shape[1]), dtype=jnp.float32).at[dst_sl].add(msg)
    return out + b


def setup_inputs(seed: int = 0) -> dict:
    key = jax.random.key(seed)
    ks = jax.random.split(key, 8)
    x = jax.random.normal(ks[0], (N_NODES, D_IN), dtype=jnp.float32)
    edge_index = jax.random.randint(ks[1], (2, N_EDGES), 0, N_NODES, dtype=jnp.int32)
    W1 = jax.random.normal(ks[2], (D_IN, D_HID), dtype=jnp.float32) * (1.0 / np.sqrt(D_IN))
    b1 = jnp.zeros((D_HID,), dtype=jnp.float32)
    W2 = jax.random.normal(ks[3], (D_HID, D_PROJ), dtype=jnp.float32) * (1.0 / np.sqrt(D_HID))
    b2 = jnp.zeros((D_PROJ,), dtype=jnp.float32)
    prelu_a = jnp.asarray(0.25, dtype=jnp.float32)
    return {"x": x, "edge_index": edge_index, "W1": W1, "b1": b1, "W2": W2, "b2": b2, "prelu_a": prelu_a}


def reference(x, edge_index, W1, b1, W2, b2, prelu_a):
    n_nodes = x.shape[0]
    src = edge_index[0]
    dst = edge_index[1]
    # k=2, skip=False: conv1 (in->hidden) -> prelu -> conv2 (hidden->proj) -> prelu
    z = prelu(gcn_conv(x, src, dst, W1, b1, n_nodes), prelu_a)
    z = prelu(gcn_conv(z, src, dst, W2, b2, n_nodes), prelu_a)
    return z

if __name__ == "__main__":
    import jax
    _d = setup_inputs()
    print(jax.jit(kernel)(*tuple(_d.values())))

</pallas_src>

<mosaic_0001>
#map = affine_map<(d0, d1) -> (0, 0)>
#map1 = affine_map<(d0, d1) -> (0)>
#map2 = affine_map<(d0, d1) -> (0, 0, 0)>
module attributes {stable_mosaic.version = 14 : i64} {
  func.func @_sc_scatter(%arg0: i32, %arg1: i32, %arg2: memref<10000x128xf32, #tpu.memory_space<hbm>>, %arg3: memref<320000xi32, #tpu.memory_space<hbm>>, %arg4: memref<320000xi32, #tpu.memory_space<hbm>>, %arg5: memref<640x128xf32, #tpu.memory_space<hbm>>, %arg6: memref<2x10240x128xf32, #tpu.memory_space<hbm>>, %arg7: memref<128xi32, #tpu.memory_space<vmem>>, %arg8: memref<128xi32, #tpu.memory_space<vmem>>, %arg9: memref<128xi32, #tpu.memory_space<vmem>>, %arg10: memref<128xi32, #tpu.memory_space<vmem>>, %arg11: memref<128xi32, #tpu.memory_space<vmem>>, %arg12: memref<16xi32, #tpu.memory_space<vmem>>, %arg13: memref<128x128xf32, #tpu.memory_space<vmem>>, %arg14: memref<128x128xf32, #tpu.memory_space<vmem>>, %arg15: memref<10240x128xf32, #tpu.memory_space<vmem_shared>>, %arg16: memref<!tpu.dma_semaphore, #tpu.memory_space<semaphore_mem>>, %arg17: memref<!tpu.dma_semaphore, #tpu.memory_space<semaphore_mem>>, %arg18: memref<!tpu.dma_semaphore, #tpu.memory_space<semaphore_mem>>) attributes {dimension_semantics = [#tpu.dimension_semantics<core_parallel>, #tpu.dimension_semantics<subcore_parallel>], iteration_bounds = array<i64: 2, 16>, scalar_prefetch = 0 : i64, scratch_operands = 12 : i64, tpu.core_type = #tpu.core_type<sc_vector_subcore>, window_params = [{transform_indices = #map}, {transform_indices = #map1}, {transform_indices = #map1}, {transform_indices = #map}, {transform_indices = #map2}]} {
    %mul3A = arith.constant 16 : i32
    %mul3A_0 = arith.muli %arg0, %mul3A : i32
    %add3A = arith.addi %mul3A_0, %arg1 : i32
    %mul3A_1 = arith.constant 10000 : i32
    %mul3A_2 = arith.muli %add3A, %mul3A_1 : i32
    %mul3A_3 = arith.constant 640 : i32
    %mul3A_4 = arith.muli %arg1, %mul3A_3 : i32
    %dma_start3A = arith.constant 0 : i32
    %dma_start3A_5 = tpu.memref_slice %arg15[%mul3A_4, %dma_start3A] : memref<10240x128xf32, #tpu.memory_space<vmem_shared>> -> memref<640x128xf32, #tpu.memory_space<vmem_shared>>
    tpu.enqueue_dma source(%arg5 : memref<640x128xf32, #tpu.memory_space<hbm>>) target(%dma_start3A_5 : memref<640x128xf32, #tpu.memory_space<vmem_shared>>) target_semaphore(%arg17 : memref<!tpu.dma_semaphore, #tpu.memory_space<semaphore_mem>>)
    %dma_start3A_6 = tpu.memref_slice %arg3[%mul3A_2] : memref<320000xi32, #tpu.memory_space<hbm>> -> memref<128xi32, #tpu.memory_space<hbm>>
    %dma_start3A_7 = tpu.memref_slice %arg3[%mul3A_2] : memref<320000xi32, #tpu.memory_space<hbm>> -> memref<128xi32, #tpu.memory_space<hbm>>
    tpu.enqueue_dma source(%dma_start3A_7 : memref<128xi32, #tpu.memory_space<hbm>>) target(%arg7 : memref<128xi32, #tpu.memory_space<vmem>>) target_semaphore(%arg18 : memref<!tpu.dma_semaphore, #tpu.memory_space<semaphore_mem>>)
    %dma_start3A_8 = tpu.memref_slice %arg4[%mul3A_2] : memref<320000xi32, #tpu.memory_space<hbm>> -> memref<128xi32, #tpu.memory_space<hbm>>
    %dma_start3A_9 = tpu.memref_slice %arg4[%mul3A_2] : memref<320000xi32, #tpu.memory_space<hbm>> -> memref<128xi32, #tpu.memory_space<hbm>>
    tpu.enqueue_dma source(%dma_start3A_9 : memref<128xi32, #tpu.memory_space<hbm>>) target(%arg9 : memref<128xi32, #tpu.memory_space<vmem>>) target_semaphore(%arg18 : memref<!tpu.dma_semaphore, #tpu.memory_space<semaphore_mem>>)
    %dma_wait3A = tpu.memref_slice %arg3[%mul3A_2] : memref<320000xi32, #tpu.memory_space<hbm>> -> memref<128xi32, #tpu.memory_space<hbm>>
    %dma_wait3A_10 = tpu.memref_slice %arg3[%mul3A_2] : memref<320000xi32, #tpu.memory_space<hbm>> -> memref<128xi32, #tpu.memory_space<hbm>>
    tpu.wait_dma2 semaphore(%arg18 : memref<!tpu.dma_semaphore, #tpu.memory_space<semaphore_mem>>) src(%dma_wait3A_10 : memref<128xi32, #tpu.memory_space<hbm>>) dst(%arg7 : memref<128xi32, #tpu.memory_space<vmem>>)
    %dma_start3A_11 = arith.constant 0 : i32
    %dma_start3A_12 = arith.constant 0 : i32
    %dma_start3A_13 = tpu.memref_slice %arg2[%dma_start3A_11, %dma_start3A_12] : memref<10000x128xf32, #tpu.memory_space<hbm>> -> memref<10000x128xf32, #tpu.memory_space<hbm>>
    tpu.enqueue_indirect_dma source(%dma_start3A_13 : memref<10000x128xf32, #tpu.memory_space<hbm>>) target(%arg13 : memref<128x128xf32, #tpu.memory_space<vmem>>) offsets(%arg7 : memref<128xi32, #tpu.memory_space<vmem>>) semaphore(%arg16 : memref<!tpu.dma_semaphore, #tpu.memory_space<semaphore_mem>>)
    %dma_wait3A_14 = tpu.memref_slice %arg4[%mul3A_2] : memref<320000xi32, #tpu.memory_space<hbm>> -> memref<128xi32, #tpu.memory_space<hbm>>
    %dma_wait3A_15 = tpu.memref_slice %arg4[%mul3A_2] : memref<320000xi32, #tpu.memory_space<hbm>> -> memref<128xi32, #tpu.memory_space<hbm>>
    tpu.wait_dma2 semaphore(%arg18 : memref<!tpu.dma_semaphore, #tpu.memory_space<semaphore_mem>>) src(%dma_wait3A_15 : memref<128xi32, #tpu.memory_space<hbm>>) dst(%arg9 : memref<128xi32, #tpu.memory_space<vmem>>)
    %mul3A_16 = arith.constant 640 : i32
    %mul3A_17 = arith.muli %arg1, %mul3A_16 : i32
    %dma_wait3A_18 = arith.constant 0 : i32
    %dma_wait3A_19 = tpu.memref_slice %arg15[%mul3A_17, %dma_wait3A_18] : memref<10240x128xf32, #tpu.memory_space<vmem_shared>> -> memref<640x128xf32, #tpu.memory_space<vmem_shared>>
    tpu.wait_dma2 semaphore(%arg17 : memref<!tpu.dma_semaphore, #tpu.memory_space<semaphore_mem>>) src(%arg5 : memref<640x128xf32, #tpu.memory_space<hbm>>) dst(%dma_wait3A_19 : memref<640x128xf32, #tpu.memory_space<vmem_shared>>)
    %barrier3A = arith.constant 0 : index
    tpu.barrier barrier_id(%barrier3A)
    %add3A_20 = arith.constant 128 : i32
    %add3A_21 = arith.addi %mul3A_2, %add3A_20 : i32
    %dma_start3A_22 = tpu.memref_slice %arg3[%add3A_21] : memref<320000xi32, #tpu.memory_space<hbm>> -> memref<128xi32, #tpu.memory_space<hbm>>
    %dma_start3A_23 = tpu.memref_slice %arg3[%add3A_21] : memref<320000xi32, #tpu.memory_space<hbm>> -> memref<128xi32, #tpu.memory_space<hbm>>
    tpu.enqueue_dma source(%dma_start3A_23 : memref<128xi32, #tpu.memory_space<hbm>>) target(%arg8 : memref<128xi32, #tpu.memory_space<vmem>>) target_semaphore(%arg18 : memref<!tpu.dma_semaphore, #tpu.memory_space<semaphore_mem>>)
    %add3A_24 = arith.constant 128 : i32
    %add3A_25 = arith.addi %mul3A_2, %add3A_24 : i32
    %dma_start3A_26 = tpu.memref_slice %arg4[%add3A_25] : memref<320000xi32, #tpu.memory_space<hbm>> -> memref<128xi32, #tpu.memory_space<hbm>>
    %dma_start3A_27 = tpu.memref_slice %arg4[%add3A_25] : memref<320000xi32, #tpu.memory_space<hbm>> -> memref<128xi32, #tpu.memory_space<hbm>>
    tpu.enqueue_dma source(%dma_start3A_27 : memref<128xi32, #tpu.memory_space<hbm>>) target(%arg10 : memref<128xi32, #tpu.memory_space<vmem>>) target_semaphore(%arg18 : memref<!tpu.dma_semaphore, #tpu.memory_space<semaphore_mem>>)
    %scan3A = arith.constant 0 : i32
    %scan3A_28 = arith.constant 0 : i32
    %scan3A_29 = arith.constant 13 : i32
    %scan3A_30 = arith.addi %scan3A_28, %scan3A_29 : i32
    %scan3A_31 = arith.constant 1 : i32
    %scan3A_32 = scf.for %scan3A_60 = %scan3A_28 to %scan3A_30 step %scan3A_31 iter_args(%scan3A_61 = %scan3A) -> (i32)  : i32 {
      %mul3A_62 = arith.constant 6 : i32
      %mul3A_63 = arith.muli %scan3A_60, %mul3A_62 : i32
      %add3A_64 = arith.constant 0 : i32
      %add3A_65 = arith.addi %mul3A_63, %add3A_64 : i32
      %mul3A_66 = arith.constant 128 : i32
      %mul3A_67 = arith.muli %add3A_65, %mul3A_66 : i32
      %add3A_68 = arith.addi %mul3A_2, %mul3A_67 : i32
      %add3A_69 = arith.constant 128 : i32
      %add3A_70 = arith.addi %add3A_68, %add3A_69 : i32
      %dma_wait3A_71 = tpu.memref_slice %arg3[%add3A_70] : memref<320000xi32, #tpu.memory_space<hbm>> -> memref<128xi32, #tpu.memory_space<hbm>>
      %dma_wait3A_72 = tpu.memref_slice %arg3[%add3A_70] : memref<320000xi32, #tpu.memory_space<hbm>> -> memref<128xi32, #tpu.memory_space<hbm>>
      tpu.wait_dma2 semaphore(%arg18 : memref<!tpu.dma_semaphore, #tpu.memory_space<semaphore_mem>>) src(%dma_wait3A_72 : memref<128xi32, #tpu.memory_space<hbm>>) dst(%arg8 : memref<128xi32, #tpu.memory_space<vmem>>)
      %add3A_73 = arith.constant 128 : i32
      %add3A_74 = arith.addi %add3A_68, %add3A_73 : i32
      %dma_wait3A_75 = tpu.memref_slice %arg4[%add3A_74] : memref<320000xi32, #tpu.memory_space<hbm>> -> memref<128xi32, #tpu.memory_space<hbm>>
      %dma_wait3A_76 = tpu.memref_slice %arg4[%add3A_74] : memref<320000xi32, #tpu.memory_space<hbm>> -> memref<128xi32, #tpu.memory_space<hbm>>
      tpu.wait_dma2 semaphore(%arg18 : memref<!tpu.dma_semaphore, #tpu.memory_space<semaphore_mem>>) src(%dma_wait3A_76 : memref<128xi32, #tpu.memory_space<hbm>>) dst(%arg10 : memref<128xi32, #tpu.memory_space<vmem>>)
      %dma_wait3A_77 = arith.constant 0 : i32
      %dma_wait3A_78 = arith.constant 0 : i32
      %dma_wait3A_79 = tpu.memref_slice %arg2[%dma_wait3A_77, %dma_wait3A_78] : memref<10000x128xf32, #tpu.memory_space<hbm>> -> memref<10000x128xf32, #tpu.memory_space<hbm>>
      tpu.wait_indirect_dma semaphore(%arg16 : memref<!tpu.dma_semaphore, #tpu.memory_space<semaphore_mem>>) src(%dma_wait3A_79 : memref<10000x128xf32, #tpu.memory_space<hbm>>) dst(%arg13 : memref<128x128xf32, #tpu.memory_space<vmem>>)
      %gt3A = arith.constant 0 : i32
      %gt3A_80 = arith.cmpi sgt, %scan3A_60, %gt3A : i32
      %convert_element_type3A = arith.extui %gt3A_80 : i1 to i32
      %cond3A = arith.constant 0 : i32
      %cond3A_81 = arith.cmpi ne, %convert_element_type3A, %cond3A : i32
      scf.if %cond3A_81 {
        %dma_wait3A_264 = arith.constant 0 : i32
        %dma_wait3A_265 = arith.constant 0 : i32
        %dma_wait3A_266 = tpu.memref_slice %arg15[%dma_wait3A_264, %dma_wait3A_265] : memref<10240x128xf32, #tpu.memory_space<vmem_shared>> -> memref<10240x128xf32, #tpu.memory_space<vmem_shared>>
        tpu.wait_indirect_dma semaphore(%arg17 : memref<!tpu.dma_semaphore, #tpu.memory_space<semaphore_mem>>) src(%arg14 : memref<128x128xf32, #tpu.memory_space<vmem>>) dst(%dma_wait3A_266 : memref<10240x128xf32, #tpu.memory_space<vmem_shared>>)
      } else {
      }
      %dma_start3A_82 = arith.constant 0 : i32
      %dma_start3A_83 = arith.constant 0 : i32
      %dma_start3A_84 = tpu.memref_slice %arg2[%dma_start3A_82, %dma_start3A_83] : memref<10000x128xf32, #tpu.memory_space<hbm>> -> memref<10000x128xf32, #tpu.memory_space<hbm>>
      tpu.enqueue_indirect_dma source(%dma_start3A_84 : memref<10000x128xf32, #tpu.memory_space<hbm>>) target(%arg14 : memref<128x128xf32, #tpu.memory_space<vmem>>) offsets(%arg8 : memref<128xi32, #tpu.memory_space<vmem>>) semaphore(%arg16 : memref<!tpu.dma_semaphore, #tpu.memory_space<semaphore_mem>>)
      %dma_start3A_85 = arith.constant 0 : i32
      %dma_start3A_86 = arith.constant 0 : i32
      %dma_start3A_87 = tpu.memref_slice %arg15[%dma_start3A_85, %dma_start3A_86] : memref<10240x128xf32, #tpu.memory_space<vmem_shared>> -> memref<10240x128xf32, #tpu.memory_space<vmem_shared>>
      tpu.enqueue_indirect_dma source(%arg13 : memref<128x128xf32, #tpu.memory_space<vmem>>) target(%dma_start3A_87 : memref<10240x128xf32, #tpu.memory_space<vmem_shared>>) offsets(%arg9 : memref<128xi32, #tpu.memory_space<vmem>>) semaphore(%arg17 : memref<!tpu.dma_semaphore, #tpu.memory_space<semaphore_mem>>) {add = true}
      %add3A_88 = arith.constant 256 : i32
      %add3A_89 = arith.addi %add3A_68, %add3A_88 : i32
      %dma_start3A_90 = tpu.memref_slice %arg3[%add3A_89] : memref<320000xi32, #tpu.memory_space<hbm>> -> memref<128xi32, #tpu.memory_space<hbm>>
      %dma_start3A_91 = tpu.memref_slice %arg3[%add3A_89] : memref<320000xi32, #tpu.memory_space<hbm>> -> memref<128xi32, #tpu.memory_space<hbm>>
      tpu.enqueue_dma source(%dma_start3A_91 : memref<128xi32, #tpu.memory_space<hbm>>) target(%arg7 : memref<128xi32, #tpu.memory_space<vmem>>) target_semaphore(%arg18 : memref<!tpu.dma_semaphore, #tpu.memory_space<semaphore_mem>>)
      %add3A_92 = arith.constant 256 : i32
      %add3A_93 = arith.addi %add3A_68, %add3A_92 : i32
      %dma_start3A_94 = tpu.memref_slice %arg4[%add3A_93] : memref<320000xi32, #tpu.memory_space<hbm>> -> memref<128xi32, #tpu.memory_space<hbm>>
      %dma_start3A_95 = tpu.memref_slice %arg4[%add3A_93] : memref<320000xi32, #tpu.memory_space<hbm>> -> memref<128xi32, #tpu.memory_space<hbm>>
      tpu.enqueue_dma source(%dma_start3A_95 : memref<128xi32, #tpu.memory_space<hbm>>) target(%arg11 : memref<128xi32, #tpu.memory_space<vmem>>) target_semaphore(%arg18 : memref<!tpu.dma_semaphore, #tpu.memory_space<semaphore_mem>>)
      %mul3A_96 = arith.constant 6 : i32
      %mul3A_97 = arith.muli %scan3A_60, %mul3A_96 : i32
      %add3A_98 = arith.constant 1 : i32
      %add3A_99 = arith.addi %mul3A_97, %add3A_98 : i32
      %mul3A_100 = arith.constant 128 : i32
      %mul3A_101 = arith.muli %add3A_99, %mul3A_100 : i32
      %add3A_102 = arith.addi %mul3A_2, %mul3A_101 : i32
      %add3A_103 = arith.constant 128 : i32
      %add3A_104 = arith.addi %add3A_102, %add3A_103 : i32
      %dma_wait3A_105 = tpu.memref_slice %arg3[%add3A_104] : memref<320000xi32, #tpu.memory_space<hbm>> -> memref<128xi32, #tpu.memory_space<hbm>>
      %dma_wait3A_106 = tpu.memref_slice %arg3[%add3A_104] : memref<320000xi32, #tpu.memory_space<hbm>> -> memref<128xi32, #tpu.memory_space<hbm>>
      tpu.wait_dma2 semaphore(%arg18 : memref<!tpu.dma_semaphore, #tpu.memory_space<semaphore_mem>>) src(%dma_wait3A_106 : memref<128xi32, #tpu.memory_space<hbm>>) dst(%arg7 : memref<128xi32, #tpu.memory_space<vmem>>)
      %add3A_107 = arith.constant 128 : i32
      %add3A_108 = arith.addi %add3A_102, %add3A_107 : i32
      %dma_wait3A_109 = tpu.memref_slice %arg4[%add3A_108] : memref<320000xi32, #tpu.memory_space<hbm>> -> memref<128xi32, #tpu.memory_space<hbm>>
      %dma_wait3A_110 = tpu.memref_slice %arg4[%add3A_108] : memref<320000xi32, #tpu.memory_space<hbm>> -> memref<128xi32, #tpu.memory_space<hbm>>
      tpu.wait_dma2 semaphore(%arg18 : memref<!tpu.dma_semaphore, #tpu.memory_space<semaphore_mem>>) src(%dma_wait3A_110 : memref<128xi32, #tpu.memory_space<hbm>>) dst(%arg11 : memref<128xi32, #tpu.memory_space<vmem>>)
      %dma_wait3A_111 = arith.constant 0 : i32
      %dma_wait3A_112 = arith.constant 0 : i32
      %dma_wait3A_113 = tpu.memref_slice %arg2[%dma_wait3A_111, %dma_wait3A_112] : memref<10000x128xf32, #tpu.memory_space<hbm>> -> memref<10000x128xf32, #tpu.memory_space<hbm>>
      tpu.wait_indirect_dma semaphore(%arg16 : memref<!tpu.dma_semaphore, #tpu.memory_space<semaphore_mem>>) src(%dma_wait3A_113 : memref<10000x128xf32, #tpu.memory_space<hbm>>) dst(%arg14 : memref<128x128xf32, #tpu.memory_space<vmem>>)
      %dma_wait3A_114 = arith.constant 0 : i32
      %dma_wait3A_115 = arith.constant 0 : i32
      %dma_wait3A_116 = tpu.memref_slice %arg15[%dma_wait3A_114, %dma_wait3A_115] : memref<10240x128xf32, #tpu.memory_space<vmem_shared>> -> memref<10240x128xf32, #tpu.memory_space<vmem_shared>>
      tpu.wait_indirect_dma semaphore(%arg17 : memref<!tpu.dma_semaphore, #tpu.memory_space<semaphore_mem>>) src(%arg13 : memref<128x128xf32, #tpu.memory_space<vmem>>) dst(%dma_wait3A_116 : memref<10240x128xf32, #tpu.memory_space<vmem_shared>>)
      %dma_start3A_117 = arith.constant 0 : i32
      %dma_start3A_118 = arith.constant 0 : i32
      %dma_start3A_119 = tpu.memref_slice %arg2[%dma_start3A_117, %dma_start3A_118] : memref<10000x128xf32, #tpu.memory_space<hbm>> -> memref<10000x128xf32, #tpu.memory_space<hbm>>
      tpu.enqueue_indirect_dma source(%dma_start3A_119 : memref<10000x128xf32, #tpu.memory_space<hbm>>) target(%arg13 : memref<128x128xf32, #tpu.memory_space<vmem>>) offsets(%arg7 : memref<128xi32, #tpu.memory_space<vmem>>) semaphore(%arg16 : memref<!tpu.dma_semaphore, #tpu.memory_space<semaphore_mem>>)
      %dma_start3A_120 = arith.constant 0 : i32
      %dma_start3A_121 = arith.constant 0 : i32
      %dma_start3A_122 = tpu.memref_slice %arg15[%dma_start3A_120, %dma_start3A_121] : memref<10240x128xf32, #tpu.memory_space<vmem_shared>> -> memref<10240x128xf32, #tpu.memory_space<vmem_shared>>
      tpu.enqueue_indirect_dma source(%arg14 : memref<128x128xf32, #tpu.memory_space<vmem>>) target(%dma_start3A_122 : memref<10240x128xf32, #tpu.memory_space<vmem_shared>>) offsets(%arg10 : memref<128xi32, #tpu.memory_space<vmem>>) semaphore(%arg17 : memref<!tpu.dma_semaphore, #tpu.memory_space<semaphore_mem>>) {add = true}
      %add3A_123 = arith.constant 256 : i32
      %add3A_124 = arith.addi %add3A_102, %add3A_123 : i32
      %dma_start3A_125 = tpu.memref_slice %arg3[%add3A_124] : memref<320000xi32, #tpu.memory_space<hbm>> -> memref<128xi32, #tpu.memory_space<hbm>>
      %dma_start3A_126 = tpu.memref_slice %arg3[%add3A_124] : memref<320000xi32, #tpu.memory_space<hbm>> -> memref<128xi32, #tpu.memory_space<hbm>>
      tpu.enqueue_dma source(%dma_start3A_126 : memref<128xi32, #tpu.memory_space<hbm>>) target(%arg8 : memref<128xi32, #tpu.memory_space<vmem>>) target_semaphore(%arg18 : memref<!tpu.dma_semaphore, #tpu.memory_space<semaphore_mem>>)
      %add3A_127 = arith.constant 256 : i32
      %add3A_128 = arith.addi %add3A_102, %add3A_127 : i32
      %dma_start3A_129 = tpu.memref_slice %arg4[%add3A_128] : memref<320000xi32, #tpu.memory_space<hbm>> -> memref<128xi32, #tpu.memory_space<hbm>>
      %dma_start3A_130 = tpu.memref_slice %arg4[%add3A_128] : memref<320000xi32, #tpu.memory_space<hbm>> -> memref<128xi32, #tpu.memory_space<hbm>>
      tpu.enqueue_dma source(%dma_start3A_130 : memref<128xi32, #tpu.memory_space<hbm>>) target(%arg9 : memref<128xi32, #tpu.memory_space<vmem>>) target_semaphore(%arg18 : memref<!tpu.dma_semaphore, #tpu.memory_space<semaphore_mem>>)
      %mul3A_131 = arith.constant 6 : i32
      %mul3A_132 = arith.muli %scan3A_60, %mul3A_131 : i32
      %add3A_133 = arith.constant 2 : i32
      %add3A_134 = arith.addi %mul3A_132, %add3A_133 : i32
      %mul3A_135 = arith.constant 128 : i32
      %mul3A_136 = arith.muli %add3A_134, %mul3A_135 : i32
      %add3A_137 = arith.addi %mul3A_2, %mul3A_136 : i32
      %add3A_138 = arith.constant 128 : i32
      %add3A_139 = arith.addi %add3A_137, %add3A_138 : i32
      %dma_wait3A_140 = tpu.memref_slice %arg3[%add3A_139] : memref<320000xi32, #tpu.memory_space<hbm>> -> memref<128xi32, #tpu.memory_space<hbm>>
      %dma_wait3A_141 = tpu.memref_slice %arg3[%add3A_139] : memref<320000xi32, #tpu.memory_space<hbm>> -> memref<128xi32, #tpu.memory_space<hbm>>
      tpu.wait_dma2 semaphore(%arg18 : memref<!tpu.dma_semaphore, #tpu.memory_space<semaphore_mem>>) src(%dma_wait3A_141 : memref<128xi32, #tpu.memory_space<hbm>>) dst(%arg8 : memref<128xi32, #tpu.memory_space<vmem>>)
      %add3A_142 = arith.constant 128 : i32
      %add3A_143 = arith.addi %add3A_137, %add3A_142 : i32
      %dma_wait3A_144 = tpu.memref_slice %arg4[%add3A_143] : memref<320000xi32, #tpu.memory_space<hbm>> -> memref<128xi32, #tpu.memory_space<hbm>>
      %dma_wait3A_145 = tpu.memref_slice %arg4[%add3A_143] : memref<320000xi32, #tpu.memory_space<hbm>> -> memref<128xi32, #tpu.memory_space<hbm>>
      tpu.wait_dma2 semaphore(%arg18 : memref<!tpu.dma_semaphore, #tpu.memory_space<semaphore_mem>>) src(%dma_wait3A_145 : memref<128xi32, #tpu.memory_space<hbm>>) dst(%arg9 : memref<128xi32, #tpu.memory_space<vmem>>)
      %dma_wait3A_146 = arith.constant 0 : i32
      %dma_wait3A_147 = arith.constant 0 : i32
      %dma_wait3A_148 = tpu.memref_slice %arg2[%dma_wait3A_146, %dma_wait3A_147] : memref<10000x128xf32, #tpu.memory_space<hbm>> -> memref<10000x128xf32, #tpu.memory_space<hbm>>
      tpu.wait_indirect_dma semaphore(%arg16 : memref<!tpu.dma_semaphore, #tpu.memory_space<semaphore_mem>>) src(%dma_wait3A_148 : memref<10000x128xf32, #tpu.memory_space<hbm>>) dst(%arg13 : memref<128x128xf32, #tpu.memory_space<vmem>>)
      %dma_wait3A_149 = arith.constant 0 : i32
      %dma_wait3A_150 = arith.constant 0 : i32
      %dma_wait3A_151 = tpu.memref_slice %arg15[%dma_wait3A_149, %dma_wait3A_150] : memref<10240x128xf32, #tpu.memory_space<vmem_shared>> -> memref<10240x128xf32, #tpu.memory_space<vmem_shared>>
      tpu.wait_indirect_dma semaphore(%arg17 : memref<!tpu.dma_semaphore, #tpu.memory_space<semaphore_mem>>) src(%arg14 : memref<128x128xf32, #tpu.memory_space<vmem>>) dst(%dma_wait3A_151 : memref<10240x128xf32, #tpu.memory_space<vmem_shared>>)
      %dma_start3A_152 = arith.constant 0 : i32
      %dma_start3A_153 = arith.constant 0 : i32
      %dma_start3A_154 = tpu.memref_slice %arg2[%dma_start3A_152, %dma_start3A_153] : memref<10000x128xf32, #tpu.memory_space<hbm>> -> memref<10000x128xf32, #tpu.memory_space<hbm>>
      tpu.enqueue_indirect_dma source(%dma_start3A_154 : memref<10000x128xf32, #tpu.memory_space<hbm>>) target(%arg14 : memref<128x128xf32, #tpu.memory_space<vmem>>) offsets(%arg8 : memref<128xi32, #tpu.memory_space<vmem>>) semaphore(%arg16 : memref<!tpu.dma_semaphore, #tpu.memory_space<semaphore_mem>>)
      %dma_start3A_155 = arith.constant 0 : i32
      %dma_start3A_156 = arith.constant 0 : i32
      %dma_start3A_157 = tpu.memref_slice %arg15[%dma_start3A_155, %dma_start3A_156] : memref<10240x128xf32, #tpu.memory_space<vmem_shared>> -> memref<10240x128xf32, #tpu.memory_space<vmem_shared>>
      tpu.enqueue_indirect_dma source(%arg13 : memref<128x128xf32, #tpu.memory_space<vmem>>) target(%dma_start3A_157 : memref<10240x128xf32, #tpu.memory_space<vmem_shared>>) offsets(%arg11 : memref<128xi32, #tpu.memory_space<vmem>>) semaphore(%arg17 : memref<!tpu.dma_semaphore, #tpu.memory_space<semaphore_mem>>) {add = true}
      %add3A_158 = arith.constant 256 : i32
      %add3A_159 = arith.addi %add3A_137, %add3A_158 : i32
      %dma_start3A_160 = tpu.memref_slice %arg3[%add3A_159] : memref<320000xi32, #tpu.memory_space<hbm>> -> memref<128xi32, #tpu.memory_space<hbm>>
      %dma_start3A_161 = tpu.memref_slice %arg3[%add3A_159] : memref<320000xi32, #tpu.memory_space<hbm>> -> memref<128xi32, #tpu.memory_space<hbm>>
      tpu.enqueue_dma source(%dma_start3A_161 : memref<128xi32, #tpu.memory_space<hbm>>) target(%arg7 : memref<128xi32, #tpu.memory_space<vmem>>) target_semaphore(%arg18 : memref<!tpu.dma_semaphore, #tpu.memory_space<semaphore_mem>>)
      %add3A_162 = arith.constant 256 : i32
      %add3A_163 = arith.addi %add3A_137, %add3A_162 : i32
      %dma_start3A_164 = tpu.memref_slice %arg4[%add3A_163] : memref<320000xi32, #tpu.memory_space<hbm>> -> memref<128xi32, #tpu.memory_space<hbm>>
      %dma_start3A_165 = tpu.memref_slice %arg4[%add3A_163] : memref<320000xi32, #tpu.memory_space<hbm>> -> memref<128xi32, #tpu.memory_space<hbm>>
      tpu.enqueue_dma source(%dma_start3A_165 : memref<128xi32, #tpu.memory_space<hbm>>) target(%arg10 : memref<128xi32, #tpu.memory_space<vmem>>) target_semaphore(%arg18 : memref<!tpu.dma_semaphore, #tpu.memory_space<semaphore_mem>>)
      %mul3A_166 = arith.constant 6 : i32
      %mul3A_167 = arith.muli %scan3A_60, %mul3A_166 : i32
      %add3A_168 = arith.constant 3 : i32
      %add3A_169 = arith.addi %mul3A_167, %add3A_168 : i32
      %mul3A_170 = arith.constant 128 : i32
      %mul3A_171 = arith.muli %add3A_169, %mul3A_170 : i32
      %add3A_172 = arith.addi %mul3A_2, %mul3A_171 : i32
      %add3A_173 = arith.constant 128 : i32
      %add3A_174 = arith.addi %add3A_172, %add3A_173 : i32
      %dma_wait3A_175 = tpu.memref_slice %arg3[%add3A_174] : memref<320000xi32, #tpu.memory_space<hbm>> -> memref<128xi32, #tpu.memory_space<hbm>>
      %dma_wait3A_176 = tpu.memref_slice %arg3[%add3A_174] : memref<320000xi32, #tpu.memory_space<hbm>> -> memref<128xi32, #tpu.memory_space<hbm>>
      tpu.wait_dma2 semaphore(%arg18 : memref<!tpu.dma_semaphore, #tpu.memory_space<semaphore_mem>>) src(%dma_wait3A_176 : memref<128xi32, #tpu.memory_space<hbm>>) dst(%arg7 : memref<128xi32, #tpu.memory_space<vmem>>)
      %add3A_177 = arith.constant 128 : i32
      %add3A_178 = arith.addi %add3A_172, %add3A_177 : i32
      %dma_wait3A_179 = tpu.memref_slice %arg4[%add3A_178] : memref<320000xi32, #tpu.memory_space<hbm>> -> memref<128xi32, #tpu.memory_space<hbm>>
      %dma_wait3A_180 = tpu.memref_slice %arg4[%add3A_178] : memref<320000xi32, #tpu.memory_space<hbm>> -> memref<128xi32, #tpu.memory_space<hbm>>
      tpu.wait_dma2 semaphore(%arg18 : memref<!tpu.dma_semaphore, #tpu.memory_space<semaphore_mem>>) src(%dma_wait3A_180 : memref<128xi32, #tpu.memory_space<hbm>>) dst(%arg10 : memref<128xi32, #tpu.memory_space<vmem>>)
      %dma_wait3A_181 = arith.constant 0 : i32
      %dma_wait3A_182 = arith.constant 0 : i32
      %dma_wait3A_183 = tpu.memref_slice %arg2[%dma_wait3A_181, %dma_wait3A_182] : memref<10000x128xf32, #tpu.memory_space<hbm>> -> memref<10000x128xf32, #tpu.memory_space<hbm>>
      tpu.wait_indirect_dma semaphore(%arg16 : memref<!tpu.dma_semaphore, #tpu.memory_space<semaphore_mem>>) src(%dma_wait3A_183 : memref<10000x128xf32, #tpu.memory_space<hbm>>) dst(%arg14 : memref<128x128xf32, #tpu.memory_space<vmem>>)
      %dma_wait3A_184 = arith.constant 0 : i32
      %dma_wait3A_185 = arith.constant 0 : i32
      %dma_wait3A_186 = tpu.memref_slice %arg15[%dma_wait3A_184, %dma_wait3A_185] : memref<10240x128xf32, #tpu.memory_space<vmem_shared>> -> memref<10240x128xf32, #tpu.memory_space<vmem_shared>>
      tpu.wait_indirect_dma semaphore(%arg17 : memref<!tpu.dma_semaphore, #tpu.memory_space<semaphore_mem>>) src(%arg13 : memref<128x128xf32, #tpu.memory_space<vmem>>) dst(%dma_wait3A_186 : memref<10240x128xf32, #tpu.memory_space<vmem_shared>>)
      %dma_start3A_187 = arith.constant 0 : i32
      %dma_start3A_188 = arith.constant 0 : i32
      %dma_start3A_189 = tpu.memref_slice %arg2[%dma_start3A_187, %dma_start3A_188] : memref<10000x128xf32, #tpu.memory_space<hbm>> -> memref<10000x128xf32, #tpu.memory_space<hbm>>
      tpu.enqueue_indirect_dma source(%dma_start3A_189 : memref<10000x128xf32, #tpu.memory_space<hbm>>) target(%arg13 : memref<128x128xf32, #tpu.memory_space<vmem>>) offsets(%arg7 : memref<128xi32, #tpu.memory_space<vmem>>) semaphore(%arg16 : memref<!tpu.dma_semaphore, #tpu.memory_space<semaphore_mem>>)
      %dma_start3A_190 = arith.constant 0 : i32
      %dma_start3A_191 = arith.constant 0 : i32
      %dma_start3A_192 = tpu.memref_slice %arg15[%dma_start3A_190, %dma_start3A_191] : memref<10240x128xf32, #tpu.memory_space<vmem_shared>> -> memref<10240x128xf32, #tpu.memory_space<vmem_shared>>
      tpu.enqueue_indirect_dma source(%arg14 : memref<128x128xf32, #tpu.memory_space<vmem>>) target(%dma_start3A_192 : memref<10240x128xf32, #tpu.memory_space<vmem_shared>>) offsets(%arg9 : memref<128xi32, #tpu.memory_space<vmem>>) semaphore(%arg17 : memref<!tpu.dma_semaphore, #tpu.memory_space<semaphore_mem>>) {add = true}
      %add3A_193 = arith.constant 256 : i32
      %add3A_194 = arith.addi %add3A_172, %add3A_193 : i32
      %dma_start3A_195 = tpu.memref_slice %arg3[%add3A_194] : memref<320000xi32, #tpu.memory_space<hbm>> -> memref<128xi32, #tpu.memory_space<hbm>>
      %dma_start3A_196 = tpu.memref_slice %arg3[%add3A_194] : memref<320000xi32, #tpu.memory_space<hbm>> -> memref<128xi32, #tpu.memory_space<hbm>>
      tpu.enqueue_dma source(%dma_start3A_196 : memref<128xi32, #tpu.memory_space<hbm>>) target(%arg8 : memref<128xi32, #tpu.memory_space<vmem>>) target_semaphore(%arg18 : memref<!tpu.dma_semaphore, #tpu.memory_space<semaphore_mem>>)
      %add3A_197 = arith.constant 256 : i32
      %add3A_198 = arith.addi %add3A_172, %add3A_197 : i32
      %dma_start3A_199 = tpu.memref_slice %arg4[%add3A_198] : memref<320000xi32, #tpu.memory_space<hbm>> -> memref<128xi32, #tpu.memory_space<hbm>>
      %dma_start3A_200 = tpu.memref_slice %arg4[%add3A_198] : memref<320000xi32, #tpu.memory_space<hbm>> -> memref<128xi32, #tpu.memory_space<hbm>>
      tpu.enqueue_dma source(%dma_start3A_200 : memref<128xi32, #tpu.memory_space<hbm>>) target(%arg11 : memref<128xi32, #tpu.memory_space<vmem>>) target_semaphore(%arg18 : memref<!tpu.dma_semaphore, #tpu.memory_space<semaphore_mem>>)
      %mul3A_201 = arith.constant 6 : i32
      %mul3A_202 = arith.muli %scan3A_60, %mul3A_201 : i32
      %add3A_203 = arith.constant 4 : i32
      %add3A_204 = arith.addi %mul3A_202, %add3A_203 : i32
      %mul3A_205 = arith.constant 128 : i32
      %mul3A_206 = arith.muli %add3A_204, %mul3A_205 : i32
      %add3A_207 = arith.addi %mul3A_2, %mul3A_206 : i32
      %add3A_208 = arith.constant 128 : i32
      %add3A_209 = arith.addi %add3A_207, %add3A_208 : i32
      %dma_wait3A_210 = tpu.memref_slice %arg3[%add3A_209] : memref<320000xi32, #tpu.memory_space<hbm>> -> memref<128xi32, #tpu.memory_space<hbm>>
      %dma_wait3A_211 = tpu.memref_slice %arg3[%add3A_209] : memref<320000xi32, #tpu.memory_space<hbm>> -> memref<128xi32, #tpu.memory_space<hbm>>
      tpu.wait_dma2 semaphore(%arg18 : memref<!tpu.dma_semaphore, #tpu.memory_space<semaphore_mem>>) src(%dma_wait3A_211 : memref<128xi32, #tpu.memory_space<hbm>>) dst(%arg8 : memref<128xi32, #tpu.memory_space<vmem>>)
      %add3A_212 = arith.constant 128 : i32
      %add3A_213 = arith.addi %add3A_207, %add3A_212 : i32
      %dma_wait3A_214 = tpu.memref_slice %arg4[%add3A_213] : memref<320000xi32, #tpu.memory_space<hbm>> -> memref<128xi32, #tpu.memory_space<hbm>>
      %dma_wait3A_215 = tpu.memref_slice %arg4[%add3A_213] : memref<320000xi32, #tpu.memory_space<hbm>> -> memref<128xi32, #tpu.memory_space<hbm>>
      tpu.wait_dma2 semaphore(%arg18 : memref<!tpu.dma_semaphore, #tpu.memory_space<semaphore_mem>>) src(%dma_wait3A_215 : memref<128xi32, #tpu.memory_space<hbm>>) dst(%arg11 : memref<128xi32, #tpu.memory_space<vmem>>)
      %dma_wait3A_216 = arith.constant 0 : i32
      %dma_wait3A_217 = arith.constant 0 : i32
      %dma_wait3A_218 = tpu.memref_slice %arg2[%dma_wait3A_216, %dma_wait3A_217] : memref<10000x128xf32, #tpu.memory_space<hbm>> -> memref<10000x128xf32, #tpu.memory_space<hbm>>
      tpu.wait_indirect_dma semaphore(%arg16 : memref<!tpu.dma_semaphore, #tpu.memory_space<semaphore_mem>>) src(%dma_wait3A_218 : memref<10000x128xf32, #tpu.memory_space<hbm>>) dst(%arg13 : memref<128x128xf32, #tpu.memory_space<vmem>>)
      %dma_wait3A_219 = arith.constant 0 : i32
      %dma_wait3A_220 = arith.constant 0 : i32
      %dma_wait3A_221 = tpu.memref_slice %arg15[%dma_wait3A_219, %dma_wait3A_220] : memref<10240x128xf32, #tpu.memory_space<vmem_shared>> -> memref<10240x128xf32, #tpu.memory_space<vmem_shared>>
      tpu.wait_indirect_dma semaphore(%arg17 : memref<!tpu.dma_semaphore, #tpu.memory_space<semaphore_mem>>) src(%arg14 : memref<128x128xf32, #tpu.memory_space<vmem>>) dst(%dma_wait3A_221 : memref<10240x128xf32, #tpu.memory_space<vmem_shared>>)
      %dma_start3A_222 = arith.constant 0 : i32
      %dma_start3A_223 = arith.constant 0 : i32
      %dma_start3A_224 = tpu.memref_slice %arg2[%dma_start3A_222, %dma_start3A_223] : memref<10000x128xf32, #tpu.memory_space<hbm>> -> memref<10000x128xf32, #tpu.memory_space<hbm>>
      tpu.enqueue_indirect_dma source(%dma_start3A_224 : memref<10000x128xf32, #tpu.memory_space<hbm>>) target(%arg14 : memref<128x128xf32, #tpu.memory_space<vmem>>) offsets(%arg8 : memref<128xi32, #tpu.memory_space<vmem>>) semaphore(%arg16 : memref<!tpu.dma_semaphore, #tpu.memory_space<semaphore_mem>>)
      %dma_start3A_225 = arith.constant 0 : i32
      %dma_start3A_226 = arith.constant 0 : i32
      %dma_start3A_227 = tpu.memref_slice %arg15[%dma_start3A_225, %dma_start3A_226] : memref<10240x128xf32, #tpu.memory_space<vmem_shared>> -> memref<10240x128xf32, #tpu.memory_space<vmem_shared>>
      tpu.enqueue_indirect_dma source(%arg13 : memref<128x128xf32, #tpu.memory_space<vmem>>) target(%dma_start3A_227 : memref<10240x128xf32, #tpu.memory_space<vmem_shared>>) offsets(%arg10 : memref<128xi32, #tpu.memory_space<vmem>>) semaphore(%arg17 : memref<!tpu.dma_semaphore, #tpu.memory_space<semaphore_mem>>) {add = true}
      %lt3A = arith.constant 12 : i32
      %lt3A_228 = arith.cmpi slt, %scan3A_60, %lt3A : i32
      %convert_element_type3A_229 = arith.extui %lt3A_228 : i1 to i32
      %cond3A_230 = arith.constant 0 : i32
      %cond3A_231 = arith.cmpi ne, %convert_element_type3A_229, %cond3A_230 : i32
      scf.if %cond3A_231 {
        %add3A_264 = arith.constant 256 : i32
        %add3A_265 = arith.addi %add3A_207, %add3A_264 : i32
        %dma_start3A_266 = tpu.memref_slice %arg3[%add3A_265] : memref<320000xi32, #tpu.memory_space<hbm>> -> memref<128xi32, #tpu.memory_space<hbm>>
        %dma_start3A_267 = tpu.memref_slice %arg3[%add3A_265] : memref<320000xi32, #tpu.memory_space<hbm>> -> memref<128xi32, #tpu.memory_space<hbm>>
        tpu.enqueue_dma source(%dma_start3A_267 : memref<128xi32, #tpu.memory_space<hbm>>) target(%arg7 : memref<128xi32, #tpu.memory_space<vmem>>) target_semaphore(%arg18 : memref<!tpu.dma_semaphore, #tpu.memory_space<semaphore_mem>>)
        %add3A_268 = arith.constant 256 : i32
        %add3A_269 = arith.addi %add3A_207, %add3A_268 : i32
        %dma_start3A_270 = tpu.memref_slice %arg4[%add3A_269] : memref<320000xi32, #tpu.memory_space<hbm>> -> memref<128xi32, #tpu.memory_space<hbm>>
        %dma_start3A_271 = tpu.memref_slice %arg4[%add3A_269] : memref<320000xi32, #tpu.memory_space<hbm>> -> memref<128xi32, #tpu.memory_space<hbm>>
        tpu.enqueue_dma source(%dma_start3A_271 : memref<128xi32, #tpu.memory_space<hbm>>) target(%arg9 : memref<128xi32, #tpu.memory_space<vmem>>) target_semaphore(%arg18 : memref<!tpu.dma_semaphore, #tpu.memory_space<semaphore_mem>>)
      } else {
      }
      %mul3A_232 = arith.constant 6 : i32
      %mul3A_233 = arith.muli %scan3A_60, %mul3A_232 : i32
      %add3A_234 = arith.constant 5 : i32
      %add3A_235 = arith.addi %mul3A_233, %add3A_234 : i32
      %mul3A_236 = arith.constant 128 : i32
      %mul3A_237 = arith.muli %add3A_235, %mul3A_236 : i32
      %add3A_238 = arith.addi %mul3A_2, %mul3A_237 : i32
      %lt3A_239 = arith.constant 12 : i32
      %lt3A_240 = arith.cmpi slt, %scan3A_60, %lt3A_239 : i32
      %convert_element_type3A_241 = arith.extui %lt3A_240 : i1 to i32
      %cond3A_242 = arith.constant 0 : i32
      %cond3A_243 = arith.cmpi ne, %convert_element_type3A_241, %cond3A_242 : i32
      scf.if %cond3A_243 {
        %add3A_264 = arith.constant 128 : i32
        %add3A_265 = arith.addi %add3A_238, %add3A_264 : i32
        %dma_wait3A_266 = tpu.memref_slice %arg3[%add3A_265] : memref<320000xi32, #tpu.memory_space<hbm>> -> memref<128xi32, #tpu.memory_space<hbm>>
        %dma_wait3A_267 = tpu.memref_slice %arg3[%add3A_265] : memref<320000xi32, #tpu.memory_space<hbm>> -> memref<128xi32, #tpu.memory_space<hbm>>
        tpu.wait_dma2 semaphore(%arg18 : memref<!tpu.dma_semaphore, #tpu.memory_space<semaphore_mem>>) src(%dma_wait3A_267 : memref<128xi32, #tpu.memory_space<hbm>>) dst(%arg7 : memref<128xi32, #tpu.memory_space<vmem>>)
        %add3A_268 = arith.constant 128 : i32
        %add3A_269 = arith.addi %add3A_238, %add3A_268 : i32
        %dma_wait3A_270 = tpu.memref_slice %arg4[%add3A_269] : memref<320000xi32, #tpu.memory_space<hbm>> -> memref<128xi32, #tpu.memory_space<hbm>>
        %dma_wait3A_271 = tpu.memref_slice %arg4[%add3A_269] : memref<320000xi32, #tpu.memory_space<hbm>> -> memref<128xi32, #tpu.memory_space<hbm>>
        tpu.wait_dma2 semaphore(%arg18 : memref<!tpu.dma_semaphore, #tpu.memory_space<semaphore_mem>>) src(%dma_wait3A_271 : memref<128xi32, #tpu.memory_space<hbm>>) dst(%arg9 : memref<128xi32, #tpu.memory_space<vmem>>)
      } else {
      }
      %dma_wait3A_244 = arith.constant 0 : i32
      %dma_wait3A_245 = arith.constant 0 : i32
      %dma_wait3A_246 = tpu.memref_slice %arg2[%dma_wait3A_244, %dma_wait3A_245] : memref<10000x128xf32, #tpu.memory_space<hbm>> -> memref<10000x128xf32, #tpu.memory_space<hbm>>
      tpu.wait_indirect_dma semaphore(%arg16 : memref<!tpu.dma_semaphore, #tpu.memory_space<semaphore_mem>>) src(%dma_wait3A_246 : memref<10000x128xf32, #tpu.memory_space<hbm>>) dst(%arg14 : memref<128x128xf32, #tpu.memory_space<vmem>>)
      %dma_wait3A_247 = arith.constant 0 : i32
      %dma_wait3A_248 = arith.constant 0 : i32
      %dma_wait3A_249 = tpu.memref_slice %arg15[%dma_wait3A_247, %dma_wait3A_248] : memref<10240x128xf32, #tpu.memory_space<vmem_shared>> -> memref<10240x128xf32, #tpu.memory_space<vmem_shared>>
      tpu.wait_indirect_dma semaphore(%arg17 : memref<!tpu.dma_semaphore, #tpu.memory_space<semaphore_mem>>) src(%arg13 : memref<128x128xf32, #tpu.memory_space<vmem>>) dst(%dma_wait3A_249 : memref<10240x128xf32, #tpu.memory_space<vmem_shared>>)
      %lt3A_250 = arith.constant 12 : i32
      %lt3A_251 = arith.cmpi slt, %scan3A_60, %lt3A_250 : i32
      %convert_element_type3A_252 = arith.extui %lt3A_251 : i1 to i32
      %cond3A_253 = arith.constant 0 : i32
      %cond3A_254 = arith.cmpi ne, %convert_element_type3A_252, %cond3A_253 : i32
      scf.if %cond3A_254 {
        %dma_start3A_264 = arith.constant 0 : i32
        %dma_start3A_265 = arith.constant 0 : i32
        %dma_start3A_266 = tpu.memref_slice %arg2[%dma_start3A_264, %dma_start3A_265] : memref<10000x128xf32, #tpu.memory_space<hbm>> -> memref<10000x128xf32, #tpu.memory_space<hbm>>
        tpu.enqueue_indirect_dma source(%dma_start3A_266 : memref<10000x128xf32, #tpu.memory_space<hbm>>) target(%arg13 : memref<128x128xf32, #tpu.memory_space<vmem>>) offsets(%arg7 : memref<128xi32, #tpu.memory_space<vmem>>) semaphore(%arg16 : memref<!tpu.dma_semaphore, #tpu.memory_space<semaphore_mem>>)
      } else {
      }
      %dma_start3A_255 = arith.constant 0 : i32
      %dma_start3A_256 = arith.constant 0 : i32
      %dma_start3A_257 = tpu.memref_slice %arg15[%dma_start3A_255, %dma_start3A_256] : memref<10240x128xf32, #tpu.memory_space<vmem_shared>> -> memref<10240x128xf32, #tpu.memory_space<vmem_shared>>
      tpu.enqueue_indirect_dma source(%arg14 : memref<128x128xf32, #tpu.memory_space<vmem>>) target(%dma_start3A_257 : memref<10240x128xf32, #tpu.memory_space<vmem_shared>>) offsets(%arg11 : memref<128xi32, #tpu.memory_space<vmem>>) semaphore(%arg17 : memref<!tpu.dma_semaphore, #tpu.memory_space<semaphore_mem>>) {add = true}
      %lt3A_258 = arith.constant 12 : i32
      %lt3A_259 = arith.cmpi slt, %scan3A_60, %lt3A_258 : i32
      %convert_element_type3A_260 = arith.extui %lt3A_259 : i1 to i32
      %cond3A_261 = arith.constant 0 : i32
      %cond3A_262 = arith.cmpi ne, %convert_element_type3A_260, %cond3A_261 : i32
      scf.if %cond3A_262 {
        %add3A_264 = arith.constant 256 : i32
        %add3A_265 = arith.addi %add3A_238, %add3A_264 : i32
        %dma_start3A_266 = tpu.memref_slice %arg3[%add3A_265] : memref<320000xi32, #tpu.memory_space<hbm>> -> memref<128xi32, #tpu.memory_space<hbm>>
        %dma_start3A_267 = tpu.memref_slice %arg3[%add3A_265] : memref<320000xi32, #tpu.memory_space<hbm>> -> memref<128xi32, #tpu.memory_space<hbm>>
        tpu.enqueue_dma source(%dma_start3A_267 : memref<128xi32, #tpu.memory_space<hbm>>) target(%arg8 : memref<128xi32, #tpu.memory_space<vmem>>) target_semaphore(%arg18 : memref<!tpu.dma_semaphore, #tpu.memory_space<semaphore_mem>>)
        %add3A_268 = arith.constant 256 : i32
        %add3A_269 = arith.addi %add3A_238, %add3A_268 : i32
        %dma_start3A_270 = tpu.memref_slice %arg4[%add3A_269] : memref<320000xi32, #tpu.memory_space<hbm>> -> memref<128xi32, #tpu.memory_space<hbm>>
        %dma_start3A_271 = tpu.memref_slice %arg4[%add3A_269] : memref<320000xi32, #tpu.memory_space<hbm>> -> memref<128xi32, #tpu.memory_space<hbm>>
        tpu.enqueue_dma source(%dma_start3A_271 : memref<128xi32, #tpu.memory_space<hbm>>) target(%arg10 : memref<128xi32, #tpu.memory_space<vmem>>) target_semaphore(%arg18 : memref<!tpu.dma_semaphore, #tpu.memory_space<semaphore_mem>>)
      } else {
      }
      %scan3A_263 = arith.constant 0 : i32
      scf.yield %scan3A_263 : i32
    }
    %scan3A_33 = arith.constant 13 : i32
    %dma_wait3A_34 = arith.constant 0 : i32
    %dma_wait3A_35 = arith.constant 0 : i32
    %dma_wait3A_36 = tpu.memref_slice %arg15[%dma_wait3A_34, %dma_wait3A_35] : memref<10240x128xf32, #tpu.memory_space<vmem_shared>> -> memref<10240x128xf32, #tpu.memory_space<vmem_shared>>
    tpu.wait_indirect_dma semaphore(%arg17 : memref<!tpu.dma_semaphore, #tpu.memory_space<semaphore_mem>>) src(%arg14 : memref<128x128xf32, #tpu.memory_space<vmem>>) dst(%dma_wait3A_36 : memref<10240x128xf32, #tpu.memory_space<vmem_shared>>)
    %add3A_37 = arith.constant 9984 : i32
    %add3A_38 = arith.addi %mul3A_2, %add3A_37 : i32
    "tpu.region"() ({
      %run_scoped3A = tpu.sem_alloc : memref<!tpu.dma_semaphore, #tpu.memory_space<semaphore_mem>>
      %dma_start3A_60 = arith.constant 0 : i32
      %dma_start3A_61 = tpu.memref_slice %arg7[%dma_start3A_60] : memref<128xi32, #tpu.memory_space<vmem>> -> memref<16xi32, #tpu.memory_space<vmem>>
      %dma_start3A_62 = tpu.memref_slice %arg3[%add3A_38] : memref<320000xi32, #tpu.memory_space<hbm>> -> memref<16xi32, #tpu.memory_space<hbm>>
      %dma_start3A_63 = arith.constant 0 : i32
      %dma_start3A_64 = tpu.memref_slice %arg7[%dma_start3A_63] : memref<128xi32, #tpu.memory_space<vmem>> -> memref<16xi32, #tpu.memory_space<vmem>>
      %dma_start3A_65 = tpu.memref_slice %arg3[%add3A_38] : memref<320000xi32, #tpu.memory_space<hbm>> -> memref<16xi32, #tpu.memory_space<hbm>>
      tpu.enqueue_dma source(%dma_start3A_65 : memref<16xi32, #tpu.memory_space<hbm>>) target(%dma_start3A_64 : memref<16xi32, #tpu.memory_space<vmem>>) target_semaphore(%run_scoped3A : memref<!tpu.dma_semaphore, #tpu.memory_space<semaphore_mem>>)
      %dma_wait3A_66 = arith.constant 0 : i32
      %dma_wait3A_67 = tpu.memref_slice %arg7[%dma_wait3A_66] : memref<128xi32, #tpu.memory_space<vmem>> -> memref<16xi32, #tpu.memory_space<vmem>>
      %dma_wait3A_68 = tpu.memref_slice %arg3[%add3A_38] : memref<320000xi32, #tpu.memory_space<hbm>> -> memref<16xi32, #tpu.memory_space<hbm>>
      %dma_wait3A_69 = arith.constant 0 : i32
      %dma_wait3A_70 = tpu.memref_slice %arg7[%dma_wait3A_69] : memref<128xi32, #tpu.memory_space<vmem>> -> memref<16xi32, #tpu.memory_space<vmem>>
      %dma_wait3A_71 = tpu.memref_slice %arg3[%add3A_38] : memref<320000xi32, #tpu.memory_space<hbm>> -> memref<16xi32, #tpu.memory_space<hbm>>
      tpu.wait_dma2 semaphore(%run_scoped3A : memref<!tpu.dma_semaphore, #tpu.memory_space<semaphore_mem>>) src(%dma_wait3A_71 : memref<16xi32, #tpu.memory_space<hbm>>) dst(%dma_wait3A_70 : memref<16xi32, #tpu.memory_space<vmem>>)
      tpu.yield
    }) : () -> ()
    %dma_start3A_39 = arith.constant 0 : i32
    %dma_start3A_40 = arith.constant 0 : i32
    %dma_start3A_41 = tpu.memref_slice %arg13[%dma_start3A_39, %dma_start3A_40] : memref<128x128xf32, #tpu.memory_space<vmem>> -> memref<16x128xf32, #tpu.memory_space<vmem>>
    %dma_start3A_42 = arith.constant 0 : i32
    %dma_start3A_43 = tpu.memref_slice %arg7[%dma_start3A_42] : memref<128xi32, #tpu.memory_space<vmem>> -> memref<16xi32, #tpu.memory_space<vmem>>
    %dma_start3A_44 = arith.constant 0 : i32
    %dma_start3A_45 = arith.constant 0 : i32
    %dma_start3A_46 = tpu.memref_slice %arg2[%dma_start3A_44, %dma_start3A_45] : memref<10000x128xf32, #tpu.memory_space<hbm>> -> memref<10000x128xf32, #tpu.memory_space<hbm>>
    tpu.enqueue_indirect_dma source(%dma_start3A_46 : memref<10000x128xf32, #tpu.memory_space<hbm>>) target(%dma_start3A_41 : memref<16x128xf32, #tpu.memory_space<vmem>>) offsets(%dma_start3A_43 : memref<16xi32, #tpu.memory_space<vmem>>) semaphore(%arg16 : memref<!tpu.dma_semaphore, #tpu.memory_space<semaphore_mem>>)
    %dma_wait3A_47 = arith.constant 0 : i32
    %dma_wait3A_48 = arith.constant 0 : i32
    %dma_wait3A_49 = tpu.memref_slice %arg13[%dma_wait3A_47, %dma_wait3A_48] : memref<128x128xf32, #tpu.memory_space<vmem>> -> memref<16x128xf32, #tpu.memory_space<vmem>>
    %dma_wait3A_50 = arith.constant 0 : i32
    %dma_wait3A_51 = tpu.memref_slice %arg7[%dma_wait3A_50] : memref<128xi32, #tpu.memory_space<vmem>> -> memref<16xi32, #tpu.memory_space<vmem>>
    %dma_wait3A_52 = arith.constant 0 : i32
    %dma_wait3A_53 = arith.constant 0 : i32
    %dma_wait3A_54 = tpu.memref_slice %arg2[%dma_wait3A_52, %dma_wait3A_53] : memref<10000x128xf32, #tpu.memory_space<hbm>> -> memref<10000x128xf32, #tpu.memory_space<hbm>>
    tpu.wait_indirect_dma semaphore(%arg16 : memref<!tpu.dma_semaphore, #tpu.memory_space<semaphore_mem>>) src(%dma_wait3A_54 : memref<10000x128xf32, #tpu.memory_space<hbm>>) dst(%dma_wait3A_49 : memref<16x128xf32, #tpu.memory_space<vmem>>)
    "tpu.region"() ({
      %run_scoped3A = tpu.sem_alloc : memref<!tpu.dma_semaphore, #tpu.memory_space<semaphore_mem>>
      %dma_start3A_60 = tpu.memref_slice %arg4[%add3A_38] : memref<320000xi32, #tpu.memory_space<hbm>> -> memref<16xi32, #tpu.memory_space<hbm>>
      %dma_start3A_61 = tpu.memref_slice %arg4[%add3A_38] : memref<320000xi32, #tpu.memory_space<hbm>> -> memref<16xi32, #tpu.memory_space<hbm>>
      tpu.enqueue_dma source(%dma_start3A_61 : memref<16xi32, #tpu.memory_space<hbm>>) target(%arg12 : memref<16xi32, #tpu.memory_space<vmem>>) target_semaphore(%run_scoped3A : memref<!tpu.dma_semaphore, #tpu.memory_space<semaphore_mem>>)
      %dma_wait3A_62 = tpu.memref_slice %arg4[%add3A_38] : memref<320000xi32, #tpu.memory_space<hbm>> -> memref<16xi32, #tpu.memory_space<hbm>>
      %dma_wait3A_63 = tpu.memref_slice %arg4[%add3A_38] : memref<320000xi32, #tpu.memory_space<hbm>> -> memref<16xi32, #tpu.memory_space<hbm>>
      tpu.wait_dma2 semaphore(%run_scoped3A : memref<!tpu.dma_semaphore, #tpu.memory_space<semaphore_mem>>) src(%dma_wait3A_63 : memref<16xi32, #tpu.memory_space<hbm>>) dst(%arg12 : memref<16xi32, #tpu.memory_space<vmem>>)
      tpu.yield
    }) : () -> ()
    "tpu.region"() ({
      %run_scoped3A = tpu.sem_alloc : memref<!tpu.dma_semaphore, #tpu.memory_space<semaphore_mem>>
      %dma_start3A_60 = arith.constant 0 : i32
      %dma_start3A_61 = arith.constant 0 : i32
      %dma_start3A_62 = tpu.memref_slice %arg13[%dma_start3A_60, %dma_start3A_61] : memref<128x128xf32, #tpu.memory_space<vmem>> -> memref<16x128xf32, #tpu.memory_space<vmem>>
      %dma_start3A_63 = arith.constant 0 : i32
      %dma_start3A_64 = arith.constant 0 : i32
      %dma_start3A_65 = tpu.memref_slice %arg15[%dma_start3A_63, %dma_start3A_64] : memref<10240x128xf32, #tpu.memory_space<vmem_shared>> -> memref<10240x128xf32, #tpu.memory_space<vmem_shared>>
      tpu.enqueue_indirect_dma source(%dma_start3A_62 : memref<16x128xf32, #tpu.memory_space<vmem>>) target(%dma_start3A_65 : memref<10240x128xf32, #tpu.memory_space<vmem_shared>>) offsets(%arg12 : memref<16xi32, #tpu.memory_space<vmem>>) semaphore(%run_scoped3A : memref<!tpu.dma_semaphore, #tpu.memory_space<semaphore_mem>>) {add = true}
      %dma_wait3A_66 = arith.constant 0 : i32
      %dma_wait3A_67 = arith.constant 0 : i32
      %dma_wait3A_68 = tpu.memref_slice %arg13[%dma_wait3A_66, %dma_wait3A_67] : memref<128x128xf32, #tpu.memory_space<vmem>> -> memref<16x128xf32, #tpu.memory_space<vmem>>
      %dma_wait3A_69 = arith.constant 0 : i32
      %dma_wait3A_70 = arith.constant 0 : i32
      %dma_wait3A_71 = tpu.memref_slice %arg15[%dma_wait3A_69, %dma_wait3A_70] : memref<10240x128xf32, #tpu.memory_space<vmem_shared>> -> memref<10240x128xf32, #tpu.memory_space<vmem_shared>>
      tpu.wait_indirect_dma semaphore(%run_scoped3A : memref<!tpu.dma_semaphore, #tpu.memory_space<semaphore_mem>>) src(%dma_wait3A_68 : memref<16x128xf32, #tpu.memory_space<vmem>>) dst(%dma_wait3A_71 : memref<10240x128xf32, #tpu.memory_space<vmem_shared>>)
      tpu.yield
    }) : () -> ()
    %barrier3A_55 = arith.constant 0 : index
    tpu.barrier barrier_id(%barrier3A_55)
    %mul3A_56 = arith.constant 640 : i32
    %mul3A_57 = arith.muli %arg1, %mul3A_56 : i32
    %mul3A_58 = arith.constant 640 : i32
    %mul3A_59 = arith.muli %arg1, %mul3A_58 : i32
    "tpu.region"() ({
      %run_scoped3A = tpu.sem_alloc : memref<!tpu.dma_semaphore, #tpu.memory_space<semaphore_mem>>
      %dma_start3A_60 = arith.constant 0 : i32
      %dma_start3A_61 = tpu.memref_slice %arg6[%arg0, %mul3A_59, %dma_start3A_60] : memref<2x10240x128xf32, #tpu.memory_space<hbm>> -> memref<1x640x128xf32, #tpu.memory_space<hbm>>
      %dma_start3A_62 = tpu.memref_squeeze %dma_start3A_61 : memref<1x640x128xf32, #tpu.memory_space<hbm>> -> memref<640x128xf32, #tpu.memory_space<hbm>>
      %dma_start3A_63 = arith.constant 0 : i32
      %dma_start3A_64 = tpu.memref_slice %arg15[%mul3A_57, %dma_start3A_63] : memref<10240x128xf32, #tpu.memory_space<vmem_shared>> -> memref<640x128xf32, #tpu.memory_space<vmem_shared>>
      tpu.enqueue_dma source(%dma_start3A_64 : memref<640x128xf32, #tpu.memory_space<vmem_shared>>) target(%dma_start3A_62 : memref<640x128xf32, #tpu.memory_space<hbm>>) target_semaphore(%run_scoped3A : memref<!tpu.dma_semaphore, #tpu.memory_space<semaphore_mem>>)
      %dma_wait3A_65 = arith.constant 0 : i32
      %dma_wait3A_66 = tpu.memref_slice %arg6[%arg0, %mul3A_59, %dma_wait3A_65] : memref<2x10240x128xf32, #tpu.memory_space<hbm>> -> memref<1x640x128xf32, #tpu.memory_space<hbm>>
      %dma_wait3A_67 = tpu.memref_squeeze %dma_wait3A_66 : memref<1x640x128xf32, #tpu.memory_space<hbm>> -> memref<640x128xf32, #tpu.memory_space<hbm>>
      %dma_wait3A_68 = arith.constant 0 : i32
      %dma_wait3A_69 = tpu.memref_slice %arg15[%mul3A_57, %dma_wait3A_68] : memref<10240x128xf32, #tpu.memory_space<vmem_shared>> -> memref<640x128xf32, #tpu.memory_space<vmem_shared>>
      tpu.wait_dma2 semaphore(%run_scoped3A : memref<!tpu.dma_semaphore, #tpu.memory_space<semaphore_mem>>) src(%dma_wait3A_69 : memref<640x128xf32, #tpu.memory_space<vmem_shared>>) dst(%dma_wait3A_67 : memref<640x128xf32, #tpu.memory_space<hbm>>)
      tpu.yield
    }) : () -> ()
    return
  }
}

#map = affine_map<(d0, d1) -> (0, 0)>
#map1 = affine_map<(d0, d1) -> (0)>
#map2 = affine_map<(d0, d1) -> (0, 0, 0)>
module attributes {stable_mosaic.version = 14 : i64} {
  func.func @_sc_scatter(%arg0: i32, %arg1: i32, %arg2: memref<10000x128xf32, #tpu.memory_space<hbm>>, %arg3: memref<320000xi32, #tpu.memory_space<hbm>>, %arg4: memref<320000xi32, #tpu.memory_space<hbm>>, %arg5: memref<640x128xf32, #tpu.memory_space<hbm>>, %arg6: memref<2x10240x128xf32, #tpu.memory_space<hbm>>, %arg7: memref<128xi32, #tpu.memory_space<vmem>>, %arg8: memref<128xi32, #tpu.memory_space<vmem>>, %arg9: memref<128xi32, #tpu.memory_space<vmem>>, %arg10: memref<128xi32, #tpu.memory_space<vmem>>, %arg11: memref<128xi32, #tpu.memory_space<vmem>>, %arg12: memref<16xi32, #tpu.memory_space<vmem>>, %arg13: memref<128x128xf32, #tpu.memory_space<vmem>>, %arg14: memref<128x128xf32, #tpu.memory_space<vmem>>, %arg15: memref<10240x128xf32, #tpu.memory_space<vmem_shared>>, %arg16: memref<!tpu.dma_semaphore, #tpu.memory_space<semaphore_mem>>, %arg17: memref<!tpu.dma_semaphore, #tpu.memory_space<semaphore_mem>>, %arg18: memref<!tpu.dma_semaphore, #tpu.memory_space<semaphore_mem>>) attributes {dimension_semantics = [#tpu.dimension_semantics<core_parallel>, #tpu.dimension_semantics<subcore_parallel>], iteration_bounds = array<i64: 2, 16>, scalar_prefetch = 0 : i64, scratch_operands = 12 : i64, tpu.core_type = #tpu.core_type<sc_vector_subcore>, window_params = [{transform_indices = #map}, {transform_indices = #map1}, {transform_indices = #map1}, {transform_indices = #map}, {transform_indices = #map2}]} {
    %mul3A = arith.constant 16 : i32
    %mul3A_0 = arith.muli %arg0, %mul3A : i32
    %add3A = arith.addi %mul3A_0, %arg1 : i32
    %mul3A_1 = arith.constant 10000 : i32
    %mul3A_2 = arith.muli %add3A, %mul3A_1 : i32
    %mul3A_3 = arith.constant 640 : i32
    %mul3A_4 = arith.muli %arg1, %mul3A_3 : i32
    %dma_start3A = arith.constant 0 : i32
    %dma_start3A_5 = tpu.memref_slice %arg15[%mul3A_4, %dma_start3A] : memref<10240x128xf32, #tpu.memory_space<vmem_shared>> -> memref<640x128xf32, #tpu.memory_space<vmem_shared>>
    tpu.enqueue_dma source(%arg5 : memref<640x128xf32, #tpu.memory_space<hbm>>) target(%dma_start3A_5 : memref<640x128xf32, #tpu.memory_space<vmem_shared>>) target_semaphore(%arg17 : memref<!tpu.dma_semaphore, #tpu.memory_space<semaphore_mem>>)
    %dma_start3A_6 = tpu.memref_slice %arg3[%mul3A_2] : memref<320000xi32, #tpu.memory_space<hbm>> -> memref<128xi32, #tpu.memory_space<hbm>>
    %dma_start3A_7 = tpu.memref_slice %arg3[%mul3A_2] : memref<320000xi32, #tpu.memory_space<hbm>> -> memref<128xi32, #tpu.memory_space<hbm>>
    tpu.enqueue_dma source(%dma_start3A_7 : memref<128xi32, #tpu.memory_space<hbm>>) target(%arg7 : memref<128xi32, #tpu.memory_space<vmem>>) target_semaphore(%arg18 : memref<!tpu.dma_semaphore, #tpu.memory_space<semaphore_mem>>)
    %dma_start3A_8 = tpu.memref_slice %arg4[%mul3A_2] : memref<320000xi32, #tpu.memory_space<hbm>> -> memref<128xi32, #tpu.memory_space<hbm>>
    %dma_start3A_9 = tpu.memref_slice %arg4[%mul3A_2] : memref<320000xi32, #tpu.memory_space<hbm>> -> memref<128xi32, #tpu.memory_space<hbm>>
    tpu.enqueue_dma source(%dma_start3A_9 : memref<128xi32, #tpu.memory_space<hbm>>) target(%arg9 : memref<128xi32, #tpu.memory_space<vmem>>) target_semaphore(%arg18 : memref<!tpu.dma_semaphore, #tpu.memory_space<semaphore_mem>>)
    %dma_wait3A = tpu.memref_slice %arg3[%mul3A_2] : memref<320000xi32, #tpu.memory_space<hbm>> -> memref<128xi32, #tpu.memory_space<hbm>>
    %dma_wait3A_10 = tpu.memref_slice %arg3[%mul3A_2] : memref<320000xi32, #tpu.memory_space<hbm>> -> memref<128xi32, #tpu.memory_space<hbm>>
    tpu.wait_dma2 semaphore(%arg18 : memref<!tpu.dma_semaphore, #tpu.memory_space<semaphore_mem>>) src(%dma_wait3A_10 : memref<128xi32, #tpu.memory_space<hbm>>) dst(%arg7 : memref<128xi32, #tpu.memory_space<vmem>>)
    %dma_start3A_11 = arith.constant 0 : i32
    %dma_start3A_12 = arith.constant 0 : i32
    %dma_start3A_13 = tpu.memref_slice %arg2[%dma_start3A_11, %dma_start3A_12] : memref<10000x128xf32, #tpu.memory_space<hbm>> -> memref<10000x128xf32, #tpu.memory_space<hbm>>
    tpu.enqueue_indirect_dma source(%dma_start3A_13 : memref<10000x128xf32, #tpu.memory_space<hbm>>) target(%arg13 : memref<128x128xf32, #tpu.memory_space<vmem>>) offsets(%arg7 : memref<128xi32, #tpu.memory_space<vmem>>) semaphore(%arg16 : memref<!tpu.dma_semaphore, #tpu.memory_space<semaphore_mem>>)
    %dma_wait3A_14 = tpu.memref_slice %arg4[%mul3A_2] : memref<320000xi32, #tpu.memory_space<hbm>> -> memref<128xi32, #tpu.memory_space<hbm>>
    %dma_wait3A_15 = tpu.memref_slice %arg4[%mul3A_2] : memref<320000xi32, #tpu.memory_space<hbm>> -> memref<128xi32, #tpu.memory_space<hbm>>
    tpu.wait_dma2 semaphore(%arg18 : memref<!tpu.dma_semaphore, #tpu.memory_space<semaphore_mem>>) src(%dma_wait3A_15 : memref<128xi32, #tpu.memory_space<hbm>>) dst(%arg9 : memref<128xi32, #tpu.memory_space<vmem>>)
    %mul3A_16 = arith.constant 640 : i32
    %mul3A_17 = arith.muli %arg1, %mul3A_16 : i32
    %dma_wait3A_18 = arith.constant 0 : i32
    %dma_wait3A_19 = tpu.memref_slice %arg15[%mul3A_17, %dma_wait3A_18] : memref<10240x128xf32, #tpu.memory_space<vmem_shared>> -> memref<640x128xf32, #tpu.memory_space<vmem_shared>>
    tpu.wait_dma2 semaphore(%arg17 : memref<!tpu.dma_semaphore, #tpu.memory_space<semaphore_mem>>) src(%arg5 : memref<640x128xf32, #tpu.memory_space<hbm>>) dst(%dma_wait3A_19 : memref<640x128xf32, #tpu.memory_space<vmem_shared>>)
    %barrier3A = arith.constant 0 : index
    tpu.barrier barrier_id(%barrier3A)
    %add3A_20 = arith.constant 128 : i32
    %add3A_21 = arith.addi %mul3A_2, %add3A_20 : i32
    %dma_start3A_22 = tpu.memref_slice %arg3[%add3A_21] : memref<320000xi32, #tpu.memory_space<hbm>> -> memref<128xi32, #tpu.memory_space<hbm>>
    %dma_start3A_23 = tpu.memref_slice %arg3[%add3A_21] : memref<320000xi32, #tpu.memory_space<hbm>> -> memref<128xi32, #tpu.memory_space<hbm>>
    tpu.enqueue_dma source(%dma_start3A_23 : memref<128xi32, #tpu.memory_space<hbm>>) target(%arg8 : memref<128xi32, #tpu.memory_space<vmem>>) target_semaphore(%arg18 : memref<!tpu.dma_semaphore, #tpu.memory_space<semaphore_mem>>)
    %add3A_24 = arith.constant 128 : i32
    %add3A_25 = arith.addi %mul3A_2, %add3A_24 : i32
    %dma_start3A_26 = tpu.memref_slice %arg4[%add3A_25] : memref<320000xi32, #tpu.memory_space<hbm>> -> memref<128xi32, #tpu.memory_space<hbm>>
    %dma_start3A_27 = tpu.memref_slice %arg4[%add3A_25] : memref<320000xi32, #tpu.memory_space<hbm>> -> memref<128xi32, #tpu.memory_space<hbm>>
    tpu.enqueue_dma source(%dma_start3A_27 : memref<128xi32, #tpu.memory_space<hbm>>) target(%arg10 : memref<128xi32, #tpu.memory_space<vmem>>) target_semaphore(%arg18 : memref<!tpu.dma_semaphore, #tpu.memory_space<semaphore_mem>>)
    %scan3A = arith.constant 0 : i32
    %scan3A_28 = arith.constant 0 : i32
    %scan3A_29 = arith.constant 13 : i32
    %scan3A_30 = arith.addi %scan3A_28, %scan3A_29 : i32
    %scan3A_31 = arith.constant 1 : i32
    %scan3A_32 = scf.for %scan3A_60 = %scan3A_28 to %scan3A_30 step %scan3A_31 iter_args(%scan3A_61 = %scan3A) -> (i32)  : i32 {
      %mul3A_62 = arith.constant 6 : i32
      %mul3A_63 = arith.muli %scan3A_60, %mul3A_62 : i32
      %add3A_64 = arith.constant 0 : i32
      %add3A_65 = arith.addi %mul3A_63, %add3A_64 : i32
      %mul3A_66 = arith.constant 128 : i32
      %mul3A_67 = arith.muli %add3A_65, %mul3A_66 : i32
      %add3A_68 = arith.addi %mul3A_2, %mul3A_67 : i32
      %add3A_69 = arith.constant 128 : i32
      %add3A_70 = arith.addi %add3A_68, %add3A_69 : i32
      %dma_wait3A_71 = tpu.memref_slice %arg3[%add3A_70] : memref<320000xi32, #tpu.memory_space<hbm>> -> memref<128xi32, #tpu.memory_space<hbm>>
      %dma_wait3A_72 = tpu.memref_slice %arg3[%add3A_70] : memref<320000xi32, #tpu.memory_space<hbm>> -> memref<128xi32, #tpu.memory_space<hbm>>
      tpu.wait_dma2 semaphore(%arg18 : memref<!tpu.dma_semaphore, #tpu.memory_space<semaphore_mem>>) src(%dma_wait3A_72 : memref<128xi32, #tpu.memory_space<hbm>>) dst(%arg8 : memref<128xi32, #tpu.memory_space<vmem>>)
      %add3A_73 = arith.constant 128 : i32
      %add3A_74 = arith.addi %add3A_68, %add3A_73 : i32
      %dma_wait3A_75 = tpu.memref_slice %arg4[%add3A_74] : memref<320000xi32, #tpu.memory_space<hbm>> -> memref<128xi32, #tpu.memory_space<hbm>>
      %dma_wait3A_76 = tpu.memref_slice %arg4[%add3A_74] : memref<320000xi32, #tpu.memory_space<hbm>> -> memref<128xi32, #tpu.memory_space<hbm>>
      tpu.wait_dma2 semaphore(%arg18 : memref<!tpu.dma_semaphore, #tpu.memory_space<semaphore_mem>>) src(%dma_wait3A_76 : memref<128xi32, #tpu.memory_space<hbm>>) dst(%arg10 : memref<128xi32, #tpu.memory_space<vmem>>)
      %dma_wait3A_77 = arith.constant 0 : i32
      %dma_wait3A_78 = arith.constant 0 : i32
      %dma_wait3A_79 = tpu.memref_slice %arg2[%dma_wait3A_77, %dma_wait3A_78] : memref<10000x128xf32, #tpu.memory_space<hbm>> -> memref<10000x128xf32, #tpu.memory_space<hbm>>
      tpu.wait_indirect_dma semaphore(%arg16 : memref<!tpu.dma_semaphore, #tpu.memory_space<semaphore_mem>>) src(%dma_wait3A_79 : memref<10000x128xf32, #tpu.memory_space<hbm>>) dst(%arg13 : memref<128x128xf32, #tpu.memory_space<vmem>>)
      %gt3A = arith.constant 0 : i32
      %gt3A_80 = arith.cmpi sgt, %scan3A_60, %gt3A : i32
      %convert_element_type3A = arith.extui %gt3A_80 : i1 to i32
      %cond3A = arith.constant 0 : i32
      %cond3A_81 = arith.cmpi ne, %convert_element_type3A, %cond3A : i32
      scf.if %cond3A_81 {
        %dma_wait3A_264 = arith.constant 0 : i32
        %dma_wait3A_265 = arith.constant 0 : i32
        %dma_wait3A_266 = tpu.memref_slice %arg15[%dma_wait3A_264, %dma_wait3A_265] : memref<10240x128xf32, #tpu.memory_space<vmem_shared>> -> memref<10240x128xf32, #tpu.memory_space<vmem_shared>>
        tpu.wait_indirect_dma semaphore(%arg17 : memref<!tpu.dma_semaphore, #tpu.memory_space<semaphore_mem>>) src(%arg14 : memref<128x128xf32, #tpu.memory_space<vmem>>) dst(%dma_wait3A_266 : memref<10240x128xf32, #tpu.memory_space<vmem_shared>>)
      } else {
      }
      %dma_start3A_82 = arith.constant 0 : i32
      %dma_start3A_83 = arith.constant 0 : i32
      %dma_start3A_84 = tpu.memref_slice %arg2[%dma_start3A_82, %dma_start3A_83] : memref<10000x128xf32, #tpu.memory_space<hbm>> -> memref<10000x128xf32, #tpu.memory_space<hbm>>
      tpu.enqueue_indirect_dma source(%dma_start3A_84 : memref<10000x128xf32, #tpu.memory_space<hbm>>) target(%arg14 : memref<128x128xf32, #tpu.memory_space<vmem>>) offsets(%arg8 : memref<128xi32, #tpu.memory_space<vmem>>) semaphore(%arg16 : memref<!tpu.dma_semaphore, #tpu.memory_space<semaphore_mem>>)
      %dma_start3A_85 = arith.constant 0 : i32
      %dma_start3A_86 = arith.constant 0 : i32
      %dma_start3A_87 = tpu.memref_slice %arg15[%dma_start3A_85, %dma_start3A_86] : memref<10240x128xf32, #tpu.memory_space<vmem_shared>> -> memref<10240x128xf32, #tpu.memory_space<vmem_shared>>
      tpu.enqueue_indirect_dma source(%arg13 : memref<128x128xf32, #tpu.memory_space<vmem>>) target(%dma_start3A_87 : memref<10240x128xf32, #tpu.memory_space<vmem_shared>>) offsets(%arg9 : memref<128xi32, #tpu.memory_space<vmem>>) semaphore(%arg17 : memref<!tpu.dma_semaphore, #tpu.memory_space<semaphore_mem>>) {add = true}
      %add3A_88 = arith.constant 256 : i32
      %add3A_89 = arith.addi %add3A_68, %add3A_88 : i32
      %dma_start3A_90 = tpu.memref_slice %arg3[%add3A_89] : memref<320000xi32, #tpu.memory_space<hbm>> -> memref<128xi32, #tpu.memory_space<hbm>>
      %dma_start3A_91 = tpu.memref_slice %arg3[%add3A_89] : memref<320000xi32, #tpu.memory_space<hbm>> -> memref<128xi32, #tpu.memory_space<hbm>>
      tpu.enqueue_dma source(%dma_start3A_91 : memref<128xi32, #tpu.memory_space<hbm>>) target(%arg7 : memref<128xi32, #tpu.memory_space<vmem>>) target_semaphore(%arg18 : memref<!tpu.dma_semaphore, #tpu.memory_space<semaphore_mem>>)
      %add3A_92 = arith.constant 256 : i32
      %add3A_93 = arith.addi %add3A_68, %add3A_92 : i32
      %dma_start3A_94 = tpu.memref_slice %arg4[%add3A_93] : memref<320000xi32, #tpu.memory_space<hbm>> -> memref<128xi32, #tpu.memory_space<hbm>>
      %dma_start3A_95 = tpu.memref_slice %arg4[%add3A_93] : memref<320000xi32, #tpu.memory_space<hbm>> -> memref<128xi32, #tpu.memory_space<hbm>>
      tpu.enqueue_dma source(%dma_start3A_95 : memref<128xi32, #tpu.memory_space<hbm>>) target(%arg11 : memref<128xi32, #tpu.memory_space<vmem>>) target_semaphore(%arg18 : memref<!tpu.dma_semaphore, #tpu.memory_space<semaphore_mem>>)
      %mul3A_96 = arith.constant 6 : i32
      %mul3A_97 = arith.muli %scan3A_60, %mul3A_96 : i32
      %add3A_98 = arith.constant 1 : i32
      %add3A_99 = arith.addi %mul3A_97, %add3A_98 : i32
      %mul3A_100 = arith.constant 128 : i32
      %mul3A_101 = arith.muli %add3A_99, %mul3A_100 : i32
      %add3A_102 = arith.addi %mul3A_2, %mul3A_101 : i32
      %add3A_103 = arith.constant 128 : i32
      %add3A_104 = arith.addi %add3A_102, %add3A_103 : i32
      %dma_wait3A_105 = tpu.memref_slice %arg3[%add3A_104] : memref<320000xi32, #tpu.memory_space<hbm>> -> memref<128xi32, #tpu.memory_space<hbm>>
      %dma_wait3A_106 = tpu.memref_slice %arg3[%add3A_104] : memref<320000xi32, #tpu.memory_space<hbm>> -> memref<128xi32, #tpu.memory_space<hbm>>
      tpu.wait_dma2 semaphore(%arg18 : memref<!tpu.dma_semaphore, #tpu.memory_space<semaphore_mem>>) src(%dma_wait3A_106 : memref<128xi32, #tpu.memory_space<hbm>>) dst(%arg7 : memref<128xi32, #tpu.memory_space<vmem>>)
      %add3A_107 = arith.constant 128 : i32
      %add3A_108 = arith.addi %add3A_102, %add3A_107 : i32
      %dma_wait3A_109 = tpu.memref_slice %arg4[%add3A_108] : memref<320000xi32, #tpu.memory_space<hbm>> -> memref<128xi32, #tpu.memory_space<hbm>>
      %dma_wait3A_110 = tpu.memref_slice %arg4[%add3A_108] : memref<320000xi32, #tpu.memory_space<hbm>> -> memref<128xi32, #tpu.memory_space<hbm>>
      tpu.wait_dma2 semaphore(%arg18 : memref<!tpu.dma_semaphore, #tpu.memory_space<semaphore_mem>>) src(%dma_wait3A_110 : memref<128xi32, #tpu.memory_space<hbm>>) dst(%arg11 : memref<128xi32, #tpu.memory_space<vmem>>)
      %dma_wait3A_111 = arith.constant 0 : i32
      %dma_wait3A_112 = arith.constant 0 : i32
      %dma_wait3A_113 = tpu.memref_slice %arg2[%dma_wait3A_111, %dma_wait3A_112] : memref<10000x128xf32, #tpu.memory_space<hbm>> -> memref<10000x128xf32, #tpu.memory_space<hbm>>
      tpu.wait_indirect_dma semaphore(%arg16 : memref<!tpu.dma_semaphore, #tpu.memory_space<semaphore_mem>>) src(%dma_wait3A_113 : memref<10000x128xf32, #tpu.memory_space<hbm>>) dst(%arg14 : memref<128x128xf32, #tpu.memory_space<vmem>>)
      %dma_wait3A_114 = arith.constant 0 : i32
      %dma_wait3A_115 = arith.constant 0 : i32
      %dma_wait3A_116 = tpu.memref_slice %arg15[%dma_wait3A_114, %dma_wait3A_115] : memref<10240x128xf32, #tpu.memory_space<vmem_shared>> -> memref<10240x128xf32, #tpu.memory_space<vmem_shared>>
      tpu.wait_indirect_dma semaphore(%arg17 : memref<!tpu.dma_semaphore, #tpu.memory_space<semaphore_mem>>) src(%arg13 : memref<128x128xf32, #tpu.memory_space<vmem>>) dst(%dma_wait3A_116 : memref<10240x128xf32, #tpu.memory_space<vmem_shared>>)
      %dma_start3A_117 = arith.constant 0 : i32
      %dma_start3A_118 = arith.constant 0 : i32
      %dma_start3A_119 = tpu.memref_slice %arg2[%dma_start3A_117, %dma_start3A_118] : memref<10000x128xf32, #tpu.memory_space<hbm>> -> memref<10000x128xf32, #tpu.memory_space<hbm>>
      tpu.enqueue_indirect_dma source(%dma_start3A_119 : memref<10000x128xf32, #tpu.memory_space<hbm>>) target(%arg13 : memref<128x128xf32, #tpu.memory_space<vmem>>) offsets(%arg7 : memref<128xi32, #tpu.memory_space<vmem>>) semaphore(%arg16 : memref<!tpu.dma_semaphore, #tpu.memory_space<semaphore_mem>>)
      %dma_start3A_120 = arith.constant 0 : i32
      %dma_start3A_121 = arith.constant 0 : i32
      %dma_start3A_122 = tpu.memref_slice %arg15[%dma_start3A_120, %dma_start3A_121] : memref<10240x128xf32, #tpu.memory_space<vmem_shared>> -> memref<10240x128xf32, #tpu.memory_space<vmem_shared>>
      tpu.enqueue_indirect_dma source(%arg14 : memref<128x128xf32, #tpu.memory_space<vmem>>) target(%dma_start3A_122 : memref<10240x128xf32, #tpu.memory_space<vmem_shared>>) offsets(%arg10 : memref<128xi32, #tpu.memory_space<vmem>>) semaphore(%arg17 : memref<!tpu.dma_semaphore, #tpu.memory_space<semaphore_mem>>) {add = true}
      %add3A_123 = arith.constant 256 : i32
      %add3A_124 = arith.addi %add3A_102, %add3A_123 : i32
      %dma_start3A_125 = tpu.memref_slice %arg3[%add3A_124] : memref<320000xi32, #tpu.memory_space<hbm>> -> memref<128xi32, #tpu.memory_space<hbm>>
      %dma_start3A_126 = tpu.memref_slice %arg3[%add3A_124] : memref<320000xi32, #tpu.memory_space<hbm>> -> memref<128xi32, #tpu.memory_space<hbm>>
      tpu.enqueue_dma source(%dma_start3A_126 : memref<128xi32, #tpu.memory_space<hbm>>) target(%arg8 : memref<128xi32, #tpu.memory_space<vmem>>) target_semaphore(%arg18 : memref<!tpu.dma_semaphore, #tpu.memory_space<semaphore_mem>>)
      %add3A_127 = arith.constant 256 : i32
      %add3A_128 = arith.addi %add3A_102, %add3A_127 : i32
      %dma_start3A_129 = tpu.memref_slice %arg4[%add3A_128] : memref<320000xi32, #tpu.memory_space<hbm>> -> memref<128xi32, #tpu.memory_space<hbm>>
      %dma_start3A_130 = tpu.memref_slice %arg4[%add3A_128] : memref<320000xi32, #tpu.memory_space<hbm>> -> memref<128xi32, #tpu.memory_space<hbm>>
      tpu.enqueue_dma source(%dma_start3A_130 : memref<128xi32, #tpu.memory_space<hbm>>) target(%arg9 : memref<128xi32, #tpu.memory_space<vmem>>) target_semaphore(%arg18 : memref<!tpu.dma_semaphore, #tpu.memory_space<semaphore_mem>>)
      %mul3A_131 = arith.constant 6 : i32
      %mul3A_132 = arith.muli %scan3A_60, %mul3A_131 : i32
      %add3A_133 = arith.constant 2 : i32
      %add3A_134 = arith.addi %mul3A_132, %add3A_133 : i32
      %mul3A_135 = arith.constant 128 : i32
      %mul3A_136 = arith.muli %add3A_134, %mul3A_135 : i32
      %add3A_137 = arith.addi %mul3A_2, %mul3A_136 : i32
      %add3A_138 = arith.constant 128 : i32
      %add3A_139 = arith.addi %add3A_137, %add3A_138 : i32
      %dma_wait3A_140 = tpu.memref_slice %arg3[%add3A_139] : memref<320000xi32, #tpu.memory_space<hbm>> -> memref<128xi32, #tpu.memory_space<hbm>>
      %dma_wait3A_141 = tpu.memref_slice %arg3[%add3A_139] : memref<320000xi32, #tpu.memory_space<hbm>> -> memref<128xi32, #tpu.memory_space<hbm>>
      tpu.wait_dma2 semaphore(%arg18 : memref<!tpu.dma_semaphore, #tpu.memory_space<semaphore_mem>>) src(%dma_wait3A_141 : memref<128xi32, #tpu.memory_space<hbm>>) dst(%arg8 : memref<128xi32, #tpu.memory_space<vmem>>)
      %add3A_142 = arith.constant 128 : i32
      %add3A_143 = arith.addi %add3A_137, %add3A_142 : i32
      %dma_wait3A_144 = tpu.memref_slice %arg4[%add3A_143] : memref<320000xi32, #tpu.memory_space<hbm>> -> memref<128xi32, #tpu.memory_space<hbm>>
      %dma_wait3A_145 = tpu.memref_slice %arg4[%add3A_143] : memref<320000xi32, #tpu.memory_space<hbm>> -> memref<128xi32, #tpu.memory_space<hbm>>
      tpu.wait_dma2 semaphore(%arg18 : memref<!tpu.dma_semaphore, #tpu.memory_space<semaphore_mem>>) src(%dma_wait3A_145 : memref<128xi32, #tpu.memory_space<hbm>>) dst(%arg9 : memref<128xi32, #tpu.memory_space<vmem>>)
      %dma_wait3A_146 = arith.constant 0 : i32
      %dma_wait3A_147 = arith.constant 0 : i32
      %dma_wait3A_148 = tpu.memref_slice %arg2[%dma_wait3A_146, %dma_wait3A_147] : memref<10000x128xf32, #tpu.memory_space<hbm>> -> memref<10000x128xf32, #tpu.memory_space<hbm>>
      tpu.wait_indirect_dma semaphore(%arg16 : memref<!tpu.dma_semaphore, #tpu.memory_space<semaphore_mem>>) src(%dma_wait3A_148 : memref<10000x128xf32, #tpu.memory_space<hbm>>) dst(%arg13 : memref<128x128xf32, #tpu.memory_space<vmem>>)
      %dma_wait3A_149 = arith.constant 0 : i32
      %dma_wait3A_150 = arith.constant 0 : i32
      %dma_wait3A_151 = tpu.memref_slice %arg15[%dma_wait3A_149, %dma_wait3A_150] : memref<10240x128xf32, #tpu.memory_space<vmem_shared>> -> memref<10240x128xf32, #tpu.memory_space<vmem_shared>>
      tpu.wait_indirect_dma semaphore(%arg17 : memref<!tpu.dma_semaphore, #tpu.memory_space<semaphore_mem>>) src(%arg14 : memref<128x128xf32, #tpu.memory_space<vmem>>) dst(%dma_wait3A_151 : memref<10240x128xf32, #tpu.memory_space<vmem_shared>>)
      %dma_start3A_152 = arith.constant 0 : i32
      %dma_start3A_153 = arith.constant 0 : i32
      %dma_start3A_154 = tpu.memref_slice %arg2[%dma_start3A_152, %dma_start3A_153] : memref<10000x128xf32, #tpu.memory_space<hbm>> -> memref<10000x128xf32, #tpu.memory_space<hbm>>
      tpu.enqueue_indirect_dma source(%dma_start3A_154 : memref<10000x128xf32, #tpu.memory_space<hbm>>) target(%arg14 : memref<128x128xf32, #tpu.memory_space<vmem>>) offsets(%arg8 : memref<128xi32, #tpu.memory_space<vmem>>) semaphore(%arg16 : memref<!tpu.dma_semaphore, #tpu.memory_space<semaphore_mem>>)
      %dma_start3A_155 = arith.constant 0 : i32
      %dma_start3A_156 = arith.constant 0 : i32
      %dma_start3A_157 = tpu.memref_slice %arg15[%dma_start3A_155, %dma_start3A_156] : memref<10240x128xf32, #tpu.memory_space<vmem_shared>> -> memref<10240x128xf32, #tpu.memory_space<vmem_shared>>
      tpu.enqueue_indirect_dma source(%arg13 : memref<128x128xf32, #tpu.memory_space<vmem>>) target(%dma_start3A_157 : memref<10240x128xf32, #tpu.memory_space<vmem_shared>>) offsets(%arg11 : memref<128xi32, #tpu.memory_space<vmem>>) semaphore(%arg17 : memref<!tpu.dma_semaphore, #tpu.memory_space<semaphore_mem>>) {add = true}
      %add3A_158 = arith.constant 256 : i32
      %add3A_159 = arith.addi %add3A_137, %add3A_158 : i32
      %dma_start3A_160 = tpu.memref_slice %arg3[%add3A_159] : memref<320000xi32, #tpu.memory_space<hbm>> -> memref<128xi32, #tpu.memory_space<hbm>>
      %dma_start3A_161 = tpu.memref_slice %arg3[%add3A_159] : memref<320000xi32, #tpu.memory_space<hbm>> -> memref<128xi32, #tpu.memory_space<hbm>>
      tpu.enqueue_dma source(%dma_start3A_161 : memref<128xi32, #tpu.memory_space<hbm>>) target(%arg7 : memref<128xi32, #tpu.memory_space<vmem>>) target_semaphore(%arg18 : memref<!tpu.dma_semaphore, #tpu.memory_space<semaphore_mem>>)
      %add3A_162 = arith.constant 256 : i32
      %add3A_163 = arith.addi %add3A_137, %add3A_162 : i32
      %dma_start3A_164 = tpu.memref_slice %arg4[%add3A_163] : memref<320000xi32, #tpu.memory_space<hbm>> -> memref<128xi32, #tpu.memory_space<hbm>>
      %dma_start3A_165 = tpu.memref_slice %arg4[%add3A_163] : memref<320000xi32, #tpu.memory_space<hbm>> -> memref<128xi32, #tpu.memory_space<hbm>>
      tpu.enqueue_dma source(%dma_start3A_165 : memref<128xi32, #tpu.memory_space<hbm>>) target(%arg10 : memref<128xi32, #tpu.memory_space<vmem>>) target_semaphore(%arg18 : memref<!tpu.dma_semaphore, #tpu.memory_space<semaphore_mem>>)
      %mul3A_166 = arith.constant 6 : i32
      %mul3A_167 = arith.muli %scan3A_60, %mul3A_166 : i32
      %add3A_168 = arith.constant 3 : i32
      %add3A_169 = arith.addi %mul3A_167, %add3A_168 : i32
      %mul3A_170 = arith.constant 128 : i32
      %mul3A_171 = arith.muli %add3A_169, %mul3A_170 : i32
      %add3A_172 = arith.addi %mul3A_2, %mul3A_171 : i32
      %add3A_173 = arith.constant 128 : i32
      %add3A_174 = arith.addi %add3A_172, %add3A_173 : i32
      %dma_wait3A_175 = tpu.memref_slice %arg3[%add3A_174] : memref<320000xi32, #tpu.memory_space<hbm>> -> memref<128xi32, #tpu.memory_space<hbm>>
      %dma_wait3A_176 = tpu.memref_slice %arg3[%add3A_174] : memref<320000xi32, #tpu.memory_space<hbm>> -> memref<128xi32, #tpu.memory_space<hbm>>
      tpu.wait_dma2 semaphore(%arg18 : memref<!tpu.dma_semaphore, #tpu.memory_space<semaphore_mem>>) src(%dma_wait3A_176 : memref<128xi32, #tpu.memory_space<hbm>>) dst(%arg7 : memref<128xi32, #tpu.memory_space<vmem>>)
      %add3A_177 = arith.constant 128 : i32
      %add3A_178 = arith.addi %add3A_172, %add3A_177 : i32
      %dma_wait3A_179 = tpu.memref_slice %arg4[%add3A_178] : memref<320000xi32, #tpu.memory_space<hbm>> -> memref<128xi32, #tpu.memory_space<hbm>>
      %dma_wait3A_180 = tpu.memref_slice %arg4[%add3A_178] : memref<320000xi32, #tpu.memory_space<hbm>> -> memref<128xi32, #tpu.memory_space<hbm>>
      tpu.wait_dma2 semaphore(%arg18 : memref<!tpu.dma_semaphore, #tpu.memory_space<semaphore_mem>>) src(%dma_wait3A_180 : memref<128xi32, #tpu.memory_space<hbm>>) dst(%arg10 : memref<128xi32, #tpu.memory_space<vmem>>)
      %dma_wait3A_181 = arith.constant 0 : i32
      %dma_wait3A_182 = arith.constant 0 : i32
      %dma_wait3A_183 = tpu.memref_slice %arg2[%dma_wait3A_181, %dma_wait3A_182] : memref<10000x128xf32, #tpu.memory_space<hbm>> -> memref<10000x128xf32, #tpu.memory_space<hbm>>
      tpu.wait_indirect_dma semaphore(%arg16 : memref<!tpu.dma_semaphore, #tpu.memory_space<semaphore_mem>>) src(%dma_wait3A_183 : memref<10000x128xf32, #tpu.memory_space<hbm>>) dst(%arg14 : memref<128x128xf32, #tpu.memory_space<vmem>>)
      %dma_wait3A_184 = arith.constant 0 : i32
      %dma_wait3A_185 = arith.constant 0 : i32
      %dma_wait3A_186 = tpu.memref_slice %arg15[%dma_wait3A_184, %dma_wait3A_185] : memref<10240x128xf32, #tpu.memory_space<vmem_shared>> -> memref<10240x128xf32, #tpu.memory_space<vmem_shared>>
      tpu.wait_indirect_dma semaphore(%arg17 : memref<!tpu.dma_semaphore, #tpu.memory_space<semaphore_mem>>) src(%arg13 : memref<128x128xf32, #tpu.memory_space<vmem>>) dst(%dma_wait3A_186 : memref<10240x128xf32, #tpu.memory_space<vmem_shared>>)
      %dma_start3A_187 = arith.constant 0 : i32
      %dma_start3A_188 = arith.constant 0 : i32
      %dma_start3A_189 = tpu.memref_slice %arg2[%dma_start3A_187, %dma_start3A_188] : memref<10000x128xf32, #tpu.memory_space<hbm>> -> memref<10000x128xf32, #tpu.memory_space<hbm>>
      tpu.enqueue_indirect_dma source(%dma_start3A_189 : memref<10000x128xf32, #tpu.memory_space<hbm>>) target(%arg13 : memref<128x128xf32, #tpu.memory_space<vmem>>) offsets(%arg7 : memref<128xi32, #tpu.memory_space<vmem>>) semaphore(%arg16 : memref<!tpu.dma_semaphore, #tpu.memory_space<semaphore_mem>>)
      %dma_start3A_190 = arith.constant 0 : i32
      %dma_start3A_191 = arith.constant 0 : i32
      %dma_start3A_192 = tpu.memref_slice %arg15[%dma_start3A_190, %dma_start3A_191] : memref<10240x128xf32, #tpu.memory_space<vmem_shared>> -> memref<10240x128xf32, #tpu.memory_space<vmem_shared>>
      tpu.enqueue_indirect_dma source(%arg14 : memref<128x128xf32, #tpu.memory_space<vmem>>) target(%dma_start3A_192 : memref<10240x128xf32, #tpu.memory_space<vmem_shared>>) offsets(%arg9 : memref<128xi32, #tpu.memory_space<vmem>>) semaphore(%arg17 : memref<!tpu.dma_semaphore, #tpu.memory_space<semaphore_mem>>) {add = true}
      %add3A_193 = arith.constant 256 : i32
      %add3A_194 = arith.addi %add3A_172, %add3A_193 : i32
      %dma_start3A_195 = tpu.memref_slice %arg3[%add3A_194] : memref<320000xi32, #tpu.memory_space<hbm>> -> memref<128xi32, #tpu.memory_space<hbm>>
      %dma_start3A_196 = tpu.memref_slice %arg3[%add3A_194] : memref<320000xi32, #tpu.memory_space<hbm>> -> memref<128xi32, #tpu.memory_space<hbm>>
      tpu.enqueue_dma source(%dma_start3A_196 : memref<128xi32, #tpu.memory_space<hbm>>) target(%arg8 : memref<128xi32, #tpu.memory_space<vmem>>) target_semaphore(%arg18 : memref<!tpu.dma_semaphore, #tpu.memory_space<semaphore_mem>>)
      %add3A_197 = arith.constant 256 : i32
      %add3A_198 = arith.addi %add3A_172, %add3A_197 : i32
      %dma_start3A_199 = tpu.memref_slice %arg4[%add3A_198] : memref<320000xi32, #tpu.memory_space<hbm>> -> memref<128xi32, #tpu.memory_space<hbm>>
      %dma_start3A_200 = tpu.memref_slice %arg4[%add3A_198] : memref<320000xi32, #tpu.memory_space<hbm>> -> memref<128xi32, #tpu.memory_space<hbm>>
      tpu.enqueue_dma source(%dma_start3A_200 : memref<128xi32, #tpu.memory_space<hbm>>) target(%arg11 : memref<128xi32, #tpu.memory_space<vmem>>) target_semaphore(%arg18 : memref<!tpu.dma_semaphore, #tpu.memory_space<semaphore_mem>>)
      %mul3A_201 = arith.constant 6 : i32
      %mul3A_202 = arith.muli %scan3A_60, %mul3A_201 : i32
      %add3A_203 = arith.constant 4 : i32
      %add3A_204 = arith.addi %mul3A_202, %add3A_203 : i32
      %mul3A_205 = arith.constant 128 : i32
      %mul3A_206 = arith.muli %add3A_204, %mul3A_205 : i32
      %add3A_207 = arith.addi %mul3A_2, %mul3A_206 : i32
      %add3A_208 = arith.constant 128 : i32
      %add3A_209 = arith.addi %add3A_207, %add3A_208 : i32
      %dma_wait3A_210 = tpu.memref_slice %arg3[%add3A_209] : memref<320000xi32, #tpu.memory_space<hbm>> -> memref<128xi32, #tpu.memory_space<hbm>>
      %dma_wait3A_211 = tpu.memref_slice %arg3[%add3A_209] : memref<320000xi32, #tpu.memory_space<hbm>> -> memref<128xi32, #tpu.memory_space<hbm>>
      tpu.wait_dma2 semaphore(%arg18 : memref<!tpu.dma_semaphore, #tpu.memory_space<semaphore_mem>>) src(%dma_wait3A_211 : memref<128xi32, #tpu.memory_space<hbm>>) dst(%arg8 : memref<128xi32, #tpu.memory_space<vmem>>)
      %add3A_212 = arith.constant 128 : i32
      %add3A_213 = arith.addi %add3A_207, %add3A_212 : i32
      %dma_wait3A_214 = tpu.memref_slice %arg4[%add3A_213] : memref<320000xi32, #tpu.memory_space<hbm>> -> memref<128xi32, #tpu.memory_space<hbm>>
      %dma_wait3A_215 = tpu.memref_slice %arg4[%add3A_213] : memref<320000xi32, #tpu.memory_space<hbm>> -> memref<128xi32, #tpu.memory_space<hbm>>
      tpu.wait_dma2 semaphore(%arg18 : memref<!tpu.dma_semaphore, #tpu.memory_space<semaphore_mem>>) src(%dma_wait3A_215 : memref<128xi32, #tpu.memory_space<hbm>>) dst(%arg11 : memref<128xi32, #tpu.memory_space<vmem>>)
      %dma_wait3A_216 = arith.constant 0 : i32
      %dma_wait3A_217 = arith.constant 0 : i32
      %dma_wait3A_218 = tpu.memref_slice %arg2[%dma_wait3A_216, %dma_wait3A_217] : memref<10000x128xf32, #tpu.memory_space<hbm>> -> memref<10000x128xf32, #tpu.memory_space<hbm>>
      tpu.wait_indirect_dma semaphore(%arg16 : memref<!tpu.dma_semaphore, #tpu.memory_space<semaphore_mem>>) src(%dma_wait3A_218 : memref<10000x128xf32, #tpu.memory_space<hbm>>) dst(%arg13 : memref<128x128xf32, #tpu.memory_space<vmem>>)
      %dma_wait3A_219 = arith.constant 0 : i32
      %dma_wait3A_220 = arith.constant 0 : i32
      %dma_wait3A_221 = tpu.memref_slice %arg15[%dma_wait3A_219, %dma_wait3A_220] : memref<10240x128xf32, #tpu.memory_space<vmem_shared>> -> memref<10240x128xf32, #tpu.memory_space<vmem_shared>>
      tpu.wait_indirect_dma semaphore(%arg17 : memref<!tpu.dma_semaphore, #tpu.memory_space<semaphore_mem>>) src(%arg14 : memref<128x128xf32, #tpu.memory_space<vmem>>) dst(%dma_wait3A_221 : memref<10240x128xf32, #tpu.memory_space<vmem_shared>>)
      %dma_start3A_222 = arith.constant 0 : i32
      %dma_start3A_223 = arith.constant 0 : i32
      %dma_start3A_224 = tpu.memref_slice %arg2[%dma_start3A_222, %dma_start3A_223] : memref<10000x128xf32, #tpu.memory_space<hbm>> -> memref<10000x128xf32, #tpu.memory_space<hbm>>
      tpu.enqueue_indirect_dma source(%dma_start3A_224 : memref<10000x128xf32, #tpu.memory_space<hbm>>) target(%arg14 : memref<128x128xf32, #tpu.memory_space<vmem>>) offsets(%arg8 : memref<128xi32, #tpu.memory_space<vmem>>) semaphore(%arg16 : memref<!tpu.dma_semaphore, #tpu.memory_space<semaphore_mem>>)
      %dma_start3A_225 = arith.constant 0 : i32
      %dma_start3A_226 = arith.constant 0 : i32
      %dma_start3A_227 = tpu.memref_slice %arg15[%dma_start3A_225, %dma_start3A_226] : memref<10240x128xf32, #tpu.memory_space<vmem_shared>> -> memref<10240x128xf32, #tpu.memory_space<vmem_shared>>
      tpu.enqueue_indirect_dma source(%arg13 : memref<128x128xf32, #tpu.memory_space<vmem>>) target(%dma_start3A_227 : memref<10240x128xf32, #tpu.memory_space<vmem_shared>>) offsets(%arg10 : memref<128xi32, #tpu.memory_space<vmem>>) semaphore(%arg17 : memref<!tpu.dma_semaphore, #tpu.memory_space<semaphore_mem>>) {add = true}
      %lt3A = arith.constant 12 : i32
      %lt3A_228 = arith.cmpi slt, %scan3A_60, %lt3A : i32
      %convert_element_type3A_229 = arith.extui %lt3A_228 : i1 to i32
      %cond3A_230 = arith.constant 0 : i32
      %cond3A_231 = arith.cmpi ne, %convert_element_type3A_229, %cond3A_230 : i32
      scf.if %cond3A_231 {
        %add3A_264 = arith.constant 256 : i32
        %add3A_265 = arith.addi %add3A_207, %add3A_264 : i32
        %dma_start3A_266 = tpu.memref_slice %arg3[%add3A_265] : memref<320000xi32, #tpu.memory_space<hbm>> -> memref<128xi32, #tpu.memory_space<hbm>>
        %dma_start3A_267 = tpu.memref_slice %arg3[%add3A_265] : memref<320000xi32, #tpu.memory_space<hbm>> -> memref<128xi32, #tpu.memory_space<hbm>>
        tpu.enqueue_dma source(%dma_start3A_267 : memref<128xi32, #tpu.memory_space<hbm>>) target(%arg7 : memref<128xi32, #tpu.memory_space<vmem>>) target_semaphore(%arg18 : memref<!tpu.dma_semaphore, #tpu.memory_space<semaphore_mem>>)
        %add3A_268 = arith.constant 256 : i32
        %add3A_269 = arith.addi %add3A_207, %add3A_268 : i32
        %dma_start3A_270 = tpu.memref_slice %arg4[%add3A_269] : memref<320000xi32, #tpu.memory_space<hbm>> -> memref<128xi32, #tpu.memory_space<hbm>>
        %dma_start3A_271 = tpu.memref_slice %arg4[%add3A_269] : memref<320000xi32, #tpu.memory_space<hbm>> -> memref<128xi32, #tpu.memory_space<hbm>>
        tpu.enqueue_dma source(%dma_start3A_271 : memref<128xi32, #tpu.memory_space<hbm>>) target(%arg9 : memref<128xi32, #tpu.memory_space<vmem>>) target_semaphore(%arg18 : memref<!tpu.dma_semaphore, #tpu.memory_space<semaphore_mem>>)
      } else {
      }
      %mul3A_232 = arith.constant 6 : i32
      %mul3A_233 = arith.muli %scan3A_60, %mul3A_232 : i32
      %add3A_234 = arith.constant 5 : i32
      %add3A_235 = arith.addi %mul3A_233, %add3A_234 : i32
      %mul3A_236 = arith.constant 128 : i32
      %mul3A_237 = arith.muli %add3A_235, %mul3A_236 : i32
      %add3A_238 = arith.addi %mul3A_2, %mul3A_237 : i32
      %lt3A_239 = arith.constant 12 : i32
      %lt3A_240 = arith.cmpi slt, %scan3A_60, %lt3A_239 : i32
      %convert_element_type3A_241 = arith.extui %lt3A_240 : i1 to i32
      %cond3A_242 = arith.constant 0 : i32
      %cond3A_243 = arith.cmpi ne, %convert_element_type3A_241, %cond3A_242 : i32
      scf.if %cond3A_243 {
        %add3A_264 = arith.constant 128 : i32
        %add3A_265 = arith.addi %add3A_238, %add3A_264 : i32
        %dma_wait3A_266 = tpu.memref_slice %arg3[%add3A_265] : memref<320000xi32, #tpu.memory_space<hbm>> -> memref<128xi32, #tpu.memory_space<hbm>>
        %dma_wait3A_267 = tpu.memref_slice %arg3[%add3A_265] : memref<320000xi32, #tpu.memory_space<hbm>> -> memref<128xi32, #tpu.memory_space<hbm>>
        tpu.wait_dma2 semaphore(%arg18 : memref<!tpu.dma_semaphore, #tpu.memory_space<semaphore_mem>>) src(%dma_wait3A_267 : memref<128xi32, #tpu.memory_space<hbm>>) dst(%arg7 : memref<128xi32, #tpu.memory_space<vmem>>)
        %add3A_268 = arith.constant 128 : i32
        %add3A_269 = arith.addi %add3A_238, %add3A_268 : i32
        %dma_wait3A_270 = tpu.memref_slice %arg4[%add3A_269] : memref<320000xi32, #tpu.memory_space<hbm>> -> memref<128xi32, #tpu.memory_space<hbm>>
        %dma_wait3A_271 = tpu.memref_slice %arg4[%add3A_269] : memref<320000xi32, #tpu.memory_space<hbm>> -> memref<128xi32, #tpu.memory_space<hbm>>
        tpu.wait_dma2 semaphore(%arg18 : memref<!tpu.dma_semaphore, #tpu.memory_space<semaphore_mem>>) src(%dma_wait3A_271 : memref<128xi32, #tpu.memory_space<hbm>>) dst(%arg9 : memref<128xi32, #tpu.memory_space<vmem>>)
      } else {
      }
      %dma_wait3A_244 = arith.constant 0 : i32
      %dma_wait3A_245 = arith.constant 0 : i32
      %dma_wait3A_246 = tpu.memref_slice %arg2[%dma_wait3A_244, %dma_wait3A_245] : memref<10000x128xf32, #tpu.memory_space<hbm>> -> memref<10000x128xf32, #tpu.memory_space<hbm>>
      tpu.wait_indirect_dma semaphore(%arg16 : memref<!tpu.dma_semaphore, #tpu.memory_space<semaphore_mem>>) src(%dma_wait3A_246 : memref<10000x128xf32, #tpu.memory_space<hbm>>) dst(%arg14 : memref<128x128xf32, #tpu.memory_space<vmem>>)
      %dma_wait3A_247 = arith.constant 0 : i32
      %dma_wait3A_248 = arith.constant 0 : i32
      %dma_wait3A_249 = tpu.memref_slice %arg15[%dma_wait3A_247, %dma_wait3A_248] : memref<10240x128xf32, #tpu.memory_space<vmem_shared>> -> memref<10240x128xf32, #tpu.memory_space<vmem_shared>>
      tpu.wait_indirect_dma semaphore(%arg17 : memref<!tpu.dma_semaphore, #tpu.memory_space<semaphore_mem>>) src(%arg13 : memref<128x128xf32, #tpu.memory_space<vmem>>) dst(%dma_wait3A_249 : memref<10240x128xf32, #tpu.memory_space<vmem_shared>>)
      %lt3A_250 = arith.constant 12 : i32
      %lt3A_251 = arith.cmpi slt, %scan3A_60, %lt3A_250 : i32
      %convert_element_type3A_252 = arith.extui %lt3A_251 : i1 to i32
      %cond3A_253 = arith.constant 0 : i32
      %cond3A_254 = arith.cmpi ne, %convert_element_type3A_252, %cond3A_253 : i32
      scf.if %cond3A_254 {
        %dma_start3A_264 = arith.constant 0 : i32
        %dma_start3A_265 = arith.constant 0 : i32
        %dma_start3A_266 = tpu.memref_slice %arg2[%dma_start3A_264, %dma_start3A_265] : memref<10000x128xf32, #tpu.memory_space<hbm>> -> memref<10000x128xf32, #tpu.memory_space<hbm>>
        tpu.enqueue_indirect_dma source(%dma_start3A_266 : memref<10000x128xf32, #tpu.memory_space<hbm>>) target(%arg13 : memref<128x128xf32, #tpu.memory_space<vmem>>) offsets(%arg7 : memref<128xi32, #tpu.memory_space<vmem>>) semaphore(%arg16 : memref<!tpu.dma_semaphore, #tpu.memory_space<semaphore_mem>>)
      } else {
      }
      %dma_start3A_255 = arith.constant 0 : i32
      %dma_start3A_256 = arith.constant 0 : i32
      %dma_start3A_257 = tpu.memref_slice %arg15[%dma_start3A_255, %dma_start3A_256] : memref<10240x128xf32, #tpu.memory_space<vmem_shared>> -> memref<10240x128xf32, #tpu.memory_space<vmem_shared>>
      tpu.enqueue_indirect_dma source(%arg14 : memref<128x128xf32, #tpu.memory_space<vmem>>) target(%dma_start3A_257 : memref<10240x128xf32, #tpu.memory_space<vmem_shared>>) offsets(%arg11 : memref<128xi32, #tpu.memory_space<vmem>>) semaphore(%arg17 : memref<!tpu.dma_semaphore, #tpu.memory_space<semaphore_mem>>) {add = true}
      %lt3A_258 = arith.constant 12 : i32
      %lt3A_259 = arith.cmpi slt, %scan3A_60, %lt3A_258 : i32
      %convert_element_type3A_260 = arith.extui %lt3A_259 : i1 to i32
      %cond3A_261 = arith.constant 0 : i32
      %cond3A_262 = arith.cmpi ne, %convert_element_type3A_260, %cond3A_261 : i32
      scf.if %cond3A_262 {
        %add3A_264 = arith.constant 256 : i32
        %add3A_265 = arith.addi %add3A_238, %add3A_264 : i32
        %dma_start3A_266 = tpu.memref_slice %arg3[%add3A_265] : memref<320000xi32, #tpu.memory_space<hbm>> -> memref<128xi32, #tpu.memory_space<hbm>>
        %dma_start3A_267 = tpu.memref_slice %arg3[%add3A_265] : memref<320000xi32, #tpu.memory_space<hbm>> -> memref<128xi32, #tpu.memory_space<hbm>>
        tpu.enqueue_dma source(%dma_start3A_267 : memref<128xi32, #tpu.memory_space<hbm>>) target(%arg8 : memref<128xi32, #tpu.memory_space<vmem>>) target_semaphore(%arg18 : memref<!tpu.dma_semaphore, #tpu.memory_space<semaphore_mem>>)
        %add3A_268 = arith.constant 256 : i32
        %add3A_269 = arith.addi %add3A_238, %add3A_268 : i32
        %dma_start3A_270 = tpu.memref_slice %arg4[%add3A_269] : memref<320000xi32, #tpu.memory_space<hbm>> -> memref<128xi32, #tpu.memory_space<hbm>>
        %dma_start3A_271 = tpu.memref_slice %arg4[%add3A_269] : memref<320000xi32, #tpu.memory_space<hbm>> -> memref<128xi32, #tpu.memory_space<hbm>>
        tpu.enqueue_dma source(%dma_start3A_271 : memref<128xi32, #tpu.memory_space<hbm>>) target(%arg10 : memref<128xi32, #tpu.memory_space<vmem>>) target_semaphore(%arg18 : memref<!tpu.dma_semaphore, #tpu.memory_space<semaphore_mem>>)
      } else {
      }
      %scan3A_263 = arith.constant 0 : i32
      scf.yield %scan3A_263 : i32
    }
    %scan3A_33 = arith.constant 13 : i32
    %dma_wait3A_34 = arith.constant 0 : i32
    %dma_wait3A_35 = arith.constant 0 : i32
    %dma_wait3A_36 = tpu.memref_slice %arg15[%dma_wait3A_34, %dma_wait3A_35] : memref<10240x128xf32, #tpu.memory_space<vmem_shared>> -> memref<10240x128xf32, #tpu.memory_space<vmem_shared>>
    tpu.wait_indirect_dma semaphore(%arg17 : memref<!tpu.dma_semaphore, #tpu.memory_space<semaphore_mem>>) src(%arg14 : memref<128x128xf32, #tpu.memory_space<vmem>>) dst(%dma_wait3A_36 : memref<10240x128xf32, #tpu.memory_space<vmem_shared>>)
    %add3A_37 = arith.constant 9984 : i32
    %add3A_38 = arith.addi %mul3A_2, %add3A_37 : i32
    "tpu.region"() ({
      %run_scoped3A = tpu.sem_alloc : memref<!tpu.dma_semaphore, #tpu.memory_space<semaphore_mem>>
      %dma_start3A_60 = arith.constant 0 : i32
      %dma_start3A_61 = tpu.memref_slice %arg7[%dma_start3A_60] : memref<128xi32, #tpu.memory_space<vmem>> -> memref<16xi32, #tpu.memory_space<vmem>>
      %dma_start3A_62 = tpu.memref_slice %arg3[%add3A_38] : memref<320000xi32, #tpu.memory_space<hbm>> -> memref<16xi32, #tpu.memory_space<hbm>>
      %dma_start3A_63 = arith.constant 0 : i32
      %dma_start3A_64 = tpu.memref_slice %arg7[%dma_start3A_63] : memref<128xi32, #tpu.memory_space<vmem>> -> memref<16xi32, #tpu.memory_space<vmem>>
      %dma_start3A_65 = tpu.memref_slice %arg3[%add3A_38] : memref<320000xi32, #tpu.memory_space<hbm>> -> memref<16xi32, #tpu.memory_space<hbm>>
      tpu.enqueue_dma source(%dma_start3A_65 : memref<16xi32, #tpu.memory_space<hbm>>) target(%dma_start3A_64 : memref<16xi32, #tpu.memory_space<vmem>>) target_semaphore(%run_scoped3A : memref<!tpu.dma_semaphore, #tpu.memory_space<semaphore_mem>>)
      %dma_wait3A_66 = arith.constant 0 : i32
      %dma_wait3A_67 = tpu.memref_slice %arg7[%dma_wait3A_66] : memref<128xi32, #tpu.memory_space<vmem>> -> memref<16xi32, #tpu.memory_space<vmem>>
      %dma_wait3A_68 = tpu.memref_slice %arg3[%add3A_38] : memref<320000xi32, #tpu.memory_space<hbm>> -> memref<16xi32, #tpu.memory_space<hbm>>
      %dma_wait3A_69 = arith.constant 0 : i32
      %dma_wait3A_70 = tpu.memref_slice %arg7[%dma_wait3A_69] : memref<128xi32, #tpu.memory_space<vmem>> -> memref<16xi32, #tpu.memory_space<vmem>>
      %dma_wait3A_71 = tpu.memref_slice %arg3[%add3A_38] : memref<320000xi32, #tpu.memory_space<hbm>> -> memref<16xi32, #tpu.memory_space<hbm>>
      tpu.wait_dma2 semaphore(%run_scoped3A : memref<!tpu.dma_semaphore, #tpu.memory_space<semaphore_mem>>) src(%dma_wait3A_71 : memref<16xi32, #tpu.memory_space<hbm>>) dst(%dma_wait3A_70 : memref<16xi32, #tpu.memory_space<vmem>>)
      tpu.yield
    }) : () -> ()
    %dma_start3A_39 = arith.constant 0 : i32
    %dma_start3A_40 = arith.constant 0 : i32
    %dma_start3A_41 = tpu.memref_slice %arg13[%dma_start3A_39, %dma_start3A_40] : memref<128x128xf32, #tpu.memory_space<vmem>> -> memref<16x128xf32, #tpu.memory_space<vmem>>
    %dma_start3A_42 = arith.constant 0 : i32
    %dma_start3A_43 = tpu.memref_slice %arg7[%dma_start3A_42] : memref<128xi32, #tpu.memory_space<vmem>> -> memref<16xi32, #tpu.memory_space<vmem>>
    %dma_start3A_44 = arith.constant 0 : i32
    %dma_start3A_45 = arith.constant 0 : i32
    %dma_start3A_46 = tpu.memref_slice %arg2[%dma_start3A_44, %dma_start3A_45] : memref<10000x128xf32, #tpu.memory_space<hbm>> -> memref<10000x128xf32, #tpu.memory_space<hbm>>
    tpu.enqueue_indirect_dma source(%dma_start3A_46 : memref<10000x128xf32, #tpu.memory_space<hbm>>) target(%dma_start3A_41 : memref<16x128xf32, #tpu.memory_space<vmem>>) offsets(%dma_start3A_43 : memref<16xi32, #tpu.memory_space<vmem>>) semaphore(%arg16 : memref<!tpu.dma_semaphore, #tpu.memory_space<semaphore_mem>>)
    %dma_wait3A_47 = arith.constant 0 : i32
    %dma_wait3A_48 = arith.constant 0 : i32
    %dma_wait3A_49 = tpu.memref_slice %arg13[%dma_wait3A_47, %dma_wait3A_48] : memref<128x128xf32, #tpu.memory_space<vmem>> -> memref<16x128xf32, #tpu.memory_space<vmem>>
    %dma_wait3A_50 = arith.constant 0 : i32
    %dma_wait3A_51 = tpu.memref_slice %arg7[%dma_wait3A_50] : memref<128xi32, #tpu.memory_space<vmem>> -> memref<16xi32, #tpu.memory_space<vmem>>
    %dma_wait3A_52 = arith.constant 0 : i32
    %dma_wait3A_53 = arith.constant 0 : i32
    %dma_wait3A_54 = tpu.memref_slice %arg2[%dma_wait3A_52, %dma_wait3A_53] : memref<10000x128xf32, #tpu.memory_space<hbm>> -> memref<10000x128xf32, #tpu.memory_space<hbm>>
    tpu.wait_indirect_dma semaphore(%arg16 : memref<!tpu.dma_semaphore, #tpu.memory_space<semaphore_mem>>) src(%dma_wait3A_54 : memref<10000x128xf32, #tpu.memory_space<hbm>>) dst(%dma_wait3A_49 : memref<16x128xf32, #tpu.memory_space<vmem>>)
    "tpu.region"() ({
      %run_scoped3A = tpu.sem_alloc : memref<!tpu.dma_semaphore, #tpu.memory_space<semaphore_mem>>
      %dma_start3A_60 = tpu.memref_slice %arg4[%add3A_38] : memref<320000xi32, #tpu.memory_space<hbm>> -> memref<16xi32, #tpu.memory_space<hbm>>
      %dma_start3A_61 = tpu.memref_slice %arg4[%add3A_38] : memref<320000xi32, #tpu.memory_space<hbm>> -> memref<16xi32, #tpu.memory_space<hbm>>
      tpu.enqueue_dma source(%dma_start3A_61 : memref<16xi32, #tpu.memory_space<hbm>>) target(%arg12 : memref<16xi32, #tpu.memory_space<vmem>>) target_semaphore(%run_scoped3A : memref<!tpu.dma_semaphore, #tpu.memory_space<semaphore_mem>>)
      %dma_wait3A_62 = tpu.memref_slice %arg4[%add3A_38] : memref<320000xi32, #tpu.memory_space<hbm>> -> memref<16xi32, #tpu.memory_space<hbm>>
      %dma_wait3A_63 = tpu.memref_slice %arg4[%add3A_38] : memref<320000xi32, #tpu.memory_space<hbm>> -> memref<16xi32, #tpu.memory_space<hbm>>
      tpu.wait_dma2 semaphore(%run_scoped3A : memref<!tpu.dma_semaphore, #tpu.memory_space<semaphore_mem>>) src(%dma_wait3A_63 : memref<16xi32, #tpu.memory_space<hbm>>) dst(%arg12 : memref<16xi32, #tpu.memory_space<vmem>>)
      tpu.yield
    }) : () -> ()
    "tpu.region"() ({
      %run_scoped3A = tpu.sem_alloc : memref<!tpu.dma_semaphore, #tpu.memory_space<semaphore_mem>>
      %dma_start3A_60 = arith.constant 0 : i32
      %dma_start3A_61 = arith.constant 0 : i32
      %dma_start3A_62 = tpu.memref_slice %arg13[%dma_start3A_60, %dma_start3A_61] : memref<128x128xf32, #tpu.memory_space<vmem>> -> memref<16x128xf32, #tpu.memory_space<vmem>>
      %dma_start3A_63 = arith.constant 0 : i32
      %dma_start3A_64 = arith.constant 0 : i32
      %dma_start3A_65 = tpu.memref_slice %arg15[%dma_start3A_63, %dma_start3A_64] : memref<10240x128xf32, #tpu.memory_space<vmem_shared>> -> memref<10240x128xf32, #tpu.memory_space<vmem_shared>>
      tpu.enqueue_indirect_dma source(%dma_start3A_62 : memref<16x128xf32, #tpu.memory_space<vmem>>) target(%dma_start3A_65 : memref<10240x128xf32, #tpu.memory_space<vmem_shared>>) offsets(%arg12 : memref<16xi32, #tpu.memory_space<vmem>>) semaphore(%run_scoped3A : memref<!tpu.dma_semaphore, #tpu.memory_space<semaphore_mem>>) {add = true}
      %dma_wait3A_66 = arith.constant 0 : i32
      %dma_wait3A_67 = arith.constant 0 : i32
      %dma_wait3A_68 = tpu.memref_slice %arg13[%dma_wait3A_66, %dma_wait3A_67] : memref<128x128xf32, #tpu.memory_space<vmem>> -> memref<16x128xf32, #tpu.memory_space<vmem>>
      %dma_wait3A_69 = arith.constant 0 : i32
      %dma_wait3A_70 = arith.constant 0 : i32
      %dma_wait3A_71 = tpu.memref_slice %arg15[%dma_wait3A_69, %dma_wait3A_70] : memref<10240x128xf32, #tpu.memory_space<vmem_shared>> -> memref<10240x128xf32, #tpu.memory_space<vmem_shared>>
      tpu.wait_indirect_dma semaphore(%run_scoped3A : memref<!tpu.dma_semaphore, #tpu.memory_space<semaphore_mem>>) src(%dma_wait3A_68 : memref<16x128xf32, #tpu.memory_space<vmem>>) dst(%dma_wait3A_71 : memref<10240x128xf32, #tpu.memory_space<vmem_shared>>)
      tpu.yield
    }) : () -> ()
    %barrier3A_55 = arith.constant 0 : index
    tpu.barrier barrier_id(%barrier3A_55)
    %mul3A_56 = arith.constant 640 : i32
    %mul3A_57 = arith.muli %arg1, %mul3A_56 : i32
    %mul3A_58 = arith.constant 640 : i32
    %mul3A_59 = arith.muli %arg1, %mul3A_58 : i32
    "tpu.region"() ({
      %run_scoped3A = tpu.sem_alloc : memref<!tpu.dma_semaphore, #tpu.memory_space<semaphore_mem>>
      %dma_start3A_60 = arith.constant 0 : i32
      %dma_start3A_61 = tpu.memref_slice %arg6[%arg0, %mul3A_59, %dma_start3A_60] : memref<2x10240x128xf32, #tpu.memory_space<hbm>> -> memref<1x640x128xf32, #tpu.memory_space<hbm>>
      %dma_start3A_62 = tpu.memref_squeeze %dma_start3A_61 : memref<1x640x128xf32, #tpu.memory_space<hbm>> -> memref<640x128xf32, #tpu.memory_space<hbm>>
      %dma_start3A_63 = arith.constant 0 : i32
      %dma_start3A_64 = tpu.memref_slice %arg15[%mul3A_57, %dma_start3A_63] : memref<10240x128xf32, #tpu.memory_space<vmem_shared>> -> memref<640x128xf32, #tpu.memory_space<vmem_shared>>
      tpu.enqueue_dma source(%dma_start3A_64 : memref<640x128xf32, #tpu.memory_space<vmem_shared>>) target(%dma_start3A_62 : memref<640x128xf32, #tpu.memory_space<hbm>>) target_semaphore(%run_scoped3A : memref<!tpu.dma_semaphore, #tpu.memory_space<semaphore_mem>>)
      %dma_wait3A_65 = arith.constant 0 : i32
      %dma_wait3A_66 = tpu.memref_slice %arg6[%arg0, %mul3A_59, %dma_wait3A_65] : memref<2x10240x128xf32, #tpu.memory_space<hbm>> -> memref<1x640x128xf32, #tpu.memory_space<hbm>>
      %dma_wait3A_67 = tpu.memref_squeeze %dma_wait3A_66 : memref<1x640x128xf32, #tpu.memory_space<hbm>> -> memref<640x128xf32, #tpu.memory_space<hbm>>
      %dma_wait3A_68 = arith.constant 0 : i32
      %dma_wait3A_69 = tpu.memref_slice %arg15[%mul3A_57, %dma_wait3A_68] : memref<10240x128xf32, #tpu.memory_space<vmem_shared>> -> memref<640x128xf32, #tpu.memory_space<vmem_shared>>
      tpu.wait_dma2 semaphore(%run_scoped3A : memref<!tpu.dma_semaphore, #tpu.memory_space<semaphore_mem>>) src(%dma_wait3A_69 : memref<640x128xf32, #tpu.memory_space<vmem_shared>>) dst(%dma_wait3A_67 : memref<640x128xf32, #tpu.memory_space<hbm>>)
      tpu.yield
    }) : () -> ()
    return
  }
}

#map = affine_map<(d0, d1) -> (0)>
#map1 = affine_map<(d0, d1) -> (0, 0, 0)>
module attributes {stable_mosaic.version = 14 : i64} {
  func.func @_sc_deg(%arg0: i32, %arg1: i32, %arg2: memref<320000xi32, #tpu.memory_space<hbm>>, %arg3: memref<10240xf32, #tpu.memory_space<hbm>>, %arg4: memref<10x32x1024xf32, #tpu.memory_space<hbm>>, %arg5: memref<10000xi32, #tpu.memory_space<vmem>>, %arg6: memref<10240xf32, #tpu.memory_space<vmem>>) attributes {dimension_semantics = [#tpu.dimension_semantics<core_parallel>, #tpu.dimension_semantics<subcore_parallel>], iteration_bounds = array<i64: 2, 16>, scalar_prefetch = 0 : i64, scratch_operands = 2 : i64, tpu.core_type = #tpu.core_type<sc_vector_subcore>, window_params = [{transform_indices = #map}, {transform_indices = #map}, {transform_indices = #map1}]} {
    %mul3A = arith.constant 16 : i32
    %mul3A_0 = arith.muli %arg0, %mul3A : i32
    %add3A = arith.addi %mul3A_0, %arg1 : i32
    %broadcast_in_dim3A = arith.constant 1.000000e+00 : f32
    %broadcast_in_dim3A_1 = vector.broadcast %broadcast_in_dim3A : f32 to vector<16xf32>
    "tpu.region"() ({
      %run_scoped3A_19 = tpu.sem_alloc : memref<!tpu.dma_semaphore, #tpu.memory_space<semaphore_mem>>
      tpu.enqueue_dma source(%arg3 : memref<10240xf32, #tpu.memory_space<hbm>>) target(%arg6 : memref<10240xf32, #tpu.memory_space<vmem>>) target_semaphore(%run_scoped3A_19 : memref<!tpu.dma_semaphore, #tpu.memory_space<semaphore_mem>>)
      tpu.wait_dma2 semaphore(%run_scoped3A_19 : memref<!tpu.dma_semaphore, #tpu.memory_space<semaphore_mem>>) src(%arg3 : memref<10240xf32, #tpu.memory_space<hbm>>) dst(%arg6 : memref<10240xf32, #tpu.memory_space<vmem>>)
      tpu.yield
    }) : () -> ()
    %mul3A_2 = arith.constant 10000 : i32
    %mul3A_3 = arith.muli %add3A, %mul3A_2 : i32
    "tpu.region"() ({
      %run_scoped3A_19 = tpu.sem_alloc : memref<!tpu.dma_semaphore, #tpu.memory_space<semaphore_mem>>
      %dma_start3A = tpu.memref_slice %arg2[%mul3A_3] : memref<320000xi32, #tpu.memory_space<hbm>> -> memref<10000xi32, #tpu.memory_space<hbm>>
      %dma_start3A_20 = tpu.memref_slice %arg2[%mul3A_3] : memref<320000xi32, #tpu.memory_space<hbm>> -> memref<10000xi32, #tpu.memory_space<hbm>>
      tpu.enqueue_dma source(%dma_start3A_20 : memref<10000xi32, #tpu.memory_space<hbm>>) target(%arg5 : memref<10000xi32, #tpu.memory_space<vmem>>) target_semaphore(%run_scoped3A_19 : memref<!tpu.dma_semaphore, #tpu.memory_space<semaphore_mem>>)
      %dma_wait3A = tpu.memref_slice %arg2[%mul3A_3] : memref<320000xi32, #tpu.memory_space<hbm>> -> memref<10000xi32, #tpu.memory_space<hbm>>
      %dma_wait3A_21 = tpu.memref_slice %arg2[%mul3A_3] : memref<320000xi32, #tpu.memory_space<hbm>> -> memref<10000xi32, #tpu.memory_space<hbm>>
      tpu.wait_dma2 semaphore(%run_scoped3A_19 : memref<!tpu.dma_semaphore, #tpu.memory_space<semaphore_mem>>) src(%dma_wait3A_21 : memref<10000xi32, #tpu.memory_space<hbm>>) dst(%arg5 : memref<10000xi32, #tpu.memory_space<vmem>>)
      tpu.yield
    }) : () -> ()
    %scan3A = arith.constant 0 : i32
    %scan3A_4 = arith.constant 0 : i32
    %scan3A_5 = arith.constant 125 : i32
    %scan3A_6 = arith.addi %scan3A_4, %scan3A_5 : i32
    %scan3A_7 = arith.constant 1 : i32
    %scan3A_8 = scf.for %scan3A_19 = %scan3A_4 to %scan3A_6 step %scan3A_7 iter_args(%scan3A_20 = %scan3A) -> (i32)  : i32 {
      %mul3A_21 = arith.constant 5 : i32
      %mul3A_22 = arith.muli %scan3A_19, %mul3A_21 : i32
      %add3A_23 = arith.constant 0 : i32
      %add3A_24 = arith.addi %mul3A_22, %add3A_23 : i32
      %mul3A_25 = arith.constant 16 : i32
      %mul3A_26 = arith.muli %add3A_24, %mul3A_25 : i32
      %get3A = arith.index_cast %mul3A_26 : i32 to index
      %get3A_27 = tpu.vector_load %arg5[%get3A] {strides = array<i32>} : memref<10000xi32, #tpu.memory_space<vmem>>, vector<16xi32>,
      tpu.vector_store_idx %arg6[%get3A_27], %broadcast_in_dim3A_1 {add = true} : memref<10240xf32, #tpu.memory_space<vmem>>[vector<16xi32>], vector<16xf32>,
      %mul3A_28 = arith.constant 5 : i32
      %mul3A_29 = arith.muli %scan3A_19, %mul3A_28 : i32
      %add3A_30 = arith.constant 1 : i32
      %add3A_31 = arith.addi %mul3A_29, %add3A_30 : i32
      %mul3A_32 = arith.constant 16 : i32
      %mul3A_33 = arith.muli %add3A_31, %mul3A_32 : i32
      %get3A_34 = arith.index_cast %mul3A_33 : i32 to index
      %get3A_35 = tpu.vector_load %arg5[%get3A_34] {strides = array<i32>} : memref<10000xi32, #tpu.memory_space<vmem>>, vector<16xi32>,
      tpu.vector_store_idx %arg6[%get3A_35], %broadcast_in_dim3A_1 {add = true} : memref<10240xf32, #tpu.memory_space<vmem>>[vector<16xi32>], vector<16xf32>,
      %mul3A_36 = arith.constant 5 : i32
      %mul3A_37 = arith.muli %scan3A_19, %mul3A_36 : i32
      %add3A_38 = arith.constant 2 : i32
      %add3A_39 = arith.addi %mul3A_37, %add3A_38 : i32
      %mul3A_40 = arith.constant 16 : i32
      %mul3A_41 = arith.muli %add3A_39, %mul3A_40 : i32
      %get3A_42 = arith.index_cast %mul3A_41 : i32 to index
      %get3A_43 = tpu.vector_load %arg5[%get3A_42] {strides = array<i32>} : memref<10000xi32, #tpu.memory_space<vmem>>, vector<16xi32>,
      tpu.vector_store_idx %arg6[%get3A_43], %broadcast_in_dim3A_1 {add = true} : memref<10240xf32, #tpu.memory_space<vmem>>[vector<16xi32>], vector<16xf32>,
      %mul3A_44 = arith.constant 5 : i32
      %mul3A_45 = arith.muli %scan3A_19, %mul3A_44 : i32
      %add3A_46 = arith.constant 3 : i32
      %add3A_47 = arith.addi %mul3A_45, %add3A_46 : i32
      %mul3A_48 = arith.constant 16 : i32
      %mul3A_49 = arith.muli %add3A_47, %mul3A_48 : i32
      %get3A_50 = arith.index_cast %mul3A_49 : i32 to index
      %get3A_51 = tpu.vector_load %arg5[%get3A_50] {strides = array<i32>} : memref<10000xi32, #tpu.memory_space<vmem>>, vector<16xi32>,
      tpu.vector_store_idx %arg6[%get3A_51], %broadcast_in_dim3A_1 {add = true} : memref<10240xf32, #tpu.memory_space<vmem>>[vector<16xi32>], vector<16xf32>,
      %mul3A_52 = arith.constant 5 : i32
      %mul3A_53 = arith.muli %scan3A_19, %mul3A_52 : i32
      %add3A_54 = arith.constant 4 : i32
      %add3A_55 = arith.addi %mul3A_53, %add3A_54 : i32
      %mul3A_56 = arith.constant 16 : i32
      %mul3A_57 = arith.muli %add3A_55, %mul3A_56 : i32
      %get3A_58 = arith.index_cast %mul3A_57 : i32 to index
      %get3A_59 = tpu.vector_load %arg5[%get3A_58] {strides = array<i32>} : memref<10000xi32, #tpu.memory_space<vmem>>, vector<16xi32>,
      tpu.vector_store_idx %arg6[%get3A_59], %broadcast_in_dim3A_1 {add = true} : memref<10240xf32, #tpu.memory_space<vmem>>[vector<16xi32>], vector<16xf32>,
      %scan3A_60 = arith.constant 0 : i32
      scf.yield %scan3A_60 : i32
    }
    %scan3A_9 = arith.constant 125 : i32
    %run_scoped3A = arith.constant 0 : i32
    "tpu.region"() ({
      %run_scoped3A_19 = tpu.sem_alloc : memref<!tpu.dma_semaphore, #tpu.memory_space<semaphore_mem>>
      %dma_start3A = arith.constant 0 : i32
      %dma_start3A_20 = tpu.memref_slice %arg6[%dma_start3A] : memref<10240xf32, #tpu.memory_space<vmem>> -> memref<1024xf32, #tpu.memory_space<vmem>>
      %dma_start3A_21 = arith.constant 0 : i32
      %dma_start3A_22 = tpu.memref_slice %arg4[%run_scoped3A, %add3A, %dma_start3A_21] : memref<10x32x1024xf32, #tpu.memory_space<hbm>> -> memref<1x1x1024xf32, #tpu.memory_space<hbm>>
      %dma_start3A_23 = tpu.memref_squeeze %dma_start3A_22 : memref<1x1x1024xf32, #tpu.memory_space<hbm>> -> memref<1024xf32, #tpu.memory_space<hbm>>
      %dma_start3A_24 = arith.constant 0 : i32
      %dma_start3A_25 = tpu.memref_slice %arg4[%run_scoped3A, %add3A, %dma_start3A_24] : memref<10x32x1024xf32, #tpu.memory_space<hbm>> -> memref<1x1x1024xf32, #tpu.memory_space<hbm>>
      %dma_start3A_26 = tpu.memref_squeeze %dma_start3A_25 : memref<1x1x1024xf32, #tpu.memory_space<hbm>> -> memref<1024xf32, #tpu.memory_space<hbm>>
      %dma_start3A_27 = arith.constant 0 : i32
      %dma_start3A_28 = tpu.memref_slice %arg6[%dma_start3A_27] : memref<10240xf32, #tpu.memory_space<vmem>> -> memref<1024xf32, #tpu.memory_space<vmem>>
      tpu.enqueue_dma source(%dma_start3A_28 : memref<1024xf32, #tpu.memory_space<vmem>>) target(%dma_start3A_26 : memref<1024xf32, #tpu.memory_space<hbm>>) target_semaphore(%run_scoped3A_19 : memref<!tpu.dma_semaphore, #tpu.memory_space<semaphore_mem>>)
      %dma_wait3A = arith.constant 0 : i32
      %dma_wait3A_29 = tpu.memref_slice %arg6[%dma_wait3A] : memref<10240xf32, #tpu.memory_space<vmem>> -> memref<1024xf32, #tpu.memory_space<vmem>>
      %dma_wait3A_30 = arith.constant 0 : i32
      %dma_wait3A_31 = tpu.memref_slice %arg4[%run_scoped3A, %add3A, %dma_wait3A_30] : memref<10x32x1024xf32, #tpu.memory_space<hbm>> -> memref<1x1x1024xf32, #tpu.memory_space<hbm>>
      %dma_wait3A_32 = tpu.memref_squeeze %dma_wait3A_31 : memref<1x1x1024xf32, #tpu.memory_space<hbm>> -> memref<1024xf32, #tpu.memory_space<hbm>>
      %dma_wait3A_33 = arith.constant 0 : i32
      %dma_wait3A_34 = tpu.memref_slice %arg4[%run_scoped3A, %add3A, %dma_wait3A_33] : memref<10x32x1024xf32, #tpu.memory_space<hbm>> -> memref<1x1x1024xf32, #tpu.memory_space<hbm>>
      %dma_wait3A_35 = tpu.memref_squeeze %dma_wait3A_34 : memref<1x1x1024xf32, #tpu.memory_space<hbm>> -> memref<1024xf32, #tpu.memory_space<hbm>>
      %dma_wait3A_36 = arith.constant 0 : i32
      %dma_wait3A_37 = tpu.memref_slice %arg6[%dma_wait3A_36] : memref<10240xf32, #tpu.memory_space<vmem>> -> memref<1024xf32, #tpu.memory_space<vmem>>
      tpu.wait_dma2 semaphore(%run_scoped3A_19 : memref<!tpu.dma_semaphore, #tpu.memory_space<semaphore_mem>>) src(%dma_wait3A_37 : memref<1024xf32, #tpu.memory_space<vmem>>) dst(%dma_wait3A_35 : memref<1024xf32, #tpu.memory_space<hbm>>)
      tpu.yield
    }) : () -> ()
    %run_scoped3A_10 = arith.constant 1 : i32
    "tpu.region"() ({
      %run_scoped3A_19 = tpu.sem_alloc : memref<!tpu.dma_semaphore, #tpu.memory_space<semaphore_mem>>
      %dma_start3A = arith.constant 1024 : i32
      %dma_start3A_20 = tpu.memref_slice %arg6[%dma_start3A] : memref<10240xf32, #tpu.memory_space<vmem>> -> memref<1024xf32, #tpu.memory_space<vmem>>
      %dma_start3A_21 = arith.constant 0 : i32
      %dma_start3A_22 = tpu.memref_slice %arg4[%run_scoped3A_10, %add3A, %dma_start3A_21] : memref<10x32x1024xf32, #tpu.memory_space<hbm>> -> memref<1x1x1024xf32, #tpu.memory_space<hbm>>
      %dma_start3A_23 = tpu.memref_squeeze %dma_start3A_22 : memref<1x1x1024xf32, #tpu.memory_space<hbm>> -> memref<1024xf32, #tpu.memory_space<hbm>>
      %dma_start3A_24 = arith.constant 0 : i32
      %dma_start3A_25 = tpu.memref_slice %arg4[%run_scoped3A_10, %add3A, %dma_start3A_24] : memref<10x32x1024xf32, #tpu.memory_space<hbm>> -> memref<1x1x1024xf32, #tpu.memory_space<hbm>>
      %dma_start3A_26 = tpu.memref_squeeze %dma_start3A_25 : memref<1x1x1024xf32, #tpu.memory_space<hbm>> -> memref<1024xf32, #tpu.memory_space<hbm>>
      %dma_start3A_27 = arith.constant 1024 : i32
      %dma_start3A_28 = tpu.memref_slice %arg6[%dma_start3A_27] : memref<10240xf32, #tpu.memory_space<vmem>> -> memref<1024xf32, #tpu.memory_space<vmem>>
      tpu.enqueue_dma source(%dma_start3A_28 : memref<1024xf32, #tpu.memory_space<vmem>>) target(%dma_start3A_26 : memref<1024xf32, #tpu.memory_space<hbm>>) target_semaphore(%run_scoped3A_19 : memref<!tpu.dma_semaphore, #tpu.memory_space<semaphore_mem>>)
      %dma_wait3A = arith.constant 1024 : i32
      %dma_wait3A_29 = tpu.memref_slice %arg6[%dma_wait3A] : memref<10240xf32, #tpu.memory_space<vmem>> -> memref<1024xf32, #tpu.memory_space<vmem>>
      %dma_wait3A_30 = arith.constant 0 : i32
      %dma_wait3A_31 = tpu.memref_slice %arg4[%run_scoped3A_10, %add3A, %dma_wait3A_30] : memref<10x32x1024xf32, #tpu.memory_space<hbm>> -> memref<1x1x1024xf32, #tpu.memory_space<hbm>>
      %dma_wait3A_32 = tpu.memref_squeeze %dma_wait3A_31 : memref<1x1x1024xf32, #tpu.memory_space<hbm>> -> memref<1024xf32, #tpu.memory_space<hbm>>
      %dma_wait3A_33 = arith.constant 0 : i32
      %dma_wait3A_34 = tpu.memref_slice %arg4[%run_scoped3A_10, %add3A, %dma_wait3A_33] : memref<10x32x1024xf32, #tpu.memory_space<hbm>> -> memref<1x1x1024xf32, #tpu.memory_space<hbm>>
      %dma_wait3A_35 = tpu.memref_squeeze %dma_wait3A_34 : memref<1x1x1024xf32, #tpu.memory_space<hbm>> -> memref<1024xf32, #tpu.memory_space<hbm>>
      %dma_wait3A_36 = arith.constant 1024 : i32
      %dma_wait3A_37 = tpu.memref_slice %arg6[%dma_wait3A_36] : memref<10240xf32, #tpu.memory_space<vmem>> -> memref<1024xf32, #tpu.memory_space<vmem>>
      tpu.wait_dma2 semaphore(%run_scoped3A_19 : memref<!tpu.dma_semaphore, #tpu.memory_space<semaphore_mem>>) src(%dma_wait3A_37 : memref<1024xf32, #tpu.memory_space<vmem>>) dst(%dma_wait3A_35 : memref<1024xf32, #tpu.memory_space<hbm>>)
      tpu.yield
    }) : () -> ()
    %run_scoped3A_11 = arith.constant 2 : i32
    "tpu.region"() ({
      %run_scoped3A_19 = tpu.sem_alloc : memref<!tpu.dma_semaphore, #tpu.memory_space<semaphore_mem>>
      %dma_start3A = arith.constant 2048 : i32
      %dma_start3A_20 = tpu.memref_slice %arg6[%dma_start3A] : memref<10240xf32, #tpu.memory_space<vmem>> -> memref<1024xf32, #tpu.memory_space<vmem>>
      %dma_start3A_21 = arith.constant 0 : i32
      %dma_start3A_22 = tpu.memref_slice %arg4[%run_scoped3A_11, %add3A, %dma_start3A_21] : memref<10x32x1024xf32, #tpu.memory_space<hbm>> -> memref<1x1x1024xf32, #tpu.memory_space<hbm>>
      %dma_start3A_23 = tpu.memref_squeeze %dma_start3A_22 : memref<1x1x1024xf32, #tpu.memory_space<hbm>> -> memref<1024xf32, #tpu.memory_space<hbm>>
      %dma_start3A_24 = arith.constant 0 : i32
      %dma_start3A_25 = tpu.memref_slice %arg4[%run_scoped3A_11, %add3A, %dma_start3A_24] : memref<10x32x1024xf32, #tpu.memory_space<hbm>> -> memref<1x1x1024xf32, #tpu.memory_space<hbm>>
      %dma_start3A_26 = tpu.memref_squeeze %dma_start3A_25 : memref<1x1x1024xf32, #tpu.memory_space<hbm>> -> memref<1024xf32, #tpu.memory_space<hbm>>
      %dma_start3A_27 = arith.constant 2048 : i32
      %dma_start3A_28 = tpu.memref_slice %arg6[%dma_start3A_27] : memref<10240xf32, #tpu.memory_space<vmem>> -> memref<1024xf32, #tpu.memory_space<vmem>>
      tpu.enqueue_dma source(%dma_start3A_28 : memref<1024xf32, #tpu.memory_space<vmem>>) target(%dma_start3A_26 : memref<1024xf32, #tpu.memory_space<hbm>>) target_semaphore(%run_scoped3A_19 : memref<!tpu.dma_semaphore, #tpu.memory_space<semaphore_mem>>)
      %dma_wait3A = arith.constant 2048 : i32
      %dma_wait3A_29 = tpu.memref_slice %arg6[%dma_wait3A] : memref<10240xf32, #tpu.memory_space<vmem>> -> memref<1024xf32, #tpu.memory_space<vmem>>
      %dma_wait3A_30 = arith.constant 0 : i32
      %dma_wait3A_31 = tpu.memref_slice %arg4[%run_scoped3A_11, %add3A, %dma_wait3A_30] : memref<10x32x1024xf32, #tpu.memory_space<hbm>> -> memref<1x1x1024xf32, #tpu.memory_space<hbm>>
      %dma_wait3A_32 = tpu.memref_squeeze %dma_wait3A_31 : memref<1x1x1024xf32, #tpu.memory_space<hbm>> -> memref<1024xf32, #tpu.memory_space<hbm>>
      %dma_wait3A_33 = arith.constant 0 : i32
      %dma_wait3A_34 = tpu.memref_slice %arg4[%run_scoped3A_11, %add3A, %dma_wait3A_33] : memref<10x32x1024xf32, #tpu.memory_space<hbm>> -> memref<1x1x1024xf32, #tpu.memory_space<hbm>>
      %dma_wait3A_35 = tpu.memref_squeeze %dma_wait3A_34 : memref<1x1x1024xf32, #tpu.memory_space<hbm>> -> memref<1024xf32, #tpu.memory_space<hbm>>
      %dma_wait3A_36 = arith.constant 2048 : i32
      %dma_wait3A_37 = tpu.memref_slice %arg6[%dma_wait3A_36] : memref<10240xf32, #tpu.memory_space<vmem>> -> memref<1024xf32, #tpu.memory_space<vmem>>
      tpu.wait_dma2 semaphore(%run_scoped3A_19 : memref<!tpu.dma_semaphore, #tpu.memory_space<semaphore_mem>>) src(%dma_wait3A_37 : memref<1024xf32, #tpu.memory_space<vmem>>) dst(%dma_wait3A_35 : memref<1024xf32, #tpu.memory_space<hbm>>)
      tpu.yield
    }) : () -> ()
    %run_scoped3A_12 = arith.constant 3 : i32
    "tpu.region"() ({
      %run_scoped3A_19 = tpu.sem_alloc : memref<!tpu.dma_semaphore, #tpu.memory_space<semaphore_mem>>
      %dma_start3A = arith.constant 3072 : i32
      %dma_start3A_20 = tpu.memref_slice %arg6[%dma_start3A] : memref<10240xf32, #tpu.memory_space<vmem>> -> memref<1024xf32, #tpu.memory_space<vmem>>
      %dma_start3A_21 = arith.constant 0 : i32
      %dma_start3A_22 = tpu.memref_slice %arg4[%run_scoped3A_12, %add3A, %dma_start3A_21] : memref<10x32x1024xf32, #tpu.memory_space<hbm>> -> memref<1x1x1024xf32, #tpu.memory_space<hbm>>
      %dma_start3A_23 = tpu.memref_squeeze %dma_start3A_22 : memref<1x1x1024xf32, #tpu.memory_space<hbm>> -> memref<1024xf32, #tpu.memory_space<hbm>>
      %dma_start3A_24 = arith.constant 0 : i32
      %dma_start3A_25 = tpu.memref_slice %arg4[%run_scoped3A_12, %add3A, %dma_start3A_24] : memref<10x32x1024xf32, #tpu.memory_space<hbm>> -> memref<1x1x1024xf32, #tpu.memory_space<hbm>>
      %dma_start3A_26 = tpu.memref_squeeze %dma_start3A_25 : memref<1x1x1024xf32, #tpu.memory_space<hbm>> -> memref<1024xf32, #tpu.memory_space<hbm>>
      %dma_start3A_27 = arith.constant 3072 : i32
      %dma_start3A_28 = tpu.memref_slice %arg6[%dma_start3A_27] : memref<10240xf32, #tpu.memory_space<vmem>> -> memref<1024xf32, #tpu.memory_space<vmem>>
      tpu.enqueue_dma source(%dma_start3A_28 : memref<1024xf32, #tpu.memory_space<vmem>>) target(%dma_start3A_26 : memref<1024xf32, #tpu.memory_space<hbm>>) target_semaphore(%run_scoped3A_19 : memref<!tpu.dma_semaphore, #tpu.memory_space<semaphore_mem>>)
      %dma_wait3A = arith.constant 3072 : i32
      %dma_wait3A_29 = tpu.memref_slice %arg6[%dma_wait3A] : memref<10240xf32, #tpu.memory_space<vmem>> -> memref<1024xf32, #tpu.memory_space<vmem>>
      %dma_wait3A_30 = arith.constant 0 : i32
      %dma_wait3A_31 = tpu.memref_slice %arg4[%run_scoped3A_12, %add3A, %dma_wait3A_30] : memref<10x32x1024xf32, #tpu.memory_space<hbm>> -> memref<1x1x1024xf32, #tpu.memory_space<hbm>>
      %dma_wait3A_32 = tpu.memref_squeeze %dma_wait3A_31 : memref<1x1x1024xf32, #tpu.memory_space<hbm>> -> memref<1024xf32, #tpu.memory_space<hbm>>
      %dma_wait3A_33 = arith.constant 0 : i32
      %dma_wait3A_34 = tpu.memref_slice %arg4[%run_scoped3A_12, %add3A, %dma_wait3A_33] : memref<10x32x1024xf32, #tpu.memory_space<hbm>> -> memref<1x1x1024xf32, #tpu.memory_space<hbm>>
      %dma_wait3A_35 = tpu.memref_squeeze %dma_wait3A_34 : memref<1x1x1024xf32, #tpu.memory_space<hbm>> -> memref<1024xf32, #tpu.memory_space<hbm>>
      %dma_wait3A_36 = arith.constant 3072 : i32
      %dma_wait3A_37 = tpu.memref_slice %arg6[%dma_wait3A_36] : memref<10240xf32, #tpu.memory_space<vmem>> -> memref<1024xf32, #tpu.memory_space<vmem>>
      tpu.wait_dma2 semaphore(%run_scoped3A_19 : memref<!tpu.dma_semaphore, #tpu.memory_space<semaphore_mem>>) src(%dma_wait3A_37 : memref<1024xf32, #tpu.memory_space<vmem>>) dst(%dma_wait3A_35 : memref<1024xf32, #tpu.memory_space<hbm>>)
      tpu.yield
    }) : () -> ()
    %run_scoped3A_13 = arith.constant 4 : i32
    "tpu.region"() ({
      %run_scoped3A_19 = tpu.sem_alloc : memref<!tpu.dma_semaphore, #tpu.memory_space<semaphore_mem>>
      %dma_start3A = arith.constant 4096 : i32
      %dma_start3A_20 = tpu.memref_slice %arg6[%dma_start3A] : memref<10240xf32, #tpu.memory_space<vmem>> -> memref<1024xf32, #tpu.memory_space<vmem>>
      %dma_start3A_21 = arith.constant 0 : i32
      %dma_start3A_22 = tpu.memref_slice %arg4[%run_scoped3A_13, %add3A, %dma_start3A_21] : memref<10x32x1024xf32, #tpu.memory_space<hbm>> -> memref<1x1x1024xf32, #tpu.memory_space<hbm>>
      %dma_start3A_23 = tpu.memref_squeeze %dma_start3A_22 : memref<1x1x1024xf32, #tpu.memory_space<hbm>> -> memref<1024xf32, #tpu.memory_space<hbm>>
      %dma_start3A_24 = arith.constant 0 : i32
      %dma_start3A_25 = tpu.memref_slice %arg4[%run_scoped3A_13, %add3A, %dma_start3A_24] : memref<10x32x1024xf32, #tpu.memory_space<hbm>> -> memref<1x1x1024xf32, #tpu.memory_space<hbm>>
      %dma_start3A_26 = tpu.memref_squeeze %dma_start3A_25 : memref<1x1x1024xf32, #tpu.memory_space<hbm>> -> memref<1024xf32, #tpu.memory_space<hbm>>
      %dma_start3A_27 = arith.constant 4096 : i32
      %dma_start3A_28 = tpu.memref_slice %arg6[%dma_start3A_27] : memref<10240xf32, #tpu.memory_space<vmem>> -> memref<1024xf32, #tpu.memory_space<vmem>>
      tpu.enqueue_dma source(%dma_start3A_28 : memref<1024xf32, #tpu.memory_space<vmem>>) target(%dma_start3A_26 : memref<1024xf32, #tpu.memory_space<hbm>>) target_semaphore(%run_scoped3A_19 : memref<!tpu.dma_semaphore, #tpu.memory_space<semaphore_mem>>)
      %dma_wait3A = arith.constant 4096 : i32
      %dma_wait3A_29 = tpu.memref_slice %arg6[%dma_wait3A] : memref<10240xf32, #tpu.memory_space<vmem>> -> memref<1024xf32, #tpu.memory_space<vmem>>
      %dma_wait3A_30 = arith.constant 0 : i32
      %dma_wait3A_31 = tpu.memref_slice %arg4[%run_scoped3A_13, %add3A, %dma_wait3A_30] : memref<10x32x1024xf32, #tpu.memory_space<hbm>> -> memref<1x1x1024xf32, #tpu.memory_space<hbm>>
      %dma_wait3A_32 = tpu.memref_squeeze %dma_wait3A_31 : memref<1x1x1024xf32, #tpu.memory_space<hbm>> -> memref<1024xf32, #tpu.memory_space<hbm>>
      %dma_wait3A_33 = arith.constant 0 : i32
      %dma_wait3A_34 = tpu.memref_slice %arg4[%run_scoped3A_13, %add3A, %dma_wait3A_33] : memref<10x32x1024xf32, #tpu.memory_space<hbm>> -> memref<1x1x1024xf32, #tpu.memory_space<hbm>>
      %dma_wait3A_35 = tpu.memref_squeeze %dma_wait3A_34 : memref<1x1x1024xf32, #tpu.memory_space<hbm>> -> memref<1024xf32, #tpu.memory_space<hbm>>
      %dma_wait3A_36 = arith.constant 4096 : i32
      %dma_wait3A_37 = tpu.memref_slice %arg6[%dma_wait3A_36] : memref<10240xf32, #tpu.memory_space<vmem>> -> memref<1024xf32, #tpu.memory_space<vmem>>
      tpu.wait_dma2 semaphore(%run_scoped3A_19 : memref<!tpu.dma_semaphore, #tpu.memory_space<semaphore_mem>>) src(%dma_wait3A_37 : memref<1024xf32, #tpu.memory_space<vmem>>) dst(%dma_wait3A_35 : memref<1024xf32, #tpu.memory_space<hbm>>)
      tpu.yield
    }) : () -> ()
    %run_scoped3A_14 = arith.constant 5 : i32
    "tpu.region"() ({
      %run_scoped3A_19 = tpu.sem_alloc : memref<!tpu.dma_semaphore, #tpu.memory_space<semaphore_mem>>
      %dma_start3A = arith.constant 5120 : i32
      %dma_start3A_20 = tpu.memref_slice %arg6[%dma_start3A] : memref<10240xf32, #tpu.memory_space<vmem>> -> memref<1024xf32, #tpu.memory_space<vmem>>
      %dma_start3A_21 = arith.constant 0 : i32
      %dma_start3A_22 = tpu.memref_slice %arg4[%run_scoped3A_14, %add3A, %dma_start3A_21] : memref<10x32x1024xf32, #tpu.memory_space<hbm>> -> memref<1x1x1024xf32, #tpu.memory_space<hbm>>
      %dma_start3A_23 = tpu.memref_squeeze %dma_start3A_22 : memref<1x1x1024xf32, #tpu.memory_space<hbm>> -> memref<1024xf32, #tpu.memory_space<hbm>>
      %dma_start3A_24 = arith.constant 0 : i32
      %dma_start3A_25 = tpu.memref_slice %arg4[%run_scoped3A_14, %add3A, %dma_start3A_24] : memref<10x32x1024xf32, #tpu.memory_space<hbm>> -> memref<1x1x1024xf32, #tpu.memory_space<hbm>>
      %dma_start3A_26 = tpu.memref_squeeze %dma_start3A_25 : memref<1x1x1024xf32, #tpu.memory_space<hbm>> -> memref<1024xf32, #tpu.memory_space<hbm>>
      %dma_start3A_27 = arith.constant 5120 : i32
      %dma_start3A_28 = tpu.memref_slice %arg6[%dma_start3A_27] : memref<10240xf32, #tpu.memory_space<vmem>> -> memref<1024xf32, #tpu.memory_space<vmem>>
      tpu.enqueue_dma source(%dma_start3A_28 : memref<1024xf32, #tpu.memory_space<vmem>>) target(%dma_start3A_26 : memref<1024xf32, #tpu.memory_space<hbm>>) target_semaphore(%run_scoped3A_19 : memref<!tpu.dma_semaphore, #tpu.memory_space<semaphore_mem>>)
      %dma_wait3A = arith.constant 5120 : i32
      %dma_wait3A_29 = tpu.memref_slice %arg6[%dma_wait3A] : memref<10240xf32, #tpu.memory_space<vmem>> -> memref<1024xf32, #tpu.memory_space<vmem>>
      %dma_wait3A_30 = arith.constant 0 : i32
      %dma_wait3A_31 = tpu.memref_slice %arg4[%run_scoped3A_14, %add3A, %dma_wait3A_30] : memref<10x32x1024xf32, #tpu.memory_space<hbm>> -> memref<1x1x1024xf32, #tpu.memory_space<hbm>>
      %dma_wait3A_32 = tpu.memref_squeeze %dma_wait3A_31 : memref<1x1x1024xf32, #tpu.memory_space<hbm>> -> memref<1024xf32, #tpu.memory_space<hbm>>
      %dma_wait3A_33 = arith.constant 0 : i32
      %dma_wait3A_34 = tpu.memref_slice %arg4[%run_scoped3A_14, %add3A, %dma_wait3A_33] : memref<10x32x1024xf32, #tpu.memory_space<hbm>> -> memref<1x1x1024xf32, #tpu.memory_space<hbm>>
      %dma_wait3A_35 = tpu.memref_squeeze %dma_wait3A_34 : memref<1x1x1024xf32, #tpu.memory_space<hbm>> -> memref<1024xf32, #tpu.memory_space<hbm>>
      %dma_wait3A_36 = arith.constant 5120 : i32
      %dma_wait3A_37 = tpu.memref_slice %arg6[%dma_wait3A_36] : memref<10240xf32, #tpu.memory_space<vmem>> -> memref<1024xf32, #tpu.memory_space<vmem>>
      tpu.wait_dma2 semaphore(%run_scoped3A_19 : memref<!tpu.dma_semaphore, #tpu.memory_space<semaphore_mem>>) src(%dma_wait3A_37 : memref<1024xf32, #tpu.memory_space<vmem>>) dst(%dma_wait3A_35 : memref<1024xf32, #tpu.memory_space<hbm>>)
      tpu.yield
    }) : () -> ()
    %run_scoped3A_15 = arith.constant 6 : i32
    "tpu.region"() ({
      %run_scoped3A_19 = tpu.sem_alloc : memref<!tpu.dma_semaphore, #tpu.memory_space<semaphore_mem>>
      %dma_start3A = arith.constant 6144 : i32
      %dma_start3A_20 = tpu.memref_slice %arg6[%dma_start3A] : memref<10240xf32, #tpu.memory_space<vmem>> -> memref<1024xf32, #tpu.memory_space<vmem>>
      %dma_start3A_21 = arith.constant 0 : i32
      %dma_start3A_22 = tpu.memref_slice %arg4[%run_scoped3A_15, %add3A, %dma_start3A_21] : memref<10x32x1024xf32, #tpu.memory_space<hbm>> -> memref<1x1x1024xf32, #tpu.memory_space<hbm>>
      %dma_start3A_23 = tpu.memref_squeeze %dma_start3A_22 : memref<1x1x1024xf32, #tpu.memory_space<hbm>> -> memref<1024xf32, #tpu.memory_space<hbm>>
      %dma_start3A_24 = arith.constant 0 : i32
      %dma_start3A_25 = tpu.memref_slice %arg4[%run_scoped3A_15, %add3A, %dma_start3A_24] : memref<10x32x1024xf32, #tpu.memory_space<hbm>> -> memref<1x1x1024xf32, #tpu.memory_space<hbm>>
      %dma_start3A_26 = tpu.memref_squeeze %dma_start3A_25 : memref<1x1x1024xf32, #tpu.memory_space<hbm>> -> memref<1024xf32, #tpu.memory_space<hbm>>
      %dma_start3A_27 = arith.constant 6144 : i32
      %dma_start3A_28 = tpu.memref_slice %arg6[%dma_start3A_27] : memref<10240xf32, #tpu.memory_space<vmem>> -> memref<1024xf32, #tpu.memory_space<vmem>>
      tpu.enqueue_dma source(%dma_start3A_28 : memref<1024xf32, #tpu.memory_space<vmem>>) target(%dma_start3A_26 : memref<1024xf32, #tpu.memory_space<hbm>>) target_semaphore(%run_scoped3A_19 : memref<!tpu.dma_semaphore, #tpu.memory_space<semaphore_mem>>)
      %dma_wait3A = arith.constant 6144 : i32
      %dma_wait3A_29 = tpu.memref_slice %arg6[%dma_wait3A] : memref<10240xf32, #tpu.memory_space<vmem>> -> memref<1024xf32, #tpu.memory_space<vmem>>
      %dma_wait3A_30 = arith.constant 0 : i32
      %dma_wait3A_31 = tpu.memref_slice %arg4[%run_scoped3A_15, %add3A, %dma_wait3A_30] : memref<10x32x1024xf32, #tpu.memory_space<hbm>> -> memref<1x1x1024xf32, #tpu.memory_space<hbm>>
      %dma_wait3A_32 = tpu.memref_squeeze %dma_wait3A_31 : memref<1x1x1024xf32, #tpu.memory_space<hbm>> -> memref<1024xf32, #tpu.memory_space<hbm>>
      %dma_wait3A_33 = arith.constant 0 : i32
      %dma_wait3A_34 = tpu.memref_slice %arg4[%run_scoped3A_15, %add3A, %dma_wait3A_33] : memref<10x32x1024xf32, #tpu.memory_space<hbm>> -> memref<1x1x1024xf32, #tpu.memory_space<hbm>>
      %dma_wait3A_35 = tpu.memref_squeeze %dma_wait3A_34 : memref<1x1x1024xf32, #tpu.memory_space<hbm>> -> memref<1024xf32, #tpu.memory_space<hbm>>
      %dma_wait3A_36 = arith.constant 6144 : i32
      %dma_wait3A_37 = tpu.memref_slice %arg6[%dma_wait3A_36] : memref<10240xf32, #tpu.memory_space<vmem>> -> memref<1024xf32, #tpu.memory_space<vmem>>
      tpu.wait_dma2 semaphore(%run_scoped3A_19 : memref<!tpu.dma_semaphore, #tpu.memory_space<semaphore_mem>>) src(%dma_wait3A_37 : memref<1024xf32, #tpu.memory_space<vmem>>) dst(%dma_wait3A_35 : memref<1024xf32, #tpu.memory_space<hbm>>)
      tpu.yield
    }) : () -> ()
    %run_scoped3A_16 = arith.constant 7 : i32
    "tpu.region"() ({
      %run_scoped3A_19 = tpu.sem_alloc : memref<!tpu.dma_semaphore, #tpu.memory_space<semaphore_mem>>
      %dma_start3A = arith.constant 7168 : i32
      %dma_start3A_20 = tpu.memref_slice %arg6[%dma_start3A] : memref<10240xf32, #tpu.memory_space<vmem>> -> memref<1024xf32, #tpu.memory_space<vmem>>
      %dma_start3A_21 = arith.constant 0 : i32
      %dma_start3A_22 = tpu.memref_slice %arg4[%run_scoped3A_16, %add3A, %dma_start3A_21] : memref<10x32x1024xf32, #tpu.memory_space<hbm>> -> memref<1x1x1024xf32, #tpu.memory_space<hbm>>
      %dma_start3A_23 = tpu.memref_squeeze %dma_start3A_22 : memref<1x1x1024xf32, #tpu.memory_space<hbm>> -> memref<1024xf32, #tpu.memory_space<hbm>>
      %dma_start3A_24 = arith.constant 0 : i32
      %dma_start3A_25 = tpu.memref_slice %arg4[%run_scoped3A_16, %add3A, %dma_start3A_24] : memref<10x32x1024xf32, #tpu.memory_space<hbm>> -> memref<1x1x1024xf32, #tpu.memory_space<hbm>>
      %dma_start3A_26 = tpu.memref_squeeze %dma_start3A_25 : memref<1x1x1024xf32, #tpu.memory_space<hbm>> -> memref<1024xf32, #tpu.memory_space<hbm>>
      %dma_start3A_27 = arith.constant 7168 : i32
      %dma_start3A_28 = tpu.memref_slice %arg6[%dma_start3A_27] : memref<10240xf32, #tpu.memory_space<vmem>> -> memref<1024xf32, #tpu.memory_space<vmem>>
      tpu.enqueue_dma source(%dma_start3A_28 : memref<1024xf32, #tpu.memory_space<vmem>>) target(%dma_start3A_26 : memref<1024xf32, #tpu.memory_space<hbm>>) target_semaphore(%run_scoped3A_19 : memref<!tpu.dma_semaphore, #tpu.memory_space<semaphore_mem>>)
      %dma_wait3A = arith.constant 7168 : i32
      %dma_wait3A_29 = tpu.memref_slice %arg6[%dma_wait3A] : memref<10240xf32, #tpu.memory_space<vmem>> -> memref<1024xf32, #tpu.memory_space<vmem>>
      %dma_wait3A_30 = arith.constant 0 : i32
      %dma_wait3A_31 = tpu.memref_slice %arg4[%run_scoped3A_16, %add3A, %dma_wait3A_30] : memref<10x32x1024xf32, #tpu.memory_space<hbm>> -> memref<1x1x1024xf32, #tpu.memory_space<hbm>>
      %dma_wait3A_32 = tpu.memref_squeeze %dma_wait3A_31 : memref<1x1x1024xf32, #tpu.memory_space<hbm>> -> memref<1024xf32, #tpu.memory_space<hbm>>
      %dma_wait3A_33 = arith.constant 0 : i32
      %dma_wait3A_34 = tpu.memref_slice %arg4[%run_scoped3A_16, %add3A, %dma_wait3A_33] : memref<10x32x1024xf32, #tpu.memory_space<hbm>> -> memref<1x1x1024xf32, #tpu.memory_space<hbm>>
      %dma_wait3A_35 = tpu.memref_squeeze %dma_wait3A_34 : memref<1x1x1024xf32, #tpu.memory_space<hbm>> -> memref<1024xf32, #tpu.memory_space<hbm>>
      %dma_wait3A_36 = arith.constant 7168 : i32
      %dma_wait3A_37 = tpu.memref_slice %arg6[%dma_wait3A_36] : memref<10240xf32, #tpu.memory_space<vmem>> -> memref<1024xf32, #tpu.memory_space<vmem>>
      tpu.wait_dma2 semaphore(%run_scoped3A_19 : memref<!tpu.dma_semaphore, #tpu.memory_space<semaphore_mem>>) src(%dma_wait3A_37 : memref<1024xf32, #tpu.memory_space<vmem>>) dst(%dma_wait3A_35 : memref<1024xf32, #tpu.memory_space<hbm>>)
      tpu.yield
    }) : () -> ()
    %run_scoped3A_17 = arith.constant 8 : i32
    "tpu.region"() ({
      %run_scoped3A_19 = tpu.sem_alloc : memref<!tpu.dma_semaphore, #tpu.memory_space<semaphore_mem>>
      %dma_start3A = arith.constant 8192 : i32
      %dma_start3A_20 = tpu.memref_slice %arg6[%dma_start3A] : memref<10240xf32, #tpu.memory_space<vmem>> -> memref<1024xf32, #tpu.memory_space<vmem>>
      %dma_start3A_21 = arith.constant 0 : i32
      %dma_start3A_22 = tpu.memref_slice %arg4[%run_scoped3A_17, %add3A, %dma_start3A_21] : memref<10x32x1024xf32, #tpu.memory_space<hbm>> -> memref<1x1x1024xf32, #tpu.memory_space<hbm>>
      %dma_start3A_23 = tpu.memref_squeeze %dma_start3A_22 : memref<1x1x1024xf32, #tpu.memory_space<hbm>> -> memref<1024xf32, #tpu.memory_space<hbm>>
      %dma_start3A_24 = arith.constant 0 : i32
      %dma_start3A_25 = tpu.memref_slice %arg4[%run_scoped3A_17, %add3A, %dma_start3A_24] : memref<10x32x1024xf32, #tpu.memory_space<hbm>> -> memref<1x1x1024xf32, #tpu.memory_space<hbm>>
      %dma_start3A_26 = tpu.memref_squeeze %dma_start3A_25 : memref<1x1x1024xf32, #tpu.memory_space<hbm>> -> memref<1024xf32, #tpu.memory_space<hbm>>
      %dma_start3A_27 = arith.constant 8192 : i32
      %dma_start3A_28 = tpu.memref_slice %arg6[%dma_start3A_27] : memref<10240xf32, #tpu.memory_space<vmem>> -> memref<1024xf32, #tpu.memory_space<vmem>>
      tpu.enqueue_dma source(%dma_start3A_28 : memref<1024xf32, #tpu.memory_space<vmem>>) target(%dma_start3A_26 : memref<1024xf32, #tpu.memory_space<hbm>>) target_semaphore(%run_scoped3A_19 : memref<!tpu.dma_semaphore, #tpu.memory_space<semaphore_mem>>)
      %dma_wait3A = arith.constant 8192 : i32
      %dma_wait3A_29 = tpu.memref_slice %arg6[%dma_wait3A] : memref<10240xf32, #tpu.memory_space<vmem>> -> memref<1024xf32, #tpu.memory_space<vmem>>
      %dma_wait3A_30 = arith.constant 0 : i32
      %dma_wait3A_31 = tpu.memref_slice %arg4[%run_scoped3A_17, %add3A, %dma_wait3A_30] : memref<10x32x1024xf32, #tpu.memory_space<hbm>> -> memref<1x1x1024xf32, #tpu.memory_space<hbm>>
      %dma_wait3A_32 = tpu.memref_squeeze %dma_wait3A_31 : memref<1x1x1024xf32, #tpu.memory_space<hbm>> -> memref<1024xf32, #tpu.memory_space<hbm>>
      %dma_wait3A_33 = arith.constant 0 : i32
      %dma_wait3A_34 = tpu.memref_slice %arg4[%run_scoped3A_17, %add3A, %dma_wait3A_33] : memref<10x32x1024xf32, #tpu.memory_space<hbm>> -> memref<1x1x1024xf32, #tpu.memory_space<hbm>>
      %dma_wait3A_35 = tpu.memref_squeeze %dma_wait3A_34 : memref<1x1x1024xf32, #tpu.memory_space<hbm>> -> memref<1024xf32, #tpu.memory_space<hbm>>
      %dma_wait3A_36 = arith.constant 8192 : i32
      %dma_wait3A_37 = tpu.memref_slice %arg6[%dma_wait3A_36] : memref<10240xf32, #tpu.memory_space<vmem>> -> memref<1024xf32, #tpu.memory_space<vmem>>
      tpu.wait_dma2 semaphore(%run_scoped3A_19 : memref<!tpu.dma_semaphore, #tpu.memory_space<semaphore_mem>>) src(%dma_wait3A_37 : memref<1024xf32, #tpu.memory_space<vmem>>) dst(%dma_wait3A_35 : memref<1024xf32, #tpu.memory_space<hbm>>)
      tpu.yield
    }) : () -> ()
    %run_scoped3A_18 = arith.constant 9 : i32
    "tpu.region"() ({
      %run_scoped3A_19 = tpu.sem_alloc : memref<!tpu.dma_semaphore, #tpu.memory_space<semaphore_mem>>
      %dma_start3A = arith.constant 9216 : i32
      %dma_start3A_20 = tpu.memref_slice %arg6[%dma_start3A] : memref<10240xf32, #tpu.memory_space<vmem>> -> memref<1024xf32, #tpu.memory_space<vmem>>
      %dma_start3A_21 = arith.constant 0 : i32
      %dma_start3A_22 = tpu.memref_slice %arg4[%run_scoped3A_18, %add3A, %dma_start3A_21] : memref<10x32x1024xf32, #tpu.memory_space<hbm>> -> memref<1x1x1024xf32, #tpu.memory_space<hbm>>
      %dma_start3A_23 = tpu.memref_squeeze %dma_start3A_22 : memref<1x1x1024xf32, #tpu.memory_space<hbm>> -> memref<1024xf32, #tpu.memory_space<hbm>>
      %dma_start3A_24 = arith.constant 0 : i32
      %dma_start3A_25 = tpu.memref_slice %arg4[%run_scoped3A_18, %add3A, %dma_start3A_24] : memref<10x32x1024xf32, #tpu.memory_space<hbm>> -> memref<1x1x1024xf32, #tpu.memory_space<hbm>>
      %dma_start3A_26 = tpu.memref_squeeze %dma_start3A_25 : memref<1x1x1024xf32, #tpu.memory_space<hbm>> -> memref<1024xf32, #tpu.memory_space<hbm>>
      %dma_start3A_27 = arith.constant 9216 : i32
      %dma_start3A_28 = tpu.memref_slice %arg6[%dma_start3A_27] : memref<10240xf32, #tpu.memory_space<vmem>> -> memref<1024xf32, #tpu.memory_space<vmem>>
      tpu.enqueue_dma source(%dma_start3A_28 : memref<1024xf32, #tpu.memory_space<vmem>>) target(%dma_start3A_26 : memref<1024xf32, #tpu.memory_space<hbm>>) target_semaphore(%run_scoped3A_19 : memref<!tpu.dma_semaphore, #tpu.memory_space<semaphore_mem>>)
      %dma_wait3A = arith.constant 9216 : i32
      %dma_wait3A_29 = tpu.memref_slice %arg6[%dma_wait3A] : memref<10240xf32, #tpu.memory_space<vmem>> -> memref<1024xf32, #tpu.memory_space<vmem>>
      %dma_wait3A_30 = arith.constant 0 : i32
      %dma_wait3A_31 = tpu.memref_slice %arg4[%run_scoped3A_18, %add3A, %dma_wait3A_30] : memref<10x32x1024xf32, #tpu.memory_space<hbm>> -> memref<1x1x1024xf32, #tpu.memory_space<hbm>>
      %dma_wait3A_32 = tpu.memref_squeeze %dma_wait3A_31 : memref<1x1x1024xf32, #tpu.memory_space<hbm>> -> memref<1024xf32, #tpu.memory_space<hbm>>
      %dma_wait3A_33 = arith.constant 0 : i32
      %dma_wait3A_34 = tpu.memref_slice %arg4[%run_scoped3A_18, %add3A, %dma_wait3A_33] : memref<10x32x1024xf32, #tpu.memory_space<hbm>> -> memref<1x1x1024xf32, #tpu.memory_space<hbm>>
      %dma_wait3A_35 = tpu.memref_squeeze %dma_wait3A_34 : memref<1x1x1024xf32, #tpu.memory_space<hbm>> -> memref<1024xf32, #tpu.memory_space<hbm>>
      %dma_wait3A_36 = arith.constant 9216 : i32
      %dma_wait3A_37 = tpu.memref_slice %arg6[%dma_wait3A_36] : memref<10240xf32, #tpu.memory_space<vmem>> -> memref<1024xf32, #tpu.memory_space<vmem>>
      tpu.wait_dma2 semaphore(%run_scoped3A_19 : memref<!tpu.dma_semaphore, #tpu.memory_space<semaphore_mem>>) src(%dma_wait3A_37 : memref<1024xf32, #tpu.memory_space<vmem>>) dst(%dma_wait3A_35 : memref<1024xf32, #tpu.memory_space<hbm>>)
      tpu.yield
    }) : () -> ()
    return
  }
}

module attributes {stable_mosaic.version = 14 : i64} {
  func.func @_tc_a_body(%arg0: i32, %arg1: memref<1024x128xf32, #tpu.memory_space<vmem>>, %arg2: memref<128x128xf32, #tpu.memory_space<vmem>>, %arg3: memref<1x32x1024xf32, #tpu.memory_space<vmem>>, %arg4: memref<1024x128xf32, #tpu.memory_space<vmem>>, %arg5: memref<1024x128xf32, #tpu.memory_space<vmem>>) attributes {dimension_semantics = [#tpu.dimension_semantics<arbitrary>], iteration_bounds = array<i64: 10>, scalar_prefetch = 0 : i64, scratch_operands = 0 : i64, tpu.core_type = #tpu.core_type<tc>, window_params = [{transform_indices = @transform_0, window_bounds = array<i64: 1024, 128>}, {pipeline_mode = #tpu.pipeline_mode<synchronous>, transform_indices = @transform_1, window_bounds = array<i64: 128, 128>}, {transform_indices = @transform_2, window_bounds = array<i64: 1, 32, 1024>}, {transform_indices = @transform_3, window_bounds = array<i64: 1024, 128>}, {transform_indices = @transform_4, window_bounds = array<i64: 1024, 128>}]} {
    %get3A = arith.constant 0 : index
    %get3A_0 = arith.constant 0 : index
    %get3A_1 = arith.constant 0 : index
    %get3A_2 = vector.load %arg3[%get3A, %get3A_0, %get3A_1] : memref<1x32x1024xf32, #tpu.memory_space<vmem>>, vector<1x32x1024xf32>
    %get3A_3 = vector.shape_cast %get3A_2 : vector<1x32x1024xf32> to vector<32x1024xf32>
    %reduce_sum3A = arith.constant dense<0.000000e+00> : vector<1024xf32>
    %reduce_sum3A_4 = vector.multi_reduction <add>, %get3A_3, %reduce_sum3A [0] : vector<32x1024xf32> to vector<1024xf32>
    %broadcast_in_dim3A = vector.shape_cast %reduce_sum3A_4 : vector<1024xf32> to vector<1x1024xf32>
    %add3A = arith.constant 1.000000e+00 : f32
    %add3A_5 = vector.broadcast %add3A : f32 to vector<1x1024xf32>
    %add3A_6 = arith.addf %add3A_5, %broadcast_in_dim3A : vector<1x1024xf32>
    %rsqrt3A = math.rsqrt %add3A_6 : vector<1x1024xf32>
    %broadcast_in_dim3A_7 = arith.constant 1.000000e+00 : f32
    %broadcast_in_dim3A_8 = vector.broadcast %broadcast_in_dim3A_7 : f32 to vector<1x128xf32>
    %dot_general3A = arith.constant dense<0.000000e+00> : vector<1024x128xf32>
    %dot_general3A_9 = tpu.matmul %rsqrt3A, %broadcast_in_dim3A_8, %dot_general3A {dimension_numbers = #tpu.dot_dimension_numbers<[0], [0], [1], [1], [0, 1, 1, 1], [], []>, transpose_lhs_hint = false} : vector<1x1024xf32>, vector<1x128xf32>, vector<1024x128xf32> -> vector<1024x128xf32>
    %get3A_10 = arith.constant 0 : index
    %get3A_11 = arith.constant 0 : index
    %get3A_12 = vector.load %arg1[%get3A_10, %get3A_11] : memref<1024x128xf32, #tpu.memory_space<vmem>>, vector<1024x128xf32>
    %get3A_13 = arith.constant 0 : index
    %get3A_14 = arith.constant 0 : index
    %get3A_15 = vector.load %arg2[%get3A_13, %get3A_14] : memref<128x128xf32, #tpu.memory_space<vmem>>, vector<128x128xf32>
    %dot_general3A_16 = arith.constant dense<0.000000e+00> : vector<1024x128xf32>
    %dot_general3A_17 = tpu.matmul %get3A_12, %get3A_15, %dot_general3A_16 {dimension_numbers = #tpu.dot_dimension_numbers<[1], [0], [0], [1], [0, 0, 1, 1], [], []>, transpose_lhs_hint = false} : vector<1024x128xf32>, vector<128x128xf32>, vector<1024x128xf32> -> vector<1024x128xf32>
    %swap3A = arith.constant 0 : index
    %swap3A_18 = arith.constant 0 : index
    %swap3A_19 = vector.load %arg4[%swap3A, %swap3A_18] : memref<1024x128xf32, #tpu.memory_space<vmem>>, vector<1024x128xf32>
    tpu.vector_store %arg4[%swap3A, %swap3A_18], %dot_general3A_17 {strides = array<i32>} : memref<1024x128xf32, #tpu.memory_space<vmem>>, vector<1024x128xf32>,
    %mul3A = arith.mulf %dot_general3A_9, %dot_general3A_17 : vector<1024x128xf32>
    %swap3A_20 = arith.constant 0 : index
    %swap3A_21 = arith.constant 0 : index
    %swap3A_22 = vector.load %arg5[%swap3A_20, %swap3A_21] : memref<1024x128xf32, #tpu.memory_space<vmem>>, vector<1024x128xf32>
    tpu.vector_store %arg5[%swap3A_20, %swap3A_21], %mul3A {strides = array<i32>} : memref<1024x128xf32, #tpu.memory_space<vmem>>, vector<1024x128xf32>,
    return
  }
  func.func @transform_0(%arg0: i32) -> (i32, i32) {
    %c0_i32 = arith.constant 0 : i32
    %c0_i32_0 = arith.constant 0 : i32
    return %arg0, %c0_i32 : i32, i32
  }
  func.func @transform_1(%arg0: i32) -> (i32, i32) {
    %c0_i32 = arith.constant 0 : i32
    %c0_i32_0 = arith.constant 0 : i32
    %c0_i32_1 = arith.constant 0 : i32
    return %c0_i32, %c0_i32_0 : i32, i32
  }
  func.func @transform_2(%arg0: i32) -> (i32, i32, i32) {
    %c0_i32 = arith.constant 0 : i32
    %c0_i32_0 = arith.constant 0 : i32
    %c0_i32_1 = arith.constant 0 : i32
    return %arg0, %c0_i32, %c0_i32_0 : i32, i32, i32
  }
  func.func @transform_3(%arg0: i32) -> (i32, i32) {
    %c0_i32 = arith.constant 0 : i32
    %c0_i32_0 = arith.constant 0 : i32
    return %arg0, %c0_i32 : i32, i32
  }
  func.func @transform_4(%arg0: i32) -> (i32, i32) {
    %c0_i32 = arith.constant 0 : i32
    %c0_i32_0 = arith.constant 0 : i32
    return %arg0, %c0_i32 : i32, i32
  }
}

module attributes {stable_mosaic.version = 14 : i64} {
  func.func @_tc_mid_body(%arg0: i32, %arg1: memref<2x1024x128xf32, #tpu.memory_space<vmem>>, %arg2: memref<1x32x1024xf32, #tpu.memory_space<vmem>>, %arg3: memref<1024x128xf32, #tpu.memory_space<vmem>>, %arg4: memref<1x128xf32, #tpu.memory_space<vmem>>, %arg5: memref<1x128xf32, #tpu.memory_space<vmem>>, %arg6: memref<128x128xf32, #tpu.memory_space<vmem>>, %arg7: memref<1024x128xf32, #tpu.memory_space<vmem>>, %arg8: memref<1024x128xf32, #tpu.memory_space<vmem>>) attributes {dimension_semantics = [#tpu.dimension_semantics<arbitrary>], iteration_bounds = array<i64: 10>, scalar_prefetch = 0 : i64, scratch_operands = 0 : i64, tpu.core_type = #tpu.core_type<tc>, window_params = [{transform_indices = @transform_0, window_bounds = array<i64: 2, 1024, 128>}, {transform_indices = @transform_1, window_bounds = array<i64: 1, 32, 1024>}, {transform_indices = @transform_2, window_bounds = array<i64: 1024, 128>}, {pipeline_mode = #tpu.pipeline_mode<synchronous>, transform_indices = @transform_3, window_bounds = array<i64: 1, 128>}, {pipeline_mode = #tpu.pipeline_mode<synchronous>, transform_indices = @transform_4, window_bounds = array<i64: 1, 128>}, {pipeline_mode = #tpu.pipeline_mode<synchronous>, transform_indices = @transform_5, window_bounds = array<i64: 128, 128>}, {transform_indices = @transform_6, window_bounds = array<i64: 1024, 128>}, {transform_indices = @transform_7, window_bounds = array<i64: 1024, 128>}]} {
    %get3A = arith.constant 0 : index
    %get3A_0 = arith.constant 0 : index
    %get3A_1 = arith.constant 0 : index
    %get3A_2 = vector.load %arg1[%get3A, %get3A_0, %get3A_1] : memref<2x1024x128xf32, #tpu.memory_space<vmem>>, vector<1x1024x128xf32>
    %get3A_3 = vector.shape_cast %get3A_2 : vector<1x1024x128xf32> to vector<1024x128xf32>
    %get3A_4 = arith.constant 1 : index
    %get3A_5 = arith.constant 0 : index
    %get3A_6 = arith.constant 0 : index
    %get3A_7 = vector.load %arg1[%get3A_4, %get3A_5, %get3A_6] : memref<2x1024x128xf32, #tpu.memory_space<vmem>>, vector<1x1024x128xf32>
    %get3A_8 = vector.shape_cast %get3A_7 : vector<1x1024x128xf32> to vector<1024x128xf32>
    %add3A = arith.addf %get3A_3, %get3A_8 : vector<1024x128xf32>
    %get3A_9 = arith.constant 0 : index
    %get3A_10 = arith.constant 0 : index
    %get3A_11 = arith.constant 0 : index
    %get3A_12 = vector.load %arg2[%get3A_9, %get3A_10, %get3A_11] : memref<1x32x1024xf32, #tpu.memory_space<vmem>>, vector<1x32x1024xf32>
    %get3A_13 = vector.shape_cast %get3A_12 : vector<1x32x1024xf32> to vector<32x1024xf32>
    %reduce_sum3A = arith.constant dense<0.000000e+00> : vector<1024xf32>
    %reduce_sum3A_14 = vector.multi_reduction <add>, %get3A_13, %reduce_sum3A [0] : vector<32x1024xf32> to vector<1024xf32>
    %broadcast_in_dim3A = vector.shape_cast %reduce_sum3A_14 : vector<1024xf32> to vector<1x1024xf32>
    %add3A_15 = arith.constant 1.000000e+00 : f32
    %add3A_16 = vector.broadcast %add3A_15 : f32 to vector<1x1024xf32>
    %add3A_17 = arith.addf %add3A_16, %broadcast_in_dim3A : vector<1x1024xf32>
    %rsqrt3A = math.rsqrt %add3A_17 : vector<1x1024xf32>
    %broadcast_in_dim3A_18 = arith.constant 1.000000e+00 : f32
    %broadcast_in_dim3A_19 = vector.broadcast %broadcast_in_dim3A_18 : f32 to vector<1x128xf32>
    %dot_general3A = arith.constant dense<0.000000e+00> : vector<1024x128xf32>
    %dot_general3A_20 = tpu.matmul %rsqrt3A, %broadcast_in_dim3A_19, %dot_general3A {dimension_numbers = #tpu.dot_dimension_numbers<[0], [0], [1], [1], [0, 1, 1, 1], [], []>, transpose_lhs_hint = false} : vector<1x1024xf32>, vector<1x128xf32>, vector<1024x128xf32> -> vector<1024x128xf32>
    %mul3A = arith.mulf %dot_general3A_20, %add3A : vector<1024x128xf32>
    %mul3A_21 = arith.mulf %dot_general3A_20, %dot_general3A_20 : vector<1024x128xf32>
    %get3A_22 = arith.constant 0 : index
    %get3A_23 = arith.constant 0 : index
    %get3A_24 = vector.load %arg3[%get3A_22, %get3A_23] : memref<1024x128xf32, #tpu.memory_space<vmem>>, vector<1024x128xf32>
    %mul3A_25 = arith.mulf %mul3A_21, %get3A_24 : vector<1024x128xf32>
    %add3A_26 = arith.addf %mul3A, %mul3A_25 : vector<1024x128xf32>
    %get3A_27 = arith.constant 0 : index
    %get3A_28 = arith.constant 0 : index
    %get3A_29 = vector.load %arg4[%get3A_27, %get3A_28] : memref<1x128xf32, #tpu.memory_space<vmem>>, vector<1x128xf32>
    %add3A_30 = vector.broadcast %get3A_29 : vector<1x128xf32> to vector<1024x128xf32>
    %add3A_31 = arith.addf %add3A_26, %add3A_30 : vector<1024x128xf32>
    %ge3A = arith.constant 0.000000e+00 : f32
    %ge3A_32 = vector.broadcast %ge3A : f32 to vector<1024x128xf32>
    %ge3A_33 = arith.cmpf oge, %add3A_31, %ge3A_32 : vector<1024x128xf32>
    %get3A_34 = arith.constant 0 : index
    %get3A_35 = arith.constant 0 : index
    %get3A_36 = vector.load %arg5[%get3A_34, %get3A_35] : memref<1x128xf32, #tpu.memory_space<vmem>>, vector<1x128xf32>
    %mul3A_37 = vector.broadcast %get3A_36 : vector<1x128xf32> to vector<1024x128xf32>
    %mul3A_38 = arith.mulf %mul3A_37, %add3A_31 : vector<1024x128xf32>
    %select_n3A = arith.select %ge3A_33, %add3A_31, %mul3A_38 : vector<1024x128xi1>, vector<1024x128xf32>
    %get3A_39 = arith.constant 0 : index
    %get3A_40 = arith.constant 0 : index
    %get3A_41 = vector.load %arg6[%get3A_39, %get3A_40] : memref<128x128xf32, #tpu.memory_space<vmem>>, vector<128x128xf32>
    %dot_general3A_42 = arith.constant dense<0.000000e+00> : vector<1024x128xf32>
    %dot_general3A_43 = tpu.matmul %select_n3A, %get3A_41, %dot_general3A_42 {dimension_numbers = #tpu.dot_dimension_numbers<[1], [0], [0], [1], [0, 0, 1, 1], [], []>, transpose_lhs_hint = false} : vector<1024x128xf32>, vector<128x128xf32>, vector<1024x128xf32> -> vector<1024x128xf32>
    %swap3A = arith.constant 0 : index
    %swap3A_44 = arith.constant 0 : index
    %swap3A_45 = vector.load %arg7[%swap3A, %swap3A_44] : memref<1024x128xf32, #tpu.memory_space<vmem>>, vector<1024x128xf32>
    tpu.vector_store %arg7[%swap3A, %swap3A_44], %dot_general3A_43 {strides = array<i32>} : memref<1024x128xf32, #tpu.memory_space<vmem>>, vector<1024x128xf32>,
    %mul3A_46 = arith.mulf %dot_general3A_20, %dot_general3A_43 : vector<1024x128xf32>
    %swap3A_47 = arith.constant 0 : index
    %swap3A_48 = arith.constant 0 : index
    %swap3A_49 = vector.load %arg8[%swap3A_47, %swap3A_48] : memref<1024x128xf32, #tpu.memory_space<vmem>>, vector<1024x128xf32>
    tpu.vector_store %arg8[%swap3A_47, %swap3A_48], %mul3A_46 {strides = array<i32>} : memref<1024x128xf32, #tpu.memory_space<vmem>>, vector<1024x128xf32>,
    return
  }
  func.func @transform_0(%arg0: i32) -> (i32, i32, i32) {
    %c0_i32 = arith.constant 0 : i32
    %c0_i32_0 = arith.constant 0 : i32
    %c0_i32_1 = arith.constant 0 : i32
    return %c0_i32, %arg0, %c0_i32_0 : i32, i32, i32
  }
  func.func @transform_1(%arg0: i32) -> (i32, i32, i32) {
    %c0_i32 = arith.constant 0 : i32
    %c0_i32_0 = arith.constant 0 : i32
    %c0_i32_1 = arith.constant 0 : i32
    return %arg0, %c0_i32, %c0_i32_0 : i32, i32, i32
  }
  func.func @transform_2(%arg0: i32) -> (i32, i32) {
    %c0_i32 = arith.constant 0 : i32
    %c0_i32_0 = arith.constant 0 : i32
    return %arg0, %c0_i32 : i32, i32
  }
  func.func @transform_3(%arg0: i32) -> (i32, i32) {
    %c0_i32 = arith.constant 0 : i32
    %c0_i32_0 = arith.constant 0 : i32
    %c0_i32_1 = arith.constant 0 : i32
    return %c0_i32, %c0_i32_0 : i32, i32
  }
  func.func @transform_4(%arg0: i32) -> (i32, i32) {
    %c0_i32 = arith.constant 0 : i32
    %c0_i32_0 = arith.constant 0 : i32
    %c0_i32_1 = arith.constant 0 : i32
    return %c0_i32, %c0_i32_0 : i32, i32
  }
  func.func @transform_5(%arg0: i32) -> (i32, i32) {
    %c0_i32 = arith.constant 0 : i32
    %c0_i32_0 = arith.constant 0 : i32
    %c0_i32_1 = arith.constant 0 : i32
    return %c0_i32, %c0_i32_0 : i32, i32
  }
  func.func @transform_6(%arg0: i32) -> (i32, i32) {
    %c0_i32 = arith.constant 0 : i32
    %c0_i32_0 = arith.constant 0 : i32
    return %arg0, %c0_i32 : i32, i32
  }
  func.func @transform_7(%arg0: i32) -> (i32, i32) {
    %c0_i32 = arith.constant 0 : i32
    %c0_i32_0 = arith.constant 0 : i32
    return %arg0, %c0_i32 : i32, i32
  }
}

module attributes {stable_mosaic.version = 14 : i64} {
  func.func @_tc_out_body(%arg0: i32, %arg1: memref<2x1024x128xf32, #tpu.memory_space<vmem>>, %arg2: memref<1x32x1024xf32, #tpu.memory_space<vmem>>, %arg3: memref<1024x128xf32, #tpu.memory_space<vmem>>, %arg4: memref<1x128xf32, #tpu.memory_space<vmem>>, %arg5: memref<1x128xf32, #tpu.memory_space<vmem>>, %arg6: memref<1024x128xf32, #tpu.memory_space<vmem>>) attributes {dimension_semantics = [#tpu.dimension_semantics<arbitrary>], iteration_bounds = array<i64: 10>, scalar_prefetch = 0 : i64, scratch_operands = 0 : i64, tpu.core_type = #tpu.core_type<tc>, window_params = [{transform_indices = @transform_0, window_bounds = array<i64: 2, 1024, 128>}, {transform_indices = @transform_1, window_bounds = array<i64: 1, 32, 1024>}, {transform_indices = @transform_2, window_bounds = array<i64: 1024, 128>}, {pipeline_mode = #tpu.pipeline_mode<synchronous>, transform_indices = @transform_3, window_bounds = array<i64: 1, 128>}, {pipeline_mode = #tpu.pipeline_mode<synchronous>, transform_indices = @transform_4, window_bounds = array<i64: 1, 128>}, {transform_indices = @transform_5, window_bounds = array<i64: 1024, 128>}]} {
    %get3A = arith.constant 0 : index
    %get3A_0 = arith.constant 0 : index
    %get3A_1 = arith.constant 0 : index
    %get3A_2 = vector.load %arg1[%get3A, %get3A_0, %get3A_1] : memref<2x1024x128xf32, #tpu.memory_space<vmem>>, vector<1x1024x128xf32>
    %get3A_3 = vector.shape_cast %get3A_2 : vector<1x1024x128xf32> to vector<1024x128xf32>
    %get3A_4 = arith.constant 1 : index
    %get3A_5 = arith.constant 0 : index
    %get3A_6 = arith.constant 0 : index
    %get3A_7 = vector.load %arg1[%get3A_4, %get3A_5, %get3A_6] : memref<2x1024x128xf32, #tpu.memory_space<vmem>>, vector<1x1024x128xf32>
    %get3A_8 = vector.shape_cast %get3A_7 : vector<1x1024x128xf32> to vector<1024x128xf32>
    %add3A = arith.addf %get3A_3, %get3A_8 : vector<1024x128xf32>
    %get3A_9 = arith.constant 0 : index
    %get3A_10 = arith.constant 0 : index
    %get3A_11 = arith.constant 0 : index
    %get3A_12 = vector.load %arg2[%get3A_9, %get3A_10, %get3A_11] : memref<1x32x1024xf32, #tpu.memory_space<vmem>>, vector<1x32x1024xf32>
    %get3A_13 = vector.shape_cast %get3A_12 : vector<1x32x1024xf32> to vector<32x1024xf32>
    %reduce_sum3A = arith.constant dense<0.000000e+00> : vector<1024xf32>
    %reduce_sum3A_14 = vector.multi_reduction <add>, %get3A_13, %reduce_sum3A [0] : vector<32x1024xf32> to vector<1024xf32>
    %broadcast_in_dim3A = vector.shape_cast %reduce_sum3A_14 : vector<1024xf32> to vector<1x1024xf32>
    %add3A_15 = arith.constant 1.000000e+00 : f32
    %add3A_16 = vector.broadcast %add3A_15 : f32 to vector<1x1024xf32>
    %add3A_17 = arith.addf %add3A_16, %broadcast_in_dim3A : vector<1x1024xf32>
    %rsqrt3A = math.rsqrt %add3A_17 : vector<1x1024xf32>
    %broadcast_in_dim3A_18 = arith.constant 1.000000e+00 : f32
    %broadcast_in_dim3A_19 = vector.broadcast %broadcast_in_dim3A_18 : f32 to vector<1x128xf32>
    %dot_general3A = arith.constant dense<0.000000e+00> : vector<1024x128xf32>
    %dot_general3A_20 = tpu.matmul %rsqrt3A, %broadcast_in_dim3A_19, %dot_general3A {dimension_numbers = #tpu.dot_dimension_numbers<[0], [0], [1], [1], [0, 1, 1, 1], [], []>, transpose_lhs_hint = false} : vector<1x1024xf32>, vector<1x128xf32>, vector<1024x128xf32> -> vector<1024x128xf32>
    %mul3A = arith.mulf %dot_general3A_20, %add3A : vector<1024x128xf32>
    %mul3A_21 = arith.mulf %dot_general3A_20, %dot_general3A_20 : vector<1024x128xf32>
    %get3A_22 = arith.constant 0 : index
    %get3A_23 = arith.constant 0 : index
    %get3A_24 = vector.load %arg3[%get3A_22, %get3A_23] : memref<1024x128xf32, #tpu.memory_space<vmem>>, vector<1024x128xf32>
    %mul3A_25 = arith.mulf %mul3A_21, %get3A_24 : vector<1024x128xf32>
    %add3A_26 = arith.addf %mul3A, %mul3A_25 : vector<1024x128xf32>
    %get3A_27 = arith.constant 0 : index
    %get3A_28 = arith.constant 0 : index
    %get3A_29 = vector.load %arg4[%get3A_27, %get3A_28] : memref<1x128xf32, #tpu.memory_space<vmem>>, vector<1x128xf32>
    %add3A_30 = vector.broadcast %get3A_29 : vector<1x128xf32> to vector<1024x128xf32>
    %add3A_31 = arith.addf %add3A_26, %add3A_30 : vector<1024x128xf32>
    %ge3A = arith.constant 0.000000e+00 : f32
    %ge3A_32 = vector.broadcast %ge3A : f32 to vector<1024x128xf32>
    %ge3A_33 = arith.cmpf oge, %add3A_31, %ge3A_32 : vector<1024x128xf32>
    %get3A_34 = arith.constant 0 : index
    %get3A_35 = arith.constant 0 : index
    %get3A_36 = vector.load %arg5[%get3A_34, %get3A_35] : memref<1x128xf32, #tpu.memory_space<vmem>>, vector<1x128xf32>
    %mul3A_37 = vector.broadcast %get3A_36 : vector<1x128xf32> to vector<1024x128xf32>
    %mul3A_38 = arith.mulf %mul3A_37, %add3A_31 : vector<1024x128xf32>
    %select_n3A = arith.select %ge3A_33, %add3A_31, %mul3A_38 : vector<1024x128xi1>, vector<1024x128xf32>
    %swap3A = arith.constant 0 : index
    %swap3A_39 = arith.constant 0 : index
    %swap3A_40 = vector.load %arg6[%swap3A, %swap3A_39] : memref<1024x128xf32, #tpu.memory_space<vmem>>, vector<1024x128xf32>
    tpu.vector_store %arg6[%swap3A, %swap3A_39], %select_n3A {strides = array<i32>} : memref<1024x128xf32, #tpu.memory_space<vmem>>, vector<1024x128xf32>,
    return
  }
  func.func @transform_0(%arg0: i32) -> (i32, i32, i32) {
    %c0_i32 = arith.constant 0 : i32
    %c0_i32_0 = arith.constant 0 : i32
    %c0_i32_1 = arith.constant 0 : i32
    return %c0_i32, %arg0, %c0_i32_0 : i32, i32, i32
  }
  func.func @transform_1(%arg0: i32) -> (i32, i32, i32) {
    %c0_i32 = arith.constant 0 : i32
    %c0_i32_0 = arith.constant 0 : i32
    %c0_i32_1 = arith.constant 0 : i32
    return %arg0, %c0_i32, %c0_i32_0 : i32, i32, i32
  }
  func.func @transform_2(%arg0: i32) -> (i32, i32) {
    %c0_i32 = arith.constant 0 : i32
    %c0_i32_0 = arith.constant 0 : i32
    return %arg0, %c0_i32 : i32, i32
  }
  func.func @transform_3(%arg0: i32) -> (i32, i32) {
    %c0_i32 = arith.constant 0 : i32
    %c0_i32_0 = arith.constant 0 : i32
    %c0_i32_1 = arith.constant 0 : i32
    return %c0_i32, %c0_i32_0 : i32, i32
  }
  func.func @transform_4(%arg0: i32) -> (i32, i32) {
    %c0_i32 = arith.constant 0 : i32
    %c0_i32_0 = arith.constant 0 : i32
    %c0_i32_1 = arith.constant 0 : i32
    return %c0_i32, %c0_i32_0 : i32, i32
  }
  func.func @transform_5(%arg0: i32) -> (i32, i32) {
    %c0_i32 = arith.constant 0 : i32
    %c0_i32_0 = arith.constant 0 : i32
    return %arg0, %c0_i32 : i32, i32
  }
}

</mosaic_0001>

<sc_bundles>
// kernel: kernel.11.cloned.1.call-start
scs
__scs_entry_jumppad:
0x0: {  	(pc) =	sbr.rel $0x88, $3  }
0x1: {  	(tag) =	ssettag $0x0;
	lr =	simm.s32 $0x1  }
0x2: {  	[smem:$0x3F9A] =	sst lr;
	_ =	strace $0xD0000000  }
0x3: {  	_ = 	snop  }
0x4: {  	_ = 	snop  }
0x5: {  	_ = 	snop  }
0x6: {  	_ = 	snop  }
0x7: {  	_ = 	snop  }
__scs_overlays_trampoline_lowered:
0x8: {  	[smem:$0x3FA9] =	sst s0  }
0x9: {  	[smem:$0x3FAA] =	sst s1  }
0xa: {  	[smem:$0x3FAB] =	sst s2  }
0xb: {  	[smem:$0x3FAC] =	sst s3  }
0xc: {  	[smem:$0x3FAD] =	sst s4  }
0xd: {  	[smem:$0x3FAE] =	sst s5  }
0xe: {  	[smem:$0x3FAF] =	sst s6  }
0xf: {  	[smem:$0x3FB0] =	sst s7  }
0x10: {  	[smem:$0x3FB1] =	sst s8  }
0x11: {  	[smem:$0x3FB2] =	sst s9;
	s0 =	simm.s32 @!p0 $0x0  }
0x12: {  	s1 =	sld [smem:$0x3F98];
	s0 =	simm.s32 @p0 $0x1  }
0x13: {  	[smem:$0x3FB3] =	sst s0;
	s0 =	simm.s32 @!p1 $0x0  }
0x14: {  	s2 =	sld [smem:$0x3F97];
	s0 =	simm.s32 @p1 $0x1  }
0x15: {  	[smem:$0x3FB4] =	sst s0;
	s0 =	simm.s32 @!p2 $0x0  }
0x16: {  	s3 =	sld [smem:$0x3FDB];
	s0 =	simm.s32 @p2 $0x1  }
0x17: {  	s4 =	simm.s32 $0x1BF5;
	[smem:$0x3FB6] =	sst s0  }
0x18: {  	s0 =	sld [smem:$0x3F99];
	_ =	swait.ge [sflag:s4], $0x0  }
0x19: {  	s7 =	sld [smem:$0x3F9A]  }
0x1a: {  	s8 =	sadd.s32 $0xFFFFE003, lr  }
0x1b: {  	s9 =	sadd.s32 $0xFFFFFEF7, lr;
	s5 =	simm.s32 $0xFFFFFFFF;
	p2 =	slt.u32 s8, $0xFFFFF086  }
0x1c: {  	p1 =	slt.u32 s9, $0xF7A;
	s5 =	simm.s32 @!p2 $0x0  }
0x1d: {  	s5 =	simm.s32 @p1 $0x1;
	p0 =	seq.s32 s7, s2  }
0x1e: {  	s7 =	smul.u32 @!p0 $0xF7A, s2;
	p2 =	seq.s32 @!p0 s5, $0x0  }
0x1f: {  	s9 =	smul.u32 $0xF7A, s1;
	s8 =	simm.s32 @!p0 $0x1BF5;
	p2 =	por !p2, p0  }
0x20: {  	[sflag:s8] =	ssyncset.s32 @!p0 $0xFFFFF086;
	s6 =	sadd.s32 @!p0 s3, s7;
	s7 =	simm.s32 @!p0 $0x108  }
0x21: {  	s3 =	sadd.s32 s3, s9;
	s6 =	sadd.s32 @!p0 $0x88, s6;
	s7 =	simm.s32 @p2 $0x1082  }
0x22: {  	[simem:s7], [sflag:s8] =	dma.local @!p0 [hbm:s6], $0xF7A  }
0x23: {  	s9 =	sor.u32 $0xD0000000, s2;
	s6 =	simm.s32 $0x108;
	_ =	swait.ge @!p0 [sflag:s8], $0x0  }
0x24: {  	s3 =	sadd.s32 $0x88, s3;
	s6 =	simm.s32 @!p1 $0x1082;
	[sflag:s4] =	ssyncset.s32 $0xFFFFF086  }
0x25: {  	[simem:s6], [sflag:s4] =	dma.local [hbm:s3], $0xF7A  }
0x26: {  	[smem:$0x3F9A] =	sst s1;
	(tag) =	ssettag s2;
	_ =	strace s9  }
0x27: {  	s1 =	sld [smem:$0x3FAA]  }
0x28: {  	s2 =	sld [smem:$0x3FAB]  }
0x29: {  	s4 =	sld [smem:$0x3FAD]  }
0x2a: {  	p0 =	seq.s32 s5, $0x0;
	s5 =	sld [smem:$0x3FAE]  }
0x2b: {  	s6 =	sld [smem:$0x3FAF]  }
0x2c: {  	s7 =	sld [smem:$0x3FB0]  }
0x2d: {  	s3 =	simm.s32 $0x108;
	s8 =	sld [smem:$0x3FB1]  }
0x2e: {  	s3 =	simm.s32 @!p0 $0x1082;
	s9 =	sld [smem:$0x3FB2]  }
0x2f: {  	lr =	sadd.s32 s0, s3;
	s0 =	sld [smem:$0x3FA9]  }
0x30: {  	s3 =	sld [smem:$0x3FAC]  }
0x31: {  	[smem:$0x3FB5] =	sst s10  }
0x32: {  	s10 =	sld [smem:$0x3FB3];
	_ =	sdelay $0x3  }
0x33: {  	p0 =	seq.s32 s10, $0x1;
	s10 =	sld [smem:$0x3FB5];
	_ =	sdelay $0x3  }
0x34: {  	[smem:$0x3FB5] =	sst s10  }
0x35: {  	s10 =	sld [smem:$0x3FB4];
	_ =	sdelay $0x3  }
0x36: {  	p1 =	seq.s32 s10, $0x1;
	s10 =	sld [smem:$0x3FB5];
	_ =	sdelay $0x3  }
0x37: {  	[smem:$0x3FB5] =	sst s10  }
0x38: {  	s10 =	sld [smem:$0x3FB6]  }
0x39: {  	_ = 	snop;
	(pc) =	sbr.ind lr, $3  }
0x3a: {  	_ = 	snop  }
0x3b: {  	_ = 	snop  }
0x3c: {  	p2 =	seq.s32 s10, $0x1;
	s10 =	sld [smem:$0x3FB5]  }
0x3d: {  	_ =	shalt  }
0x3e: {  	_ =	shalt  }
0x3f: {  	_ =	shalt  }
0x40: {  	_ =	shalt  }
0x41: {  	_ =	shalt  }
0x42: {  	_ =	shalt  }
0x43: {  	_ =	shalt  }
0x44: {  	_ =	shalt  }
0x45: {  	_ =	shalt  }
0x46: {  	_ =	shalt  }
0x47: {  	_ =	shalt  }
0x48: {  	_ =	shalt  }
0x49: {  	_ =	shalt  }
0x4a: {  	_ =	shalt  }
0x4b: {  	_ =	shalt  }
0x4c: {  	_ =	shalt  }
0x4d: {  	_ =	shalt  }
0x4e: {  	_ =	shalt  }
0x4f: {  	_ =	shalt  }
0x50: {  	_ =	shalt  }
0x51: {  	_ =	shalt  }
0x52: {  	_ =	shalt  }
0x53: {  	_ =	shalt  }
0x54: {  	_ =	shalt  }
0x55: {  	_ =	shalt  }
0x56: {  	_ =	shalt  }
0x57: {  	_ =	shalt  }
0x58: {  	_ =	shalt  }
0x59: {  	_ =	shalt  }
0x5a: {  	_ =	shalt  }
0x5b: {  	_ =	shalt  }
0x5c: {  	_ =	shalt  }
0x5d: {  	_ =	shalt  }
0x5e: {  	_ =	shalt  }
0x5f: {  	_ =	shalt  }
0x60: {  	_ =	shalt  }
0x61: {  	_ =	shalt  }
0x62: {  	_ =	shalt  }
0x63: {  	_ =	shalt  }
0x64: {  	_ =	shalt  }
0x65: {  	_ =	shalt  }
0x66: {  	_ =	shalt  }
0x67: {  	_ =	shalt  }
0x68: {  	_ =	shalt  }
0x69: {  	_ =	shalt  }
0x6a: {  	_ =	shalt  }
0x6b: {  	_ =	shalt  }
0x6c: {  	_ =	shalt  }
0x6d: {  	_ =	shalt  }
0x6e: {  	_ =	shalt  }
0x6f: {  	_ =	shalt  }
0x70: {  	_ =	shalt  }
0x71: {  	_ =	shalt  }
0x72: {  	_ =	shalt  }
0x73: {  	_ =	shalt  }
0x74: {  	_ =	shalt  }
0x75: {  	_ =	shalt  }
0x76: {  	_ =	shalt  }
0x77: {  	_ =	shalt  }
0x78: {  	_ =	shalt  }
0x79: {  	_ =	shalt  }
0x7a: {  	_ =	shalt  }
0x7b: {  	_ =	shalt  }
0x7c: {  	_ =	shalt  }
0x7d: {  	_ =	shalt  }
0x7e: {  	_ =	shalt  }
0x7f: {  	_ =	shalt  }
0x80: {  	_ =	shalt  }
0x81: {  	_ =	shalt  }
0x82: {  	_ =	shalt  }
0x83: {  	_ =	shalt  }
0x84: {  	_ =	shalt  }
0x85: {  	_ =	shalt  }
0x86: {  	_ =	shalt  }
0x87: {  	_ =	shalt  }
.Lfunc_end0:
.L_simem_size_0:
called_computation.1_lowered:
.L_overlay_start_0:
0x88: {  	s2 =	sld [smem:$0x3FD9]  }
0x89: {  	s3 =	sld [smem:$0x3FFE];
	_ =	sdelay $0x1  }
0x8a: {  	s1 =	srdreg.scid  }
0x8b: {  	s0 =	sand.u32 $0x1, s1  }
0x8c: {  	s17 =	sshll.u32 s0, $0xA;
	s2 =	sadd.s32 s3, s2  }
0x8d: {  	s2 =	sadd.s32 s2, s17  }
0x8e: {  	[smem:$0x3FC1] =	sst s2  }
0x8f: {  	_ = 	snop  }
0x90: {  	s2 =	sld [smem:$0x3FD0];
	(tm) =	ssettm $0x1  }
0x91: {  	s18 =	sld [smem:$0x3FFB];
	_ =	sdelay $0x3  }
0x92: {  	_ =	strace s18  }
0x93: {  	s3 =	sld [smem:$0x3FFC];
	_ =	sdelay $0x3  }
0x94: {  	_ =	strace s3  }
0x95: {  	s3 =	sld [smem:$0x3FFD];
	_ =	sdelay $0x3  }
0x96: {  	_ =	strace s3  }
0x97: {  	_ =	strace $0x8FFFFFFF  }
0x98: {  	s19 =	sld [smem:$0x3FDB];
	_ =	sdelay $0x1  }
0x99: {  	s4 =	simm.s32 $_scs_section_size  }
0x9a: {  	s5 =	simm.s32 $_size__tile_overlayer_lowered;
	s6 =	simm.s32 $_tile_overlayer_lowered  }
0x9b: {  	s22 =	simm.s32 $0x1BFF;
	s21 =	sshll.u32 s6, $0x1;
	s3 =	sadd.s32 s4, s19  }
0x9c: {  	s7 =	simm.s32 $0x0;
	s20 =	sshll.u32 s5, $0x1;
	s5 =	sadd.s32 s21, s3  }
0x9d: {  	[timem:s7], [sflag:s22] =	dma.local [hbm:s5], s20  }
0x9e: {  	_ =	swait.ge [sflag:s22], s20  }
0x9f: {  	s4 =	ssub.s32 $0x0, s20;
	[sflag:s22] =	ssyncset.done $0x0  }
0xa0: {  	[sflag:s22] =	ssyncadd.s32 s4;
	_ =	sdelay $0x1  }
0xa1: {  	s23 =	simm.s32 $0x1B8B  }
0xa2: {  	_ =	swait.ge [sflag:s23], $0x1  }
0xa3: {  	[sflag:s23] =	ssyncset.done $0x0  }
0xa4: {  	s25 =	simm.s32 $0x1B8E;
	s24 =	sld [smem:$0x3FFE];
	[sflag:s23] =	ssyncadd.s32 $0xFFFFFFFF  }
0xa5: {  	s26 =	simm.s32 $execute0_lowered;
	[smem:$0x3FD2] =	sst s25  }
0xa6: {  	s5 =	sshll.u32 s26, $0x1;
	_ =	strace $0x80000049;
	[dreg:$0x1] =	wrdreg $0xFFFFFFFF  }
0xa7: {  	s28 =	simm.s32 $_size_execute0_lowered;
	s3 =	sadd.s32 s3, s5;
	[dreg:$0x0] =	wrdreg $0x0  }
0xa8: {  	s5 =	sshll.u32 s28, $0x1;
	[dreg:$0x2] =	wrdreg s3  }
0xa9: {  	[dreg:$0x3] =	wrdreg s5  }
0xaa: {  	[dreg:$0x4] =	wrdreg $0xC0  }
0xab: {  	_ =	task [dreg:s7], $0x5FFFF  }
0xac: {  	[dreg:$0x1] =	wrdreg $0xFFFFFFFF  }
0xad: {  	[dreg:$0x0] =	wrdreg $0x60  }
0xae: {  	[dreg:$0x2] =	wrdreg s2  }
0xaf: {  	[dreg:$0x3] =	wrdreg s24  }
0xb0: {  	[dreg:$0x4] =	wrdreg $0x83000  }
0xb1: {  	[dreg:$0x5] =	wrdreg $0x9  }
0xb2: {  	_ =	task.clear_ibuf [dreg:s7], $0x6FFFF;
	_ =	strace $0x90000049  }
0xb3: {  	s29 =	simm.s32 $0x9;
	_ =	strace $0x8000004B  }
0xb4: {  	_ =	swait.ge [sflag:s29], $0x1  }
0xb5: {  	[sflag:s29] =	ssyncadd.s32 $0xFFFFFFFF  }
0xb6: {  	_ =	strace $0x9000004B  }
0xb7: {  	_ =	sfence  }
0xb8: {  	s30 =	sld [smem:$0x0];
	_ =	sdelay $0x2  }
0xb9: {  	s31 =	sshll.u32 s1, $0xD;
	s1 =	sshrl.u32 s1, $0x2  }
0xba: {  	s3 =	sand.u32 $0x4000, s31;
	s1 =	sadd.s32 s1, s30  }
0xbb: {  	s0 =	sor.u32 s3, s0;
	s1 =	sshll.u32 s1, $0x11  }
0xbc: {  	s0 =	sor.u32 s1, s0  }
0xbd: {  	s0 =	sadd.s32 $0x8F2B, s0  }
0xbe: {  	[sflag:s0] =	ssyncadd.remote.s32 $0x1  }
0xbf: {  	_ =	sfence.sel $0xFFFF  }
0xc0: {  	[dreg:$0x0] =	wrdreg $0xFFFFFFFF;
	(pc) =	sbr.abs _section_cstart, $3  }
0xc1: {  	[dreg:$0x1] =	wrdreg $0xFFFFFFFF  }
0xc2: {  	_ =	task.clear_ibuf [dreg:s7], $0x2FFFF;
	_ =	strace $0x9FFFFFFF  }
0xc3: {  	(tm) =	ssettm $0x7FFFFFFF  }
tec
execute0_lowered:
.L_overlay_start_1:
0x0: {  	(tag) =	ssettag $0x1  }
0x1: {  	s1 =	rddreg [dreg:$0x0]  }
0x2: {  	s0 =	rddreg [dreg:$0x1]  }
0x3: {  	s2 =	rddreg [dreg:$0x2];
	s12 =	stileid.u32  }
0x4: {  	s3 =	srdreg.scid;
	s4 =	simm.s32 $0x0;
	s8 =	smul.u32 $0x14000, s12  }
0x5: {  	s31 =	simm.s32 $0x100;
	s3 =	sand.u32 $0x1, s3;
	s10 =	smul.u32 $0x50000, s12  }
0x6: {  	[smem:$0x7FF] =	sst s4;
	s5 =	sadd.s32 $0x2000, s0;
	s24 =	smul.u32 $0x2710, s12  }
0x7: {  	s6 =	sadd.s32 $0xBE00, s0;
	s9 =	sadd.s32 $0x15C00, s0;
	s7 =	smul.u32 $0x140000, s3  }
0x8: {  	_ =	strace $0x8000004A;
	[dreg:$0x4] =	wrdreg s9;
	s19 =	ssub.s32 $0x2, s3  }
0x9: {  	s18 =	sshll.u32 s3, $0x4;
	s3 =	smul.u32 $0x27100, s3;
	s11 =	sshrl.u32 s19, $0x1  }
0xa: {  	s21 =	sshrl.u32 s10, $0x2;
	s7 =	sadd.s32 s8, s7;
	s8 =	sor.u32 s12, s18  }
0xb: {  	s20 =	ssub.s32 s19, s11;
	s9 =	sadd.s32 s21, s2;
	s3 =	sadd.s32 s24, s3  }
0xc: {  	s7 =	sshrl.u32 s7, $0x3;
	s8 =	smul.u32 $0x2710, s8;
	[dreg:$0x5] =	wrdreg s9  }
0xd: {  	s10 =	sadd.s32 $0x280, s3;
	s13 =	sadd.s32 $0x300, s3;
	s14 =	sadd.s32 $0x200, s3  }
0xe: {  	s16 =	sadd.s32 $0x180, s3;
	s0 =	sadd.s32 s7, s0;
	s7 =	smax.u32 s20, $0x1  }
0xf: {  	s11 =	sshrl.u32 s10, $0x3;
	[dreg:$0xe] =	wrdreg s13;
	s15 =	sshrl.u32 s14, $0x3  }
0x10: {  	s10 =	simm.s32 $0x1;
	s13 =	simm.s32 $0x4;
	s8 =	sshrl.u32 s8, $0x3  }
0x11: {  	s0 =	sadd.s32 $0x18400, s0;
	[dreg:$0xd] =	wrdreg s7;
	s20 =	sadd.s32 s11, s6  }
0x12: {  	s21 =	sadd.s32 s11, s5;
	s7 =	sshrl.u32 s16, $0x3;
	s11 =	simm.s32 $0x4300  }
0x13: {  	s16 =	simm.s32 $0x0;
	s22 =	sadd.s32 s5, s8;
	[dreg:$0xc] =	wrdreg s0  }
0x14: {  	s23 =	sadd.s32 $0x10, s8;
	s25 =	sadd.s32 s6, s8;
	[dreg:$0x6] =	wrdreg s22  }
0x15: {  	s8 =	sadd.s32 $0x4E0, s8;
	[dreg:$0x7] =	wrdreg s25;
	s26 =	sadd.s32 s5, s23  }
0x16: {  	s24 =	sadd.s32 s7, s6;
	s9 =	sadd.s32 s6, s23;
	[dreg:$0x8] =	wrdreg s26  }
0x17: {  	s30 =	sadd.s32 s5, s8;
	s8 =	sadd.s32 s6, s8;
	[dreg:$0x9] =	wrdreg s9  }
0x18: {  	s22 =	sadd.s32 s15, s6;
	s23 =	sadd.s32 s15, s5;
	[dreg:$0xa] =	wrdreg s30  }
0x19: {  	s25 =	sadd.s32 s7, s5;
	s7 =	simm.s32 $0x300;
	[dreg:$0xb] =	wrdreg s8  }
0x1a: {  	s9 =	sadd.s32 $0x380, s3;
	s3 =	sadd.s32 $0x100, s3;
	s26 =	sshll.u32 s12, $0x6  }
.Ltmp0:
0x1b: {  	s8 =	simm.s32 $0x2;
	s12 =	simm.s32 $0x200;
	(pc) =	sbr.rel .LBB2_1-.Ltmp0, $4  }
0x1c: {  	s0 =	sshrl.u32 s9, $0x3;
	s19 =	sshrl.u32 s3, $0x3;
	[dreg:$0xf] =	wrdreg s26  }
0x1d: {  	s30 =	sor.u32 $0x1C02, s26;
	s3 =	simm.s32 $0x80;
	s9 =	simm.s32 $0x180  }
0x1e: {  	s17 =	sadd.s32 s0, s6;
	s18 =	sadd.s32 s0, s5;
	s28 =	sadd.s32 s19, s6  }
0x1f: {  	s29 =	sadd.s32 s19, s5;
	[dreg:$0x10] =	wrdreg s30;
	s0 =	simm.s32 $0x3  }
.LBB2_4:
0x20: {  	_ =	swait.ge [sflag:s10], $0x4000  }
0x21: {  	[sflag:s10] =	ssyncset.done $0x0  }
0x22: {  	[sflag:s10] =	ssyncadd.s32 $0xFFFFC000  }
0x23: {  	_ =	swait.ge [sflag:s8], $0x4000  }
0x24: {  	[sflag:s8] =	ssyncset.done $0x0  }
0x25: {  	[sflag:s8] =	ssyncadd.s32 $0xFFFFC000  }
0x26: {  	[spmem:s2] =	stream.indirect.scatter.add.f32 [tilespmem:s11], [sflag:$0x2], $0x80, s12, s3, $0xb8;
	[tilespmem:$0x1C300] =	vst v63  }
0x27: {  	_ =	swait.ge [sflag:s8], $0x4000  }
0x28: {  	[sflag:s8] =	ssyncset.done $0x0  }
0x29: {  	s14 =	rddreg [dreg:$0xa];
	[sflag:s8] =	ssyncadd.s32 $0xFFFFC000  }
0x2a: {  	[tilespmem:s4], [sflag:$0x4] =	stream.linear.gather [hbm4b:s14+s4], $0x10, $0x38;
	[tilespmem:$0x1C300] =	vst v63  }
0x2b: {  	_ =	swait.ge [sflag:s13], $0x10  }
0x2c: {  	[sflag:s13] =	ssyncset.done $0x0  }
0x2d: {  	s15 =	simm.s32 $0x10;
	[sflag:s13] =	ssyncadd.s32 $0xFFFFFFF0  }
0x2e: {  	[tilespmem:s7], [sflag:$0x1] =	stream.indirect.gather [hbm4b:s1+s15], $0x80, s4, s15, $0xb8;
	[tilespmem:$0x1C300] =	vst v63  }
0x2f: {  	_ =	swait.ge [sflag:s10], $0x800  }
0x30: {  	[sflag:s10] =	ssyncset.done $0x0  }
0x31: {  	s26 =	simm.s32 $0x280;
	s30 =	rddreg [dreg:$0xb];
	[sflag:s10] =	ssyncadd.s32 $0xFFFFF800  }
0x32: {  	[tilespmem:s26], [sflag:$0x4] =	stream.linear.gather [hbm4b:s30+s4], $0x10, $0x38;
	[tilespmem:$0x1C300] =	vst v63  }
0x33: {  	_ =	swait.ge [sflag:s13], $0x10  }
0x34: {  	[sflag:s13] =	ssyncset.done $0x0  }
0x35: {  	[sflag:s13] =	ssyncadd.s32 $0xFFFFFFF0  }
0x36: {  	[spmem:s2] =	stream.indirect.scatter.add.f32 [tilespmem:s7], [sflag:$0x4], $0x80, s26, s15, $0xb8;
	[tilespmem:$0x1C300] =	vst v63  }
0x37: {  	_ =	swait.ge [sflag:s13], $0x800  }
0x38: {  	[sflag:s13] =	ssyncset.done $0x0  }
0x39: {  	[sflag:s13] =	ssyncadd.s32 $0xFFFFF800  }
0x3a: {  	[bflag:$0x0] =	sbarrier.arrive $0xFFFF  }
0x3b: {  	s15 =	rddreg [dreg:$0xf]  }
0x3c: {  	s26 =	rddreg [dreg:$0xc];
	s14 =	sor.u32 $0x1C04, s15  }
0x3d: {  	[hbm:s26], [sflag:s14] =	dma.local [spmem:s19], $0x2800  }
0x3e: {  	_ =	swait.ge [sflag:s13], $0x2800  }
0x3f: {  	s16 =	sadd.s32 $0x1, s16;
	s30 =	rddreg [dreg:$0xd]  }
0x40: {  	p0 =	sne.s32 s16, s30  }
.Ltmp1:
0x41: {  	_ = 	snop;
	(pc) =	sbr.rel @!p0 .LBB2_5-.Ltmp1, $3  }
0x42: {  	_ =	sdelay $0x1  }
0x43: {  	[sflag:s13] =	ssyncset.done $0x0  }
0x44: {  	[sflag:s13] =	ssyncadd.s32 $0xFFFFD800  }
.LBB2_1:
0x45: {  	s14 =	rddreg [dreg:$0x5]  }
0x46: {  	s26 =	rddreg [dreg:$0x4]  }
0x47: {  	s15 =	rddreg [dreg:$0x10];
	s19 =	sshrl.u32 s14, $0x3  }
0x48: {  	[spmem:s19], [sflag:s15] =	dma.local [hbm:s26], $0x2800  }
0x49: {  	s14 =	rddreg [dreg:$0x6]  }
0x4a: {  	[tilespmem:s4], [sflag:$0x3] =	stream.linear.gather [hbm4b:s14+s4], $0x80, $0x38;
	[tilespmem:$0x1C300] =	vst v63  }
0x4b: {  	s26 =	rddreg [dreg:$0x7]  }
0x4c: {  	[tilespmem:s31], [sflag:$0x3] =	stream.linear.gather [hbm4b:s26+s4], $0x80, $0x38;
	[tilespmem:$0x1C300] =	vst v63  }
0x4d: {  	_ =	swait.ge [sflag:s0], $0x80  }
0x4e: {  	[sflag:s0] =	ssyncset.done $0x0  }
0x4f: {  	[sflag:s0] =	ssyncadd.s32 $0xFFFFFF80  }
0x50: {  	[tilespmem:s7], [sflag:$0x1] =	stream.indirect.gather [hbm4b:s1+s3], $0x80, s4, s3, $0xb8;
	[tilespmem:$0x1C300] =	vst v63  }
0x51: {  	_ =	swait.ge [sflag:s0], $0x80  }
0x52: {  	[sflag:s0] =	ssyncset.done $0x0  }
0x53: {  	[sflag:s0] =	ssyncadd.s32 $0xFFFFFF80  }
0x54: {  	_ =	swait.ge [sflag:s8], $0x2800  }
0x55: {  	[sflag:s8] =	ssyncset.done $0x0  }
0x56: {  	[sflag:s8] =	ssyncadd.s32 $0xFFFFD800  }
0x57: {  	[bflag:$0x0] =	sbarrier.arrive $0xFFFF  }
0x58: {  	s15 =	rddreg [dreg:$0x8]  }
0x59: {  	[tilespmem:s3], [sflag:$0x3] =	stream.linear.gather [hbm4b:s15+s4], $0x80, $0x38;
	[tilespmem:$0x1C300] =	vst v63  }
0x5a: {  	s26 =	rddreg [dreg:$0x9]  }
0x5b: {  	[tilespmem:s9], [sflag:$0x3] =	stream.linear.gather [hbm4b:s26+s4], $0x80, $0x38;
	[tilespmem:$0x1C300] =	vst v63  }
0x5c: {  	s30 =	rddreg [dreg:$0xe];
	s26 =	simm.s32 $0x0  }
.LBB2_2:
0x5d: {  	_ =	swait.ge [sflag:s0], $0x80  }
0x5e: {  	[sflag:s0] =	ssyncset.done $0x0  }
0x5f: {  	[sflag:s0] =	ssyncadd.s32 $0xFFFFFF80  }
0x60: {  	_ =	swait.ge [sflag:s0], $0x80  }
0x61: {  	[sflag:s0] =	ssyncset.done $0x0  }
0x62: {  	[sflag:s0] =	ssyncadd.s32 $0xFFFFFF80  }
0x63: {  	_ =	swait.ge [sflag:s10], $0x4000  }
0x64: {  	p0 =	seq.s32 s26, $0x0;
	[sflag:s10] =	ssyncset.done $0x0  }
0x65: {  	s14 =	simm.s32 @!p0 $0x2;
	[sflag:s10] =	ssyncadd.s32 $0xFFFFC000  }
0x66: {  	_ =	swait.ge @!p0 [sflag:s14], $0x4000  }
0x67: {  	[sflag:s14] =	ssyncset.done @!p0 $0x0  }
0x68: {  	[sflag:s14] =	ssyncadd.s32 @!p0 $0xFFFFC000  }
0x69: {  	[tilespmem:s11], [sflag:$0x1] =	stream.indirect.gather [hbm4b:s1+s3], $0x80, s3, s3, $0xb8;
	[tilespmem:$0x1C300] =	vst v63  }
0x6a: {  	_ = 	snop  }
0x6b: {  	[spmem:s2] =	stream.indirect.scatter.add.f32 [tilespmem:s7], [sflag:$0x2], $0x80, s31, s3, $0xb8;
	[tilespmem:$0x1C300] =	vst v63  }
0x6c: {  	s15 =	sadd.s32 s26, s29  }
0x6d: {  	[tilespmem:s4], [sflag:$0x3] =	stream.linear.gather [hbm4b:s15+s4], $0x80, $0x38;
	[tilespmem:$0x1C300] =	vst v63  }
0x6e: {  	s15 =	sadd.s32 s26, s28  }
0x6f: {  	[tilespmem:s12], [sflag:$0x3] =	stream.linear.gather [hbm4b:s15+s4], $0x80, $0x38;
	[tilespmem:$0x1C300] =	vst v63  }
0x70: {  	_ =	swait.ge [sflag:s0], $0x80  }
0x71: {  	[sflag:s0] =	ssyncset.done $0x0  }
0x72: {  	[sflag:s0] =	ssyncadd.s32 $0xFFFFFF80  }
0x73: {  	_ =	swait.ge [sflag:s0], $0x80  }
0x74: {  	[sflag:s0] =	ssyncset.done $0x0  }
0x75: {  	[sflag:s0] =	ssyncadd.s32 $0xFFFFFF80  }
0x76: {  	_ =	swait.ge [sflag:s10], $0x4000  }
0x77: {  	[sflag:s10] =	ssyncset.done $0x0  }
0x78: {  	[sflag:s10] =	ssyncadd.s32 $0xFFFFC000  }
0x79: {  	_ =	swait.ge [sflag:s8], $0x4000  }
0x7a: {  	[sflag:s8] =	ssyncset.done $0x0  }
0x7b: {  	[sflag:s8] =	ssyncadd.s32 $0xFFFFC000  }
0x7c: {  	[tilespmem:s7], [sflag:$0x1] =	stream.indirect.gather [hbm4b:s1+s3], $0x80, s4, s3, $0xb8;
	[tilespmem:$0x1C300] =	vst v63  }
0x7d: {  	_ = 	snop  }
0x7e: {  	[spmem:s2] =	stream.indirect.scatter.add.f32 [tilespmem:s11], [sflag:$0x2], $0x80, s9, s3, $0xb8;
	[tilespmem:$0x1C300] =	vst v63  }
0x7f: {  	s15 =	sadd.s32 s26, s25  }
0x80: {  	[tilespmem:s3], [sflag:$0x3] =	stream.linear.gather [hbm4b:s15+s4], $0x80, $0x38;
	[tilespmem:$0x1C300] =	vst v63  }
0x81: {  	s15 =	sadd.s32 s26, s24  }
0x82: {  	[tilespmem:s31], [sflag:$0x3] =	stream.linear.gather [hbm4b:s15+s4], $0x80, $0x38;
	[tilespmem:$0x1C300] =	vst v63  }
0x83: {  	_ =	swait.ge [sflag:s0], $0x80  }
0x84: {  	[sflag:s0] =	ssyncset.done $0x0  }
0x85: {  	[sflag:s0] =	ssyncadd.s32 $0xFFFFFF80  }
0x86: {  	_ =	swait.ge [sflag:s0], $0x80  }
0x87: {  	[sflag:s0] =	ssyncset.done $0x0  }
0x88: {  	[sflag:s0] =	ssyncadd.s32 $0xFFFFFF80  }
0x89: {  	_ =	swait.ge [sflag:s10], $0x4000  }
0x8a: {  	[sflag:s10] =	ssyncset.done $0x0  }
0x8b: {  	[sflag:s10] =	ssyncadd.s32 $0xFFFFC000  }
0x8c: {  	_ =	swait.ge [sflag:s8], $0x4000  }
0x8d: {  	[sflag:s8] =	ssyncset.done $0x0  }
0x8e: {  	[sflag:s8] =	ssyncadd.s32 $0xFFFFC000  }
0x8f: {  	[tilespmem:s11], [sflag:$0x1] =	stream.indirect.gather [hbm4b:s1+s3], $0x80, s3, s3, $0xb8;
	[tilespmem:$0x1C300] =	vst v63  }
0x90: {  	_ = 	snop  }
0x91: {  	[spmem:s2] =	stream.indirect.scatter.add.f32 [tilespmem:s7], [sflag:$0x2], $0x80, s12, s3, $0xb8;
	[tilespmem:$0x1C300] =	vst v63  }
0x92: {  	s15 =	sadd.s32 s26, s23  }
0x93: {  	[tilespmem:s4], [sflag:$0x3] =	stream.linear.gather [hbm4b:s15+s4], $0x80, $0x38;
	[tilespmem:$0x1C300] =	vst v63  }
0x94: {  	s15 =	sadd.s32 s26, s22  }
0x95: {  	[tilespmem:s9], [sflag:$0x3] =	stream.linear.gather [hbm4b:s15+s4], $0x80, $0x38;
	[tilespmem:$0x1C300] =	vst v63  }
0x96: {  	_ =	swait.ge [sflag:s0], $0x80  }
0x97: {  	[sflag:s0] =	ssyncset.done $0x0  }
0x98: {  	[sflag:s0] =	ssyncadd.s32 $0xFFFFFF80  }
0x99: {  	_ =	swait.ge [sflag:s0], $0x80  }
0x9a: {  	[sflag:s0] =	ssyncset.done $0x0  }
0x9b: {  	[sflag:s0] =	ssyncadd.s32 $0xFFFFFF80  }
0x9c: {  	_ =	swait.ge [sflag:s10], $0x4000  }
0x9d: {  	[sflag:s10] =	ssyncset.done $0x0  }
0x9e: {  	[sflag:s10] =	ssyncadd.s32 $0xFFFFC000  }
0x9f: {  	_ =	swait.ge [sflag:s8], $0x4000  }
0xa0: {  	[sflag:s8] =	ssyncset.done $0x0  }
0xa1: {  	[sflag:s8] =	ssyncadd.s32 $0xFFFFC000  }
0xa2: {  	[tilespmem:s7], [sflag:$0x1] =	stream.indirect.gather [hbm4b:s1+s3], $0x80, s4, s3, $0xb8;
	[tilespmem:$0x1C300] =	vst v63  }
0xa3: {  	_ = 	snop  }
0xa4: {  	[spmem:s2] =	stream.indirect.scatter.add.f32 [tilespmem:s11], [sflag:$0x2], $0x80, s31, s3, $0xb8;
	[tilespmem:$0x1C300] =	vst v63  }
0xa5: {  	s15 =	sadd.s32 s26, s21  }
0xa6: {  	[tilespmem:s3], [sflag:$0x3] =	stream.linear.gather [hbm4b:s15+s4], $0x80, $0x38;
	[tilespmem:$0x1C300] =	vst v63  }
0xa7: {  	s15 =	sadd.s32 s26, s20  }
0xa8: {  	[tilespmem:s12], [sflag:$0x3] =	stream.linear.gather [hbm4b:s15+s4], $0x80, $0x38;
	[tilespmem:$0x1C300] =	vst v63  }
0xa9: {  	_ =	swait.ge [sflag:s0], $0x80  }
0xaa: {  	[sflag:s0] =	ssyncset.done $0x0  }
0xab: {  	[sflag:s0] =	ssyncadd.s32 $0xFFFFFF80  }
0xac: {  	_ =	swait.ge [sflag:s0], $0x80  }
0xad: {  	[sflag:s0] =	ssyncset.done $0x0  }
0xae: {  	[sflag:s0] =	ssyncadd.s32 $0xFFFFFF80  }
0xaf: {  	_ =	swait.ge [sflag:s10], $0x4000  }
0xb0: {  	[sflag:s10] =	ssyncset.done $0x0  }
0xb1: {  	[sflag:s10] =	ssyncadd.s32 $0xFFFFC000  }
0xb2: {  	p0 =	seq.s32 s26, $0x480;
	_ =	swait.ge [sflag:s8], $0x4000  }
.Ltmp2:
0xb3: {  	[sflag:s8] =	ssyncset.done $0x0;
	(pc) =	sbr.rel @p0 .LBB2_4-.Ltmp2, $4  }
0xb4: {  	[sflag:s8] =	ssyncadd.s32 $0xFFFFC000  }
0xb5: {  	[tilespmem:s11], [sflag:$0x1] =	stream.indirect.gather [hbm4b:s1+s3], $0x80, s3, s3, $0xb8;
	[tilespmem:$0x1C300] =	vst v63  }
0xb6: {  	_ = 	snop  }
0xb7: {  	[spmem:s2] =	stream.indirect.scatter.add.f32 [tilespmem:s7], [sflag:$0x2], $0x80, s9, s3, $0xb8;
	[tilespmem:$0x1C300] =	vst v63  }
0xb8: {  	s14 =	sshrl.u32 s30, $0x3  }
0xb9: {  	s15 =	sadd.s32 s5, s14  }
0xba: {  	[tilespmem:s4], [sflag:$0x3] =	stream.linear.gather [hbm4b:s15+s4], $0x80, $0x38;
	[tilespmem:$0x1C300] =	vst v63  }
0xbb: {  	s14 =	sadd.s32 s6, s14  }
0xbc: {  	[tilespmem:s31], [sflag:$0x3] =	stream.linear.gather [hbm4b:s14+s4], $0x80, $0x38;
	[tilespmem:$0x1C300] =	vst v63  }
0xbd: {  	_ =	swait.ge [sflag:s0], $0x80  }
0xbe: {  	[sflag:s0] =	ssyncset.done $0x0  }
0xbf: {  	[sflag:s0] =	ssyncadd.s32 $0xFFFFFF80  }
0xc0: {  	_ =	swait.ge [sflag:s0], $0x80  }
0xc1: {  	[sflag:s0] =	ssyncset.done $0x0  }
0xc2: {  	[sflag:s0] =	ssyncadd.s32 $0xFFFFFF80  }
0xc3: {  	_ =	swait.ge [sflag:s10], $0x4000  }
0xc4: {  	[sflag:s10] =	ssyncset.done $0x0  }
0xc5: {  	[sflag:s10] =	ssyncadd.s32 $0xFFFFC000  }
0xc6: {  	_ =	swait.ge [sflag:s8], $0x4000  }
0xc7: {  	[sflag:s8] =	ssyncset.done $0x0  }
0xc8: {  	[sflag:s8] =	ssyncadd.s32 $0xFFFFC000  }
0xc9: {  	[tilespmem:s7], [sflag:$0x1] =	stream.indirect.gather [hbm4b:s1+s3], $0x80, s4, s3, $0xb8;
	[tilespmem:$0x1C300] =	vst v63  }
0xca: {  	_ = 	snop  }
0xcb: {  	[spmem:s2] =	stream.indirect.scatter.add.f32 [tilespmem:s11], [sflag:$0x2], $0x80, s12, s3, $0xb8;
	[tilespmem:$0x1C300] =	vst v63  }
.Ltmp3:
0xcc: {  	_ = 	snop;
	(pc) =	sbr.rel .LBB2_2-.Ltmp3, $4  }
0xcd: {  	s15 =	sadd.s32 s26, s18  }
0xce: {  	[tilespmem:s3], [sflag:$0x3] =	stream.linear.gather [hbm4b:s15+s4], $0x80, $0x38;
	[tilespmem:$0x1C300] =	vst v63  }
0xcf: {  	s30 =	sadd.s32 $0x300, s30;
	s15 =	sadd.s32 s26, s17;
	s26 =	sadd.s32 $0x60, s26  }
0xd0: {  	[tilespmem:s9], [sflag:$0x3] =	stream.linear.gather [hbm4b:s15+s4], $0x80, $0x38;
	[tilespmem:$0x1C300] =	vst v63  }
.LBB2_5:
0xd1: {  	_ =	sfence.sel $0x180000  }
0xd2: {  	[bflag:$0x0] =	sbarrier.arrive $0xFFFF  }
0xd3: {  	_ =	strace $0x9000004A  }
0xd4: {  	s0 =	stileid.u32;
	[bflag:$0x2] =	sbarrier.arrive $0xFFFF  }
0xd5: {  	p0 =	sne.s32 s0, $0x0;
	s0 =	rddreg [dreg:$0x3]  }
0xd6: {  	s0 =	sadd.s32 @!p0 $0x100000, s0  }
0xd7: {  	[sflag:s0] =	ssyncadd.tile.s32 @!p0 $0x1;
	_ =	shalt  }
.Lfunc_end2:
_tile_overlayer_lowered:
.L_overlay_start_2:
0xd8: {  	(tag) =	ssettag $0x2  }
0xd9: {  	s0 =	rddreg [dreg:$0x0];
	s2 =	stileid.u32  }
0xda: {  	s1 =	rddreg [dreg:$0x1];
	p0 =	sne.s32 s2, $0x0  }
0xdb: {  	s3 =	rddreg [dreg:$0x2];
	[bflag:$0x3] =	sbarrier.arrive $0xFFFF;
	s2 =	simm.s32 @!p0 $0x1C04  }
0xdc: {  	[timem:s3], [sflag:s2] =	dma.local @!p0 [hbm:s0], s1  }
0xdd: {  	s0 =	simm.s32 @!p0 $0x4  }
0xde: {  	_ =	swait.ge @!p0 [sflag:s0], s1  }
0xdf: {  	s1 =	ssub.s32 @!p0 $0x0, s1;
	[sflag:s0] =	ssyncset.done @!p0 $0x0  }
0xe0: {  	[sflag:s0] =	ssyncadd.s32 @!p0 s1  }
0xe1: {  	[bflag:$0x3] =	sbarrier.arrive $0xFFFF  }
0xe2: {  	_ =	shalt  }

// kernel: kernel.14.cloned.1.call-start
scs
__scs_entry_jumppad:
0x0: {  	(pc) =	sbr.rel $0x88, $3  }
0x1: {  	(tag) =	ssettag $0x0;
	lr =	simm.s32 $0x1  }
0x2: {  	[smem:$0x3F9A] =	sst lr;
	_ =	strace $0xD0000000  }
0x3: {  	_ = 	snop  }
0x4: {  	_ = 	snop  }
0x5: {  	_ = 	snop  }
0x6: {  	_ = 	snop  }
0x7: {  	_ = 	snop  }
__scs_overlays_trampoline_lowered:
0x8: {  	[smem:$0x3FA9] =	sst s0  }
0x9: {  	[smem:$0x3FAA] =	sst s1  }
0xa: {  	[smem:$0x3FAB] =	sst s2  }
0xb: {  	[smem:$0x3FAC] =	sst s3  }
0xc: {  	[smem:$0x3FAD] =	sst s4  }
0xd: {  	[smem:$0x3FAE] =	sst s5  }
0xe: {  	[smem:$0x3FAF] =	sst s6  }
0xf: {  	[smem:$0x3FB0] =	sst s7  }
0x10: {  	[smem:$0x3FB1] =	sst s8  }
0x11: {  	[smem:$0x3FB2] =	sst s9;
	s0 =	simm.s32 @!p0 $0x0  }
0x12: {  	s1 =	sld [smem:$0x3F98];
	s0 =	simm.s32 @p0 $0x1  }
0x13: {  	[smem:$0x3FB3] =	sst s0;
	s0 =	simm.s32 @!p1 $0x0  }
0x14: {  	s2 =	sld [smem:$0x3F97];
	s0 =	simm.s32 @p1 $0x1  }
0x15: {  	[smem:$0x3FB4] =	sst s0;
	s0 =	simm.s32 @!p2 $0x0  }
0x16: {  	s3 =	sld [smem:$0x3FDB];
	s0 =	simm.s32 @p2 $0x1  }
0x17: {  	s4 =	simm.s32 $0x1BF5;
	[smem:$0x3FB6] =	sst s0  }
0x18: {  	s0 =	sld [smem:$0x3F99];
	_ =	swait.ge [sflag:s4], $0x0  }
0x19: {  	s7 =	sld [smem:$0x3F9A]  }
0x1a: {  	s8 =	sadd.s32 $0xFFFFE003, lr  }
0x1b: {  	s9 =	sadd.s32 $0xFFFFFEF7, lr;
	s5 =	simm.s32 $0xFFFFFFFF;
	p2 =	slt.u32 s8, $0xFFFFF086  }
0x1c: {  	p1 =	slt.u32 s9, $0xF7A;
	s5 =	simm.s32 @!p2 $0x0  }
0x1d: {  	s5 =	simm.s32 @p1 $0x1;
	p0 =	seq.s32 s7, s2  }
0x1e: {  	s7 =	smul.u32 @!p0 $0xF7A, s2;
	p2 =	seq.s32 @!p0 s5, $0x0  }
0x1f: {  	s9 =	smul.u32 $0xF7A, s1;
	s8 =	simm.s32 @!p0 $0x1BF5;
	p2 =	por !p2, p0  }
0x20: {  	[sflag:s8] =	ssyncset.s32 @!p0 $0xFFFFF086;
	s6 =	sadd.s32 @!p0 s3, s7;
	s7 =	simm.s32 @!p0 $0x108  }
0x21: {  	s3 =	sadd.s32 s3, s9;
	s6 =	sadd.s32 @!p0 $0x88, s6;
	s7 =	simm.s32 @p2 $0x1082  }
0x22: {  	[simem:s7], [sflag:s8] =	dma.local @!p0 [hbm:s6], $0xF7A  }
0x23: {  	s9 =	sor.u32 $0xD0000000, s2;
	s6 =	simm.s32 $0x108;
	_ =	swait.ge @!p0 [sflag:s8], $0x0  }
0x24: {  	s3 =	sadd.s32 $0x88, s3;
	s6 =	simm.s32 @!p1 $0x1082;
	[sflag:s4] =	ssyncset.s32 $0xFFFFF086  }
0x25: {  	[simem:s6], [sflag:s4] =	dma.local [hbm:s3], $0xF7A  }
0x26: {  	[smem:$0x3F9A] =	sst s1;
	(tag) =	ssettag s2;
	_ =	strace s9  }
0x27: {  	s1 =	sld [smem:$0x3FAA]  }
0x28: {  	s2 =	sld [smem:$0x3FAB]  }
0x29: {  	s4 =	sld [smem:$0x3FAD]  }
0x2a: {  	p0 =	seq.s32 s5, $0x0;
	s5 =	sld [smem:$0x3FAE]  }
0x2b: {  	s6 =	sld [smem:$0x3FAF]  }
0x2c: {  	s7 =	sld [smem:$0x3FB0]  }
0x2d: {  	s3 =	simm.s32 $0x108;
	s8 =	sld [smem:$0x3FB1]  }
0x2e: {  	s3 =	simm.s32 @!p0 $0x1082;
	s9 =	sld [smem:$0x3FB2]  }
0x2f: {  	lr =	sadd.s32 s0, s3;
	s0 =	sld [smem:$0x3FA9]  }
0x30: {  	s3 =	sld [smem:$0x3FAC]  }
0x31: {  	[smem:$0x3FB5] =	sst s10  }
0x32: {  	s10 =	sld [smem:$0x3FB3];
	_ =	sdelay $0x3  }
0x33: {  	p0 =	seq.s32 s10, $0x1;
	s10 =	sld [smem:$0x3FB5];
	_ =	sdelay $0x3  }
0x34: {  	[smem:$0x3FB5] =	sst s10  }
0x35: {  	s10 =	sld [smem:$0x3FB4];
	_ =	sdelay $0x3  }
0x36: {  	p1 =	seq.s32 s10, $0x1;
	s10 =	sld [smem:$0x3FB5];
	_ =	sdelay $0x3  }
0x37: {  	[smem:$0x3FB5] =	sst s10  }
0x38: {  	s10 =	sld [smem:$0x3FB6]  }
0x39: {  	_ = 	snop;
	(pc) =	sbr.ind lr, $3  }
0x3a: {  	_ = 	snop  }
0x3b: {  	_ = 	snop  }
0x3c: {  	p2 =	seq.s32 s10, $0x1;
	s10 =	sld [smem:$0x3FB5]  }
0x3d: {  	_ =	shalt  }
0x3e: {  	_ =	shalt  }
0x3f: {  	_ =	shalt  }
0x40: {  	_ =	shalt  }
0x41: {  	_ =	shalt  }
0x42: {  	_ =	shalt  }
0x43: {  	_ =	shalt  }
0x44: {  	_ =	shalt  }
0x45: {  	_ =	shalt  }
0x46: {  	_ =	shalt  }
0x47: {  	_ =	shalt  }
0x48: {  	_ =	shalt  }
0x49: {  	_ =	shalt  }
0x4a: {  	_ =	shalt  }
0x4b: {  	_ =	shalt  }
0x4c: {  	_ =	shalt  }
0x4d: {  	_ =	shalt  }
0x4e: {  	_ =	shalt  }
0x4f: {  	_ =	shalt  }
0x50: {  	_ =	shalt  }
0x51: {  	_ =	shalt  }
0x52: {  	_ =	shalt  }
0x53: {  	_ =	shalt  }
0x54: {  	_ =	shalt  }
0x55: {  	_ =	shalt  }
0x56: {  	_ =	shalt  }
0x57: {  	_ =	shalt  }
0x58: {  	_ =	shalt  }
0x59: {  	_ =	shalt  }
0x5a: {  	_ =	shalt  }
0x5b: {  	_ =	shalt  }
0x5c: {  	_ =	shalt  }
0x5d: {  	_ =	shalt  }
0x5e: {  	_ =	shalt  }
0x5f: {  	_ =	shalt  }
0x60: {  	_ =	shalt  }
0x61: {  	_ =	shalt  }
0x62: {  	_ =	shalt  }
0x63: {  	_ =	shalt  }
0x64: {  	_ =	shalt  }
0x65: {  	_ =	shalt  }
0x66: {  	_ =	shalt  }
0x67: {  	_ =	shalt  }
0x68: {  	_ =	shalt  }
0x69: {  	_ =	shalt  }
0x6a: {  	_ =	shalt  }
0x6b: {  	_ =	shalt  }
0x6c: {  	_ =	shalt  }
0x6d: {  	_ =	shalt  }
0x6e: {  	_ =	shalt  }
0x6f: {  	_ =	shalt  }
0x70: {  	_ =	shalt  }
0x71: {  	_ =	shalt  }
0x72: {  	_ =	shalt  }
0x73: {  	_ =	shalt  }
0x74: {  	_ =	shalt  }
0x75: {  	_ =	shalt  }
0x76: {  	_ =	shalt  }
0x77: {  	_ =	shalt  }
0x78: {  	_ =	shalt  }
0x79: {  	_ =	shalt  }
0x7a: {  	_ =	shalt  }
0x7b: {  	_ =	shalt  }
0x7c: {  	_ =	shalt  }
0x7d: {  	_ =	shalt  }
0x7e: {  	_ =	shalt  }
0x7f: {  	_ =	shalt  }
0x80: {  	_ =	shalt  }
0x81: {  	_ =	shalt  }
0x82: {  	_ =	shalt  }
0x83: {  	_ =	shalt  }
0x84: {  	_ =	shalt  }
0x85: {  	_ =	shalt  }
0x86: {  	_ =	shalt  }
0x87: {  	_ =	shalt  }
.Lfunc_end0:
.L_simem_size_0:
called_computation.2_lowered:
.L_overlay_start_0:
0x88: {  	s2 =	sld [smem:$0x3FD9]  }
0x89: {  	s3 =	sld [smem:$0x3FFE];
	_ =	sdelay $0x1  }
0x8a: {  	s1 =	srdreg.scid  }
0x8b: {  	s0 =	sand.u32 $0x1, s1  }
0x8c: {  	s17 =	sshll.u32 s0, $0xA;
	s2 =	sadd.s32 s3, s2  }
0x8d: {  	s2 =	sadd.s32 s2, s17  }
0x8e: {  	[smem:$0x3FC1] =	sst s2  }
0x8f: {  	_ = 	snop  }
0x90: {  	s2 =	sld [smem:$0x3FD0];
	(tm) =	ssettm $0x1  }
0x91: {  	s18 =	sld [smem:$0x3FFB];
	_ =	sdelay $0x3  }
0x92: {  	_ =	strace s18  }
0x93: {  	s3 =	sld [smem:$0x3FFC];
	_ =	sdelay $0x3  }
0x94: {  	_ =	strace s3  }
0x95: {  	s3 =	sld [smem:$0x3FFD];
	_ =	sdelay $0x3  }
0x96: {  	_ =	strace s3  }
0x97: {  	_ =	strace $0x8FFFFFFF  }
0x98: {  	s19 =	sld [smem:$0x3FDB];
	_ =	sdelay $0x1  }
0x99: {  	s4 =	simm.s32 $_scs_section_size  }
0x9a: {  	s5 =	simm.s32 $_size__tile_overlayer_lowered;
	s6 =	simm.s32 $_tile_overlayer_lowered  }
0x9b: {  	s22 =	simm.s32 $0x1BFF;
	s21 =	sshll.u32 s6, $0x1;
	s3 =	sadd.s32 s4, s19  }
0x9c: {  	s7 =	simm.s32 $0x0;
	s20 =	sshll.u32 s5, $0x1;
	s5 =	sadd.s32 s21, s3  }
0x9d: {  	[timem:s7], [sflag:s22] =	dma.local [hbm:s5], s20  }
0x9e: {  	_ =	swait.ge [sflag:s22], s20  }
0x9f: {  	s4 =	ssub.s32 $0x0, s20;
	[sflag:s22] =	ssyncset.done $0x0  }
0xa0: {  	[sflag:s22] =	ssyncadd.s32 s4;
	_ =	sdelay $0x1  }
0xa1: {  	s23 =	simm.s32 $0x1B8B  }
0xa2: {  	_ =	swait.ge [sflag:s23], $0x1  }
0xa3: {  	[sflag:s23] =	ssyncset.done $0x0  }
0xa4: {  	s25 =	simm.s32 $0x1B8E;
	s24 =	sld [smem:$0x3FFE];
	[sflag:s23] =	ssyncadd.s32 $0xFFFFFFFF  }
0xa5: {  	s26 =	simm.s32 $execute0_lowered;
	[smem:$0x3FD2] =	sst s25  }
0xa6: {  	s5 =	sshll.u32 s26, $0x1;
	_ =	strace $0x8000004C;
	[dreg:$0x1] =	wrdreg $0xFFFFFFFF  }
0xa7: {  	s28 =	simm.s32 $_size_execute0_lowered;
	s3 =	sadd.s32 s3, s5;
	[dreg:$0x0] =	wrdreg $0x0  }
0xa8: {  	s5 =	sshll.u32 s28, $0x1;
	[dreg:$0x2] =	wrdreg s3  }
0xa9: {  	[dreg:$0x3] =	wrdreg s5  }
0xaa: {  	[dreg:$0x4] =	wrdreg $0xC0  }
0xab: {  	_ =	task [dreg:s7], $0x5FFFF  }
0xac: {  	[dreg:$0x1] =	wrdreg $0xFFFFFFFF  }
0xad: {  	[dreg:$0x0] =	wrdreg $0x60  }
0xae: {  	[dreg:$0x2] =	wrdreg s2  }
0xaf: {  	[dreg:$0x3] =	wrdreg s24  }
0xb0: {  	[dreg:$0x4] =	wrdreg $0x83000  }
0xb1: {  	[dreg:$0x5] =	wrdreg $0x9  }
0xb2: {  	_ =	task.clear_ibuf [dreg:s7], $0x6FFFF;
	_ =	strace $0x9000004C  }
0xb3: {  	s29 =	simm.s32 $0x9;
	_ =	strace $0x8000004E  }
0xb4: {  	_ =	swait.ge [sflag:s29], $0x1  }
0xb5: {  	[sflag:s29] =	ssyncadd.s32 $0xFFFFFFFF  }
0xb6: {  	_ =	strace $0x9000004E  }
0xb7: {  	_ =	sfence  }
0xb8: {  	s30 =	sld [smem:$0x0];
	_ =	sdelay $0x2  }
0xb9: {  	s31 =	sshll.u32 s1, $0xD;
	s1 =	sshrl.u32 s1, $0x2  }
0xba: {  	s3 =	sand.u32 $0x4000, s31;
	s1 =	sadd.s32 s1, s30  }
0xbb: {  	s0 =	sor.u32 s3, s0;
	s1 =	sshll.u32 s1, $0x11  }
0xbc: {  	s0 =	sor.u32 s1, s0  }
0xbd: {  	s0 =	sadd.s32 $0x8F2B, s0  }
0xbe: {  	[sflag:s0] =	ssyncadd.remote.s32 $0x1  }
0xbf: {  	_ =	sfence.sel $0xFFFF  }
0xc0: {  	[dreg:$0x0] =	wrdreg $0xFFFFFFFF;
	(pc) =	sbr.abs _section_cstart, $3  }
0xc1: {  	[dreg:$0x1] =	wrdreg $0xFFFFFFFF  }
0xc2: {  	_ =	task.clear_ibuf [dreg:s7], $0x2FFFF;
	_ =	strace $0x9FFFFFFF  }
0xc3: {  	(tm) =	ssettm $0x7FFFFFFF  }
tec
execute0_lowered:
.L_overlay_start_1:
0x0: {  	(tag) =	ssettag $0x1  }
0x1: {  	s1 =	rddreg [dreg:$0x0]  }
0x2: {  	s0 =	rddreg [dreg:$0x1]  }
0x3: {  	s2 =	rddreg [dreg:$0x2];
	s12 =	stileid.u32  }
0x4: {  	s3 =	srdreg.scid;
	s4 =	simm.s32 $0x0;
	s8 =	smul.u32 $0x14000, s12  }
0x5: {  	s31 =	simm.s32 $0x100;
	s3 =	sand.u32 $0x1, s3;
	s10 =	smul.u32 $0x50000, s12  }
0x6: {  	[smem:$0x7FF] =	sst s4;
	s5 =	sadd.s32 $0x2000, s0;
	s24 =	smul.u32 $0x2710, s12  }
0x7: {  	s6 =	sadd.s32 $0xBE00, s0;
	s9 =	sadd.s32 $0x15C00, s0;
	s7 =	smul.u32 $0x140000, s3  }
0x8: {  	_ =	strace $0x8000004D;
	[dreg:$0x4] =	wrdreg s9;
	s19 =	ssub.s32 $0x2, s3  }
0x9: {  	s18 =	sshll.u32 s3, $0x4;
	s3 =	smul.u32 $0x27100, s3;
	s11 =	sshrl.u32 s19, $0x1  }
0xa: {  	s21 =	sshrl.u32 s10, $0x2;
	s7 =	sadd.s32 s8, s7;
	s8 =	sor.u32 s12, s18  }
0xb: {  	s20 =	ssub.s32 s19, s11;
	s9 =	sadd.s32 s21, s2;
	s3 =	sadd.s32 s24, s3  }
0xc: {  	s7 =	sshrl.u32 s7, $0x3;
	s8 =	smul.u32 $0x2710, s8;
	[dreg:$0x5] =	wrdreg s9  }
0xd: {  	s10 =	sadd.s32 $0x280, s3;
	s13 =	sadd.s32 $0x300, s3;
	s14 =	sadd.s32 $0x200, s3  }
0xe: {  	s16 =	sadd.s32 $0x180, s3;
	s0 =	sadd.s32 s7, s0;
	s7 =	smax.u32 s20, $0x1  }
0xf: {  	s11 =	sshrl.u32 s10, $0x3;
	[dreg:$0xe] =	wrdreg s13;
	s15 =	sshrl.u32 s14, $0x3  }
0x10: {  	s10 =	simm.s32 $0x1;
	s13 =	simm.s32 $0x4;
	s8 =	sshrl.u32 s8, $0x3  }
0x11: {  	s0 =	sadd.s32 $0x18400, s0;
	[dreg:$0xd] =	wrdreg s7;
	s20 =	sadd.s32 s11, s6  }
0x12: {  	s21 =	sadd.s32 s11, s5;
	s7 =	sshrl.u32 s16, $0x3;
	s11 =	simm.s32 $0x4300  }
0x13: {  	s16 =	simm.s32 $0x0;
	s22 =	sadd.s32 s5, s8;
	[dreg:$0xc] =	wrdreg s0  }
0x14: {  	s23 =	sadd.s32 $0x10, s8;
	s25 =	sadd.s32 s6, s8;
	[dreg:$0x6] =	wrdreg s22  }
0x15: {  	s8 =	sadd.s32 $0x4E0, s8;
	[dreg:$0x7] =	wrdreg s25;
	s26 =	sadd.s32 s5, s23  }
0x16: {  	s24 =	sadd.s32 s7, s6;
	s9 =	sadd.s32 s6, s23;
	[dreg:$0x8] =	wrdreg s26  }
0x17: {  	s30 =	sadd.s32 s5, s8;
	s8 =	sadd.s32 s6, s8;
	[dreg:$0x9] =	wrdreg s9  }
0x18: {  	s22 =	sadd.s32 s15, s6;
	s23 =	sadd.s32 s15, s5;
	[dreg:$0xa] =	wrdreg s30  }
0x19: {  	s25 =	sadd.s32 s7, s5;
	s7 =	simm.s32 $0x300;
	[dreg:$0xb] =	wrdreg s8  }
0x1a: {  	s9 =	sadd.s32 $0x380, s3;
	s3 =	sadd.s32 $0x100, s3;
	s26 =	sshll.u32 s12, $0x6  }
.Ltmp0:
0x1b: {  	s8 =	simm.s32 $0x2;
	s12 =	simm.s32 $0x200;
	(pc) =	sbr.rel .LBB2_1-.Ltmp0, $4  }
0x1c: {  	s0 =	sshrl.u32 s9, $0x3;
	s19 =	sshrl.u32 s3, $0x3;
	[dreg:$0xf] =	wrdreg s26  }
0x1d: {  	s30 =	sor.u32 $0x1C02, s26;
	s3 =	simm.s32 $0x80;
	s9 =	simm.s32 $0x180  }
0x1e: {  	s17 =	sadd.s32 s0, s6;
	s18 =	sadd.s32 s0, s5;
	s28 =	sadd.s32 s19, s6  }
0x1f: {  	s29 =	sadd.s32 s19, s5;
	[dreg:$0x10] =	wrdreg s30;
	s0 =	simm.s32 $0x3  }
.LBB2_4:
0x20: {  	_ =	swait.ge [sflag:s10], $0x4000  }
0x21: {  	[sflag:s10] =	ssyncset.done $0x0  }
0x22: {  	[sflag:s10] =	ssyncadd.s32 $0xFFFFC000  }
0x23: {  	_ =	swait.ge [sflag:s8], $0x4000  }
0x24: {  	[sflag:s8] =	ssyncset.done $0x0  }
0x25: {  	[sflag:s8] =	ssyncadd.s32 $0xFFFFC000  }
0x26: {  	[spmem:s2] =	stream.indirect.scatter.add.f32 [tilespmem:s11], [sflag:$0x2], $0x80, s12, s3, $0xb8;
	[tilespmem:$0x1C300] =	vst v63  }
0x27: {  	_ =	swait.ge [sflag:s8], $0x4000  }
0x28: {  	[sflag:s8] =	ssyncset.done $0x0  }
0x29: {  	s14 =	rddreg [dreg:$0xa];
	[sflag:s8] =	ssyncadd.s32 $0xFFFFC000  }
0x2a: {  	[tilespmem:s4], [sflag:$0x4] =	stream.linear.gather [hbm4b:s14+s4], $0x10, $0x38;
	[tilespmem:$0x1C300] =	vst v63  }
0x2b: {  	_ =	swait.ge [sflag:s13], $0x10  }
0x2c: {  	[sflag:s13] =	ssyncset.done $0x0  }
0x2d: {  	s15 =	simm.s32 $0x10;
	[sflag:s13] =	ssyncadd.s32 $0xFFFFFFF0  }
0x2e: {  	[tilespmem:s7], [sflag:$0x1] =	stream.indirect.gather [hbm4b:s1+s15], $0x80, s4, s15, $0xb8;
	[tilespmem:$0x1C300] =	vst v63  }
0x2f: {  	_ =	swait.ge [sflag:s10], $0x800  }
0x30: {  	[sflag:s10] =	ssyncset.done $0x0  }
0x31: {  	s26 =	simm.s32 $0x280;
	s30 =	rddreg [dreg:$0xb];
	[sflag:s10] =	ssyncadd.s32 $0xFFFFF800  }
0x32: {  	[tilespmem:s26], [sflag:$0x4] =	stream.linear.gather [hbm4b:s30+s4], $0x10, $0x38;
	[tilespmem:$0x1C300] =	vst v63  }
0x33: {  	_ =	swait.ge [sflag:s13], $0x10  }
0x34: {  	[sflag:s13] =	ssyncset.done $0x0  }
0x35: {  	[sflag:s13] =	ssyncadd.s32 $0xFFFFFFF0  }
0x36: {  	[spmem:s2] =	stream.indirect.scatter.add.f32 [tilespmem:s7], [sflag:$0x4], $0x80, s26, s15, $0xb8;
	[tilespmem:$0x1C300] =	vst v63  }
0x37: {  	_ =	swait.ge [sflag:s13], $0x800  }
0x38: {  	[sflag:s13] =	ssyncset.done $0x0  }
0x39: {  	[sflag:s13] =	ssyncadd.s32 $0xFFFFF800  }
0x3a: {  	[bflag:$0x0] =	sbarrier.arrive $0xFFFF  }
0x3b: {  	s15 =	rddreg [dreg:$0xf]  }
0x3c: {  	s26 =	rddreg [dreg:$0xc];
	s14 =	sor.u32 $0x1C04, s15  }
0x3d: {  	[hbm:s26], [sflag:s14] =	dma.local [spmem:s19], $0x2800  }
0x3e: {  	_ =	swait.ge [sflag:s13], $0x2800  }
0x3f: {  	s16 =	sadd.s32 $0x1, s16;
	s30 =	rddreg [dreg:$0xd]  }
0x40: {  	p0 =	sne.s32 s16, s30  }
.Ltmp1:
0x41: {  	_ = 	snop;
	(pc) =	sbr.rel @!p0 .LBB2_5-.Ltmp1, $3  }
0x42: {  	_ =	sdelay $0x1  }
0x43: {  	[sflag:s13] =	ssyncset.done $0x0  }
0x44: {  	[sflag:s13] =	ssyncadd.s32 $0xFFFFD800  }
.LBB2_1:
0x45: {  	s14 =	rddreg [dreg:$0x5]  }
0x46: {  	s26 =	rddreg [dreg:$0x4]  }
0x47: {  	s15 =	rddreg [dreg:$0x10];
	s19 =	sshrl.u32 s14, $0x3  }
0x48: {  	[spmem:s19], [sflag:s15] =	dma.local [hbm:s26], $0x2800  }
0x49: {  	s14 =	rddreg [dreg:$0x6]  }
0x4a: {  	[tilespmem:s4], [sflag:$0x3] =	stream.linear.gather [hbm4b:s14+s4], $0x80, $0x38;
	[tilespmem:$0x1C300] =	vst v63  }
0x4b: {  	s26 =	rddreg [dreg:$0x7]  }
0x4c: {  	[tilespmem:s31], [sflag:$0x3] =	stream.linear.gather [hbm4b:s26+s4], $0x80, $0x38;
	[tilespmem:$0x1C300] =	vst v63  }
0x4d: {  	_ =	swait.ge [sflag:s0], $0x80  }
0x4e: {  	[sflag:s0] =	ssyncset.done $0x0  }
0x4f: {  	[sflag:s0] =	ssyncadd.s32 $0xFFFFFF80  }
0x50: {  	[tilespmem:s7], [sflag:$0x1] =	stream.indirect.gather [hbm4b:s1+s3], $0x80, s4, s3, $0xb8;
	[tilespmem:$0x1C300] =	vst v63  }
0x51: {  	_ =	swait.ge [sflag:s0], $0x80  }
0x52: {  	[sflag:s0] =	ssyncset.done $0x0  }
0x53: {  	[sflag:s0] =	ssyncadd.s32 $0xFFFFFF80  }
0x54: {  	_ =	swait.ge [sflag:s8], $0x2800  }
0x55: {  	[sflag:s8] =	ssyncset.done $0x0  }
0x56: {  	[sflag:s8] =	ssyncadd.s32 $0xFFFFD800  }
0x57: {  	[bflag:$0x0] =	sbarrier.arrive $0xFFFF  }
0x58: {  	s15 =	rddreg [dreg:$0x8]  }
0x59: {  	[tilespmem:s3], [sflag:$0x3] =	stream.linear.gather [hbm4b:s15+s4], $0x80, $0x38;
	[tilespmem:$0x1C300] =	vst v63  }
0x5a: {  	s26 =	rddreg [dreg:$0x9]  }
0x5b: {  	[tilespmem:s9], [sflag:$0x3] =	stream.linear.gather [hbm4b:s26+s4], $0x80, $0x38;
	[tilespmem:$0x1C300] =	vst v63  }
0x5c: {  	s30 =	rddreg [dreg:$0xe];
	s26 =	simm.s32 $0x0  }
.LBB2_2:
0x5d: {  	_ =	swait.ge [sflag:s0], $0x80  }
0x5e: {  	[sflag:s0] =	ssyncset.done $0x0  }
0x5f: {  	[sflag:s0] =	ssyncadd.s32 $0xFFFFFF80  }
0x60: {  	_ =	swait.ge [sflag:s0], $0x80  }
0x61: {  	[sflag:s0] =	ssyncset.done $0x0  }
0x62: {  	[sflag:s0] =	ssyncadd.s32 $0xFFFFFF80  }
0x63: {  	_ =	swait.ge [sflag:s10], $0x4000  }
0x64: {  	p0 =	seq.s32 s26, $0x0;
	[sflag:s10] =	ssyncset.done $0x0  }
0x65: {  	s14 =	simm.s32 @!p0 $0x2;
	[sflag:s10] =	ssyncadd.s32 $0xFFFFC000  }
0x66: {  	_ =	swait.ge @!p0 [sflag:s14], $0x4000  }
0x67: {  	[sflag:s14] =	ssyncset.done @!p0 $0x0  }
0x68: {  	[sflag:s14] =	ssyncadd.s32 @!p0 $0xFFFFC000  }
0x69: {  	[tilespmem:s11], [sflag:$0x1] =	stream.indirect.gather [hbm4b:s1+s3], $0x80, s3, s3, $0xb8;
	[tilespmem:$0x1C300] =	vst v63  }
0x6a: {  	_ = 	snop  }
0x6b: {  	[spmem:s2] =	stream.indirect.scatter.add.f32 [tilespmem:s7], [sflag:$0x2], $0x80, s31, s3, $0xb8;
	[tilespmem:$0x1C300] =	vst v63  }
0x6c: {  	s15 =	sadd.s32 s26, s29  }
0x6d: {  	[tilespmem:s4], [sflag:$0x3] =	stream.linear.gather [hbm4b:s15+s4], $0x80, $0x38;
	[tilespmem:$0x1C300] =	vst v63  }
0x6e: {  	s15 =	sadd.s32 s26, s28  }
0x6f: {  	[tilespmem:s12], [sflag:$0x3] =	stream.linear.gather [hbm4b:s15+s4], $0x80, $0x38;
	[tilespmem:$0x1C300] =	vst v63  }
0x70: {  	_ =	swait.ge [sflag:s0], $0x80  }
0x71: {  	[sflag:s0] =	ssyncset.done $0x0  }
0x72: {  	[sflag:s0] =	ssyncadd.s32 $0xFFFFFF80  }
0x73: {  	_ =	swait.ge [sflag:s0], $0x80  }
0x74: {  	[sflag:s0] =	ssyncset.done $0x0  }
0x75: {  	[sflag:s0] =	ssyncadd.s32 $0xFFFFFF80  }
0x76: {  	_ =	swait.ge [sflag:s10], $0x4000  }
0x77: {  	[sflag:s10] =	ssyncset.done $0x0  }
0x78: {  	[sflag:s10] =	ssyncadd.s32 $0xFFFFC000  }
0x79: {  	_ =	swait.ge [sflag:s8], $0x4000  }
0x7a: {  	[sflag:s8] =	ssyncset.done $0x0  }
0x7b: {  	[sflag:s8] =	ssyncadd.s32 $0xFFFFC000  }
0x7c: {  	[tilespmem:s7], [sflag:$0x1] =	stream.indirect.gather [hbm4b:s1+s3], $0x80, s4, s3, $0xb8;
	[tilespmem:$0x1C300] =	vst v63  }
0x7d: {  	_ = 	snop  }
0x7e: {  	[spmem:s2] =	stream.indirect.scatter.add.f32 [tilespmem:s11], [sflag:$0x2], $0x80, s9, s3, $0xb8;
	[tilespmem:$0x1C300] =	vst v63  }
0x7f: {  	s15 =	sadd.s32 s26, s25  }
0x80: {  	[tilespmem:s3], [sflag:$0x3] =	stream.linear.gather [hbm4b:s15+s4], $0x80, $0x38;
	[tilespmem:$0x1C300] =	vst v63  }
0x81: {  	s15 =	sadd.s32 s26, s24  }
0x82: {  	[tilespmem:s31], [sflag:$0x3] =	stream.linear.gather [hbm4b:s15+s4], $0x80, $0x38;
	[tilespmem:$0x1C300] =	vst v63  }
0x83: {  	_ =	swait.ge [sflag:s0], $0x80  }
0x84: {  	[sflag:s0] =	ssyncset.done $0x0  }
0x85: {  	[sflag:s0] =	ssyncadd.s32 $0xFFFFFF80  }
0x86: {  	_ =	swait.ge [sflag:s0], $0x80  }
0x87: {  	[sflag:s0] =	ssyncset.done $0x0  }
0x88: {  	[sflag:s0] =	ssyncadd.s32 $0xFFFFFF80  }
0x89: {  	_ =	swait.ge [sflag:s10], $0x4000  }
0x8a: {  	[sflag:s10] =	ssyncset.done $0x0  }
0x8b: {  	[sflag:s10] =	ssyncadd.s32 $0xFFFFC000  }
0x8c: {  	_ =	swait.ge [sflag:s8], $0x4000  }
0x8d: {  	[sflag:s8] =	ssyncset.done $0x0  }
0x8e: {  	[sflag:s8] =	ssyncadd.s32 $0xFFFFC000  }
0x8f: {  	[tilespmem:s11], [sflag:$0x1] =	stream.indirect.gather [hbm4b:s1+s3], $0x80, s3, s3, $0xb8;
	[tilespmem:$0x1C300] =	vst v63  }
0x90: {  	_ = 	snop  }
0x91: {  	[spmem:s2] =	stream.indirect.scatter.add.f32 [tilespmem:s7], [sflag:$0x2], $0x80, s12, s3, $0xb8;
	[tilespmem:$0x1C300] =	vst v63  }
0x92: {  	s15 =	sadd.s32 s26, s23  }
0x93: {  	[tilespmem:s4], [sflag:$0x3] =	stream.linear.gather [hbm4b:s15+s4], $0x80, $0x38;
	[tilespmem:$0x1C300] =	vst v63  }
0x94: {  	s15 =	sadd.s32 s26, s22  }
0x95: {  	[tilespmem:s9], [sflag:$0x3] =	stream.linear.gather [hbm4b:s15+s4], $0x80, $0x38;
	[tilespmem:$0x1C300] =	vst v63  }
0x96: {  	_ =	swait.ge [sflag:s0], $0x80  }
0x97: {  	[sflag:s0] =	ssyncset.done $0x0  }
0x98: {  	[sflag:s0] =	ssyncadd.s32 $0xFFFFFF80  }
0x99: {  	_ =	swait.ge [sflag:s0], $0x80  }
0x9a: {  	[sflag:s0] =	ssyncset.done $0x0  }
0x9b: {  	[sflag:s0] =	ssyncadd.s32 $0xFFFFFF80  }
0x9c: {  	_ =	swait.ge [sflag:s10], $0x4000  }
0x9d: {  	[sflag:s10] =	ssyncset.done $0x0  }
0x9e: {  	[sflag:s10] =	ssyncadd.s32 $0xFFFFC000  }
0x9f: {  	_ =	swait.ge [sflag:s8], $0x4000  }
0xa0: {  	[sflag:s8] =	ssyncset.done $0x0  }
0xa1: {  	[sflag:s8] =	ssyncadd.s32 $0xFFFFC000  }
0xa2: {  	[tilespmem:s7], [sflag:$0x1] =	stream.indirect.gather [hbm4b:s1+s3], $0x80, s4, s3, $0xb8;
	[tilespmem:$0x1C300] =	vst v63  }
0xa3: {  	_ = 	snop  }
0xa4: {  	[spmem:s2] =	stream.indirect.scatter.add.f32 [tilespmem:s11], [sflag:$0x2], $0x80, s31, s3, $0xb8;
	[tilespmem:$0x1C300] =	vst v63  }
0xa5: {  	s15 =	sadd.s32 s26, s21  }
0xa6: {  	[tilespmem:s3], [sflag:$0x3] =	stream.linear.gather [hbm4b:s15+s4], $0x80, $0x38;
	[tilespmem:$0x1C300] =	vst v63  }
0xa7: {  	s15 =	sadd.s32 s26, s20  }
0xa8: {  	[tilespmem:s12], [sflag:$0x3] =	stream.linear.gather [hbm4b:s15+s4], $0x80, $0x38;
	[tilespmem:$0x1C300] =	vst v63  }
0xa9: {  	_ =	swait.ge [sflag:s0], $0x80  }
0xaa: {  	[sflag:s0] =	ssyncset.done $0x0  }
0xab: {  	[sflag:s0] =	ssyncadd.s32 $0xFFFFFF80  }
0xac: {  	_ =	swait.ge [sflag:s0], $0x80  }
0xad: {  	[sflag:s0] =	ssyncset.done $0x0  }
0xae: {  	[sflag:s0] =	ssyncadd.s32 $0xFFFFFF80  }
0xaf: {  	_ =	swait.ge [sflag:s10], $0x4000  }
0xb0: {  	[sflag:s10] =	ssyncset.done $0x0  }
0xb1: {  	[sflag:s10] =	ssyncadd.s32 $0xFFFFC000  }
0xb2: {  	p0 =	seq.s32 s26, $0x480;
	_ =	swait.ge [sflag:s8], $0x4000  }
.Ltmp2:
0xb3: {  	[sflag:s8] =	ssyncset.done $0x0;
	(pc) =	sbr.rel @p0 .LBB2_4-.Ltmp2, $4  }
0xb4: {  	[sflag:s8] =	ssyncadd.s32 $0xFFFFC000  }
0xb5: {  	[tilespmem:s11], [sflag:$0x1] =	stream.indirect.gather [hbm4b:s1+s3], $0x80, s3, s3, $0xb8;
	[tilespmem:$0x1C300] =	vst v63  }
0xb6: {  	_ = 	snop  }
0xb7: {  	[spmem:s2] =	stream.indirect.scatter.add.f32 [tilespmem:s7], [sflag:$0x2], $0x80, s9, s3, $0xb8;
	[tilespmem:$0x1C300] =	vst v63  }
0xb8: {  	s14 =	sshrl.u32 s30, $0x3  }
0xb9: {  	s15 =	sadd.s32 s5, s14  }
0xba: {  	[tilespmem:s4], [sflag:$0x3] =	stream.linear.gather [hbm4b:s15+s4], $0x80, $0x38;
	[tilespmem:$0x1C300] =	vst v63  }
0xbb: {  	s14 =	sadd.s32 s6, s14  }
0xbc: {  	[tilespmem:s31], [sflag:$0x3] =	stream.linear.gather [hbm4b:s14+s4], $0x80, $0x38;
	[tilespmem:$0x1C300] =	vst v63  }
0xbd: {  	_ =	swait.ge [sflag:s0], $0x80  }
0xbe: {  	[sflag:s0] =	ssyncset.done $0x0  }
0xbf: {  	[sflag:s0] =	ssyncadd.s32 $0xFFFFFF80  }
0xc0: {  	_ =	swait.ge [sflag:s0], $0x80  }
0xc1: {  	[sflag:s0] =	ssyncset.done $0x0  }
0xc2: {  	[sflag:s0] =	ssyncadd.s32 $0xFFFFFF80  }
0xc3: {  	_ =	swait.ge [sflag:s10], $0x4000  }
0xc4: {  	[sflag:s10] =	ssyncset.done $0x0  }
0xc5: {  	[sflag:s10] =	ssyncadd.s32 $0xFFFFC000  }
0xc6: {  	_ =	swait.ge [sflag:s8], $0x4000  }
0xc7: {  	[sflag:s8] =	ssyncset.done $0x0  }
0xc8: {  	[sflag:s8] =	ssyncadd.s32 $0xFFFFC000  }
0xc9: {  	[tilespmem:s7], [sflag:$0x1] =	stream.indirect.gather [hbm4b:s1+s3], $0x80, s4, s3, $0xb8;
	[tilespmem:$0x1C300] =	vst v63  }
0xca: {  	_ = 	snop  }
0xcb: {  	[spmem:s2] =	stream.indirect.scatter.add.f32 [tilespmem:s11], [sflag:$0x2], $0x80, s12, s3, $0xb8;
	[tilespmem:$0x1C300] =	vst v63  }
.Ltmp3:
0xcc: {  	_ = 	snop;
	(pc) =	sbr.rel .LBB2_2-.Ltmp3, $4  }
0xcd: {  	s15 =	sadd.s32 s26, s18  }
0xce: {  	[tilespmem:s3], [sflag:$0x3] =	stream.linear.gather [hbm4b:s15+s4], $0x80, $0x38;
	[tilespmem:$0x1C300] =	vst v63  }
0xcf: {  	s30 =	sadd.s32 $0x300, s30;
	s15 =	sadd.s32 s26, s17;
	s26 =	sadd.s32 $0x60, s26  }
0xd0: {  	[tilespmem:s9], [sflag:$0x3] =	stream.linear.gather [hbm4b:s15+s4], $0x80, $0x38;
	[tilespmem:$0x1C300] =	vst v63  }
.LBB2_5:
0xd1: {  	_ =	sfence.sel $0x180000  }
0xd2: {  	[bflag:$0x0] =	sbarrier.arrive $0xFFFF  }
0xd3: {  	_ =	strace $0x9000004D  }
0xd4: {  	s0 =	stileid.u32;
	[bflag:$0x2] =	sbarrier.arrive $0xFFFF  }
0xd5: {  	p0 =	sne.s32 s0, $0x0;
	s0 =	rddreg [dreg:$0x3]  }
0xd6: {  	s0 =	sadd.s32 @!p0 $0x100000, s0  }
0xd7: {  	[sflag:s0] =	ssyncadd.tile.s32 @!p0 $0x1;
	_ =	shalt  }
.Lfunc_end2:
_tile_overlayer_lowered:
.L_overlay_start_2:
0xd8: {  	(tag) =	ssettag $0x2  }
0xd9: {  	s0 =	rddreg [dreg:$0x0];
	s2 =	stileid.u32  }
0xda: {  	s1 =	rddreg [dreg:$0x1];
	p0 =	sne.s32 s2, $0x0  }
0xdb: {  	s3 =	rddreg [dreg:$0x2];
	[bflag:$0x3] =	sbarrier.arrive $0xFFFF;
	s2 =	simm.s32 @!p0 $0x1C04  }
0xdc: {  	[timem:s3], [sflag:s2] =	dma.local @!p0 [hbm:s0], s1  }
0xdd: {  	s0 =	simm.s32 @!p0 $0x4  }
0xde: {  	_ =	swait.ge @!p0 [sflag:s0], s1  }
0xdf: {  	s1 =	ssub.s32 @!p0 $0x0, s1;
	[sflag:s0] =	ssyncset.done @!p0 $0x0  }
0xe0: {  	[sflag:s0] =	ssyncadd.s32 @!p0 s1  }
0xe1: {  	[bflag:$0x3] =	sbarrier.arrive $0xFFFF  }
0xe2: {  	_ =	shalt  }

// kernel: kernel.8.cloned.1.call-start
scs
__scs_entry_jumppad:
0x0: {  	(pc) =	sbr.rel $0x88, $3  }
0x1: {  	(tag) =	ssettag $0x0;
	lr =	simm.s32 $0x1  }
0x2: {  	[smem:$0x3F9A] =	sst lr;
	_ =	strace $0xD0000000  }
0x3: {  	_ = 	snop  }
0x4: {  	_ = 	snop  }
0x5: {  	_ = 	snop  }
0x6: {  	_ = 	snop  }
0x7: {  	_ = 	snop  }
__scs_overlays_trampoline_lowered:
0x8: {  	[smem:$0x3FA9] =	sst s0  }
0x9: {  	[smem:$0x3FAA] =	sst s1  }
0xa: {  	[smem:$0x3FAB] =	sst s2  }
0xb: {  	[smem:$0x3FAC] =	sst s3  }
0xc: {  	[smem:$0x3FAD] =	sst s4  }
0xd: {  	[smem:$0x3FAE] =	sst s5  }
0xe: {  	[smem:$0x3FAF] =	sst s6  }
0xf: {  	[smem:$0x3FB0] =	sst s7  }
0x10: {  	[smem:$0x3FB1] =	sst s8  }
0x11: {  	[smem:$0x3FB2] =	sst s9;
	s0 =	simm.s32 @!p0 $0x0  }
0x12: {  	s1 =	sld [smem:$0x3F98];
	s0 =	simm.s32 @p0 $0x1  }
0x13: {  	[smem:$0x3FB3] =	sst s0;
	s0 =	simm.s32 @!p1 $0x0  }
0x14: {  	s2 =	sld [smem:$0x3F97];
	s0 =	simm.s32 @p1 $0x1  }
0x15: {  	[smem:$0x3FB4] =	sst s0;
	s0 =	simm.s32 @!p2 $0x0  }
0x16: {  	s3 =	sld [smem:$0x3FDB];
	s0 =	simm.s32 @p2 $0x1  }
0x17: {  	s4 =	simm.s32 $0x1BF5;
	[smem:$0x3FB6] =	sst s0  }
0x18: {  	s0 =	sld [smem:$0x3F99];
	_ =	swait.ge [sflag:s4], $0x0  }
0x19: {  	s7 =	sld [smem:$0x3F9A]  }
0x1a: {  	s8 =	sadd.s32 $0xFFFFE003, lr  }
0x1b: {  	s9 =	sadd.s32 $0xFFFFFEF7, lr;
	s5 =	simm.s32 $0xFFFFFFFF;
	p2 =	slt.u32 s8, $0xFFFFF086  }
0x1c: {  	p1 =	slt.u32 s9, $0xF7A;
	s5 =	simm.s32 @!p2 $0x0  }
0x1d: {  	s5 =	simm.s32 @p1 $0x1;
	p0 =	seq.s32 s7, s2  }
0x1e: {  	s7 =	smul.u32 @!p0 $0xF7A, s2;
	p2 =	seq.s32 @!p0 s5, $0x0  }
0x1f: {  	s9 =	smul.u32 $0xF7A, s1;
	s8 =	simm.s32 @!p0 $0x1BF5;
	p2 =	por !p2, p0  }
0x20: {  	[sflag:s8] =	ssyncset.s32 @!p0 $0xFFFFF086;
	s6 =	sadd.s32 @!p0 s3, s7;
	s7 =	simm.s32 @!p0 $0x108  }
0x21: {  	s3 =	sadd.s32 s3, s9;
	s6 =	sadd.s32 @!p0 $0x88, s6;
	s7 =	simm.s32 @p2 $0x1082  }
0x22: {  	[simem:s7], [sflag:s8] =	dma.local @!p0 [hbm:s6], $0xF7A  }
0x23: {  	s9 =	sor.u32 $0xD0000000, s2;
	s6 =	simm.s32 $0x108;
	_ =	swait.ge @!p0 [sflag:s8], $0x0  }
0x24: {  	s3 =	sadd.s32 $0x88, s3;
	s6 =	simm.s32 @!p1 $0x1082;
	[sflag:s4] =	ssyncset.s32 $0xFFFFF086  }
0x25: {  	[simem:s6], [sflag:s4] =	dma.local [hbm:s3], $0xF7A  }
0x26: {  	[smem:$0x3F9A] =	sst s1;
	(tag) =	ssettag s2;
	_ =	strace s9  }
0x27: {  	s1 =	sld [smem:$0x3FAA]  }
0x28: {  	s2 =	sld [smem:$0x3FAB]  }
0x29: {  	s4 =	sld [smem:$0x3FAD]  }
0x2a: {  	p0 =	seq.s32 s5, $0x0;
	s5 =	sld [smem:$0x3FAE]  }
0x2b: {  	s6 =	sld [smem:$0x3FAF]  }
0x2c: {  	s7 =	sld [smem:$0x3FB0]  }
0x2d: {  	s3 =	simm.s32 $0x108;
	s8 =	sld [smem:$0x3FB1]  }
0x2e: {  	s3 =	simm.s32 @!p0 $0x1082;
	s9 =	sld [smem:$0x3FB2]  }
0x2f: {  	lr =	sadd.s32 s0, s3;
	s0 =	sld [smem:$0x3FA9]  }
0x30: {  	s3 =	sld [smem:$0x3FAC]  }
0x31: {  	[smem:$0x3FB5] =	sst s10  }
0x32: {  	s10 =	sld [smem:$0x3FB3];
	_ =	sdelay $0x3  }
0x33: {  	p0 =	seq.s32 s10, $0x1;
	s10 =	sld [smem:$0x3FB5];
	_ =	sdelay $0x3  }
0x34: {  	[smem:$0x3FB5] =	sst s10  }
0x35: {  	s10 =	sld [smem:$0x3FB4];
	_ =	sdelay $0x3  }
0x36: {  	p1 =	seq.s32 s10, $0x1;
	s10 =	sld [smem:$0x3FB5];
	_ =	sdelay $0x3  }
0x37: {  	[smem:$0x3FB5] =	sst s10  }
0x38: {  	s10 =	sld [smem:$0x3FB6]  }
0x39: {  	_ = 	snop;
	(pc) =	sbr.ind lr, $3  }
0x3a: {  	_ = 	snop  }
0x3b: {  	_ = 	snop  }
0x3c: {  	p2 =	seq.s32 s10, $0x1;
	s10 =	sld [smem:$0x3FB5]  }
0x3d: {  	_ =	shalt  }
0x3e: {  	_ =	shalt  }
0x3f: {  	_ =	shalt  }
0x40: {  	_ =	shalt  }
0x41: {  	_ =	shalt  }
0x42: {  	_ =	shalt  }
0x43: {  	_ =	shalt  }
0x44: {  	_ =	shalt  }
0x45: {  	_ =	shalt  }
0x46: {  	_ =	shalt  }
0x47: {  	_ =	shalt  }
0x48: {  	_ =	shalt  }
0x49: {  	_ =	shalt  }
0x4a: {  	_ =	shalt  }
0x4b: {  	_ =	shalt  }
0x4c: {  	_ =	shalt  }
0x4d: {  	_ =	shalt  }
0x4e: {  	_ =	shalt  }
0x4f: {  	_ =	shalt  }
0x50: {  	_ =	shalt  }
0x51: {  	_ =	shalt  }
0x52: {  	_ =	shalt  }
0x53: {  	_ =	shalt  }
0x54: {  	_ =	shalt  }
0x55: {  	_ =	shalt  }
0x56: {  	_ =	shalt  }
0x57: {  	_ =	shalt  }
0x58: {  	_ =	shalt  }
0x59: {  	_ =	shalt  }
0x5a: {  	_ =	shalt  }
0x5b: {  	_ =	shalt  }
0x5c: {  	_ =	shalt  }
0x5d: {  	_ =	shalt  }
0x5e: {  	_ =	shalt  }
0x5f: {  	_ =	shalt  }
0x60: {  	_ =	shalt  }
0x61: {  	_ =	shalt  }
0x62: {  	_ =	shalt  }
0x63: {  	_ =	shalt  }
0x64: {  	_ =	shalt  }
0x65: {  	_ =	shalt  }
0x66: {  	_ =	shalt  }
0x67: {  	_ =	shalt  }
0x68: {  	_ =	shalt  }
0x69: {  	_ =	shalt  }
0x6a: {  	_ =	shalt  }
0x6b: {  	_ =	shalt  }
0x6c: {  	_ =	shalt  }
0x6d: {  	_ =	shalt  }
0x6e: {  	_ =	shalt  }
0x6f: {  	_ =	shalt  }
0x70: {  	_ =	shalt  }
0x71: {  	_ =	shalt  }
0x72: {  	_ =	shalt  }
0x73: {  	_ =	shalt  }
0x74: {  	_ =	shalt  }
0x75: {  	_ =	shalt  }
0x76: {  	_ =	shalt  }
0x77: {  	_ =	shalt  }
0x78: {  	_ =	shalt  }
0x79: {  	_ =	shalt  }
0x7a: {  	_ =	shalt  }
0x7b: {  	_ =	shalt  }
0x7c: {  	_ =	shalt  }
0x7d: {  	_ =	shalt  }
0x7e: {  	_ =	shalt  }
0x7f: {  	_ =	shalt  }
0x80: {  	_ =	shalt  }
0x81: {  	_ =	shalt  }
0x82: {  	_ =	shalt  }
0x83: {  	_ =	shalt  }
0x84: {  	_ =	shalt  }
0x85: {  	_ =	shalt  }
0x86: {  	_ =	shalt  }
0x87: {  	_ =	shalt  }
.Lfunc_end0:
.L_simem_size_0:
called_computation_lowered:
.L_overlay_start_0:
0x88: {  	s2 =	sld [smem:$0x3FD9]  }
0x89: {  	s3 =	sld [smem:$0x3FFE];
	_ =	sdelay $0x1  }
0x8a: {  	s1 =	srdreg.scid  }
0x8b: {  	s0 =	sand.u32 $0x1, s1  }
0x8c: {  	s17 =	sshll.u32 s0, $0xA;
	s2 =	sadd.s32 s3, s2  }
0x8d: {  	s2 =	sadd.s32 s2, s17  }
0x8e: {  	[smem:$0x3FC1] =	sst s2  }
0x8f: {  	_ = 	snop  }
0x90: {  	s2 =	sld [smem:$0x3FD0];
	(tm) =	ssettm $0x1  }
0x91: {  	s18 =	sld [smem:$0x3FFB];
	_ =	sdelay $0x3  }
0x92: {  	_ =	strace s18  }
0x93: {  	s3 =	sld [smem:$0x3FFC];
	_ =	sdelay $0x3  }
0x94: {  	_ =	strace s3  }
0x95: {  	s3 =	sld [smem:$0x3FFD];
	_ =	sdelay $0x3  }
0x96: {  	_ =	strace s3  }
0x97: {  	_ =	strace $0x8FFFFFFF  }
0x98: {  	s19 =	sld [smem:$0x3FDB];
	_ =	sdelay $0x1  }
0x99: {  	s4 =	simm.s32 $_scs_section_size  }
0x9a: {  	s5 =	simm.s32 $_size__tile_overlayer_lowered;
	s6 =	simm.s32 $_tile_overlayer_lowered  }
0x9b: {  	s22 =	simm.s32 $0x1BFF;
	s21 =	sshll.u32 s6, $0x1;
	s3 =	sadd.s32 s4, s19  }
0x9c: {  	s7 =	simm.s32 $0x0;
	s20 =	sshll.u32 s5, $0x1;
	s5 =	sadd.s32 s21, s3  }
0x9d: {  	[timem:s7], [sflag:s22] =	dma.local [hbm:s5], s20  }
0x9e: {  	_ =	swait.ge [sflag:s22], s20  }
0x9f: {  	s4 =	ssub.s32 $0x0, s20;
	[sflag:s22] =	ssyncset.done $0x0  }
0xa0: {  	[sflag:s22] =	ssyncadd.s32 s4;
	_ =	sdelay $0x1  }
0xa1: {  	s23 =	simm.s32 $0x1B8B  }
0xa2: {  	_ =	swait.ge [sflag:s23], $0x1  }
0xa3: {  	[sflag:s23] =	ssyncset.done $0x0  }
0xa4: {  	s25 =	simm.s32 $0x1B8E;
	s24 =	sld [smem:$0x3FFE];
	[sflag:s23] =	ssyncadd.s32 $0xFFFFFFFF  }
0xa5: {  	s26 =	simm.s32 $execute0_lowered;
	[smem:$0x3FD2] =	sst s25  }
0xa6: {  	s5 =	sshll.u32 s26, $0x1;
	_ =	strace $0x80000046;
	[dreg:$0x1] =	wrdreg $0xFFFFFFFF  }
0xa7: {  	s28 =	simm.s32 $_size_execute0_lowered;
	s3 =	sadd.s32 s3, s5;
	[dreg:$0x0] =	wrdreg $0x0  }
0xa8: {  	s5 =	sshll.u32 s28, $0x1;
	[dreg:$0x2] =	wrdreg s3  }
0xa9: {  	[dreg:$0x3] =	wrdreg s5  }
0xaa: {  	[dreg:$0x4] =	wrdreg $0xC0  }
0xab: {  	_ =	task [dreg:s7], $0x5FFFF  }
0xac: {  	[dreg:$0x1] =	wrdreg $0xFFFFFFFF  }
0xad: {  	[dreg:$0x0] =	wrdreg $0x60  }
0xae: {  	[dreg:$0x2] =	wrdreg s24  }
0xaf: {  	[dreg:$0x3] =	wrdreg s2  }
0xb0: {  	[dreg:$0x4] =	wrdreg $0x9  }
0xb1: {  	_ =	task.clear_ibuf [dreg:s7], $0x5FFFF;
	_ =	strace $0x90000046  }
0xb2: {  	s29 =	simm.s32 $0x9;
	_ =	strace $0x80000048  }
0xb3: {  	_ =	swait.ge [sflag:s29], $0x1  }
0xb4: {  	[sflag:s29] =	ssyncadd.s32 $0xFFFFFFFF  }
0xb5: {  	_ =	strace $0x90000048  }
0xb6: {  	_ =	sfence  }
0xb7: {  	s30 =	sld [smem:$0x0];
	_ =	sdelay $0x2  }
0xb8: {  	s31 =	sshll.u32 s1, $0xD;
	s1 =	sshrl.u32 s1, $0x2  }
0xb9: {  	s3 =	sand.u32 $0x4000, s31;
	s1 =	sadd.s32 s1, s30  }
0xba: {  	s0 =	sor.u32 s3, s0;
	s1 =	sshll.u32 s1, $0x11  }
0xbb: {  	s0 =	sor.u32 s1, s0  }
0xbc: {  	s0 =	sadd.s32 $0x8F2B, s0  }
0xbd: {  	[sflag:s0] =	ssyncadd.remote.s32 $0x1  }
0xbe: {  	_ =	sfence.sel $0xFFFF  }
0xbf: {  	[dreg:$0x0] =	wrdreg $0xFFFFFFFF;
	(pc) =	sbr.abs _section_cstart, $3  }
0xc0: {  	[dreg:$0x1] =	wrdreg $0xFFFFFFFF  }
0xc1: {  	_ =	task.clear_ibuf [dreg:s7], $0x2FFFF;
	_ =	strace $0x9FFFFFFF  }
0xc2: {  	(tm) =	ssettm $0x7FFFFFFF  }
0xc3: {  	_ =	shalt  }
tec
execute0_lowered:
.L_overlay_start_1:
0x0: {  	(tag) =	ssettag $0x1  }
0x1: {  	s0 =	srdreg.scid;
	s3 =	rddreg [dreg:$0x0]  }
0x2: {  	s5 =	rddreg [dreg:$0x1];
	s1 =	stileid.u32  }
0x3: {  	s2 =	simm.s32 $0x0;
	s16 =	simm.s32 $0x2780;
	s17 =	simm.s32 $0x1  }
0x4: {  	s18 =	simm.s32 $0x80;
	s19 =	simm.s32 $0x400;
	s20 =	simm.s32 $0x2B80  }
0x5: {  	s21 =	simm.s32 $0x2F80;
	s22 =	simm.s32 $0x3380;
	s23 =	simm.s32 $0x3780  }
0x6: {  	s24 =	simm.s32 $0x3B80;
	s25 =	simm.s32 $0x3F80;
	s26 =	simm.s32 $0x4380  }
0x7: {  	s28 =	simm.s32 $0x4780;
	s29 =	simm.s32 $0x4B80;
	s4 =	sand.u32 $0x1, s0  }
0x8: {  	s30 =	simm.s32 $0x0;
	[smem:$0x7FF] =	sst s2;
	s6 =	sshll.u32 s4, $0x4  }
0x9: {  	s8 =	sshll.u32 s1, $0x4;
	s4 =	ssub.s32 $0x2, s4;
	s6 =	sor.u32 s1, s6  }
0xa: {  	s31 =	sshrl.u32 s4, $0x1;
	s7 =	smul.u32 $0x4E2, s6;
	s6 =	sshll.u32 s6, $0x7  }
0xb: {  	_ =	strace $0x80000047;
	s15 =	ssub.s32 s4, s31;
	s6 =	sor.u32 s8, s6  }
0xc: {  	s15 =	smax.u32 s15, $0x1;
	s7 =	sadd.s32 s7, s3;
	s6 =	sand.u32 $0xC70, s6  }
0xd: {  	s3 =	sadd.s32 $0x15C00, s3;
	s4 =	sadd.s32 $0xBE00, s7;
	s5 =	sadd.s32 s5, s6  }
0xe: {  	s6 =	sadd.s32 $0x1000, s5;
	s7 =	sadd.s32 $0x2000, s5;
	s8 =	sadd.s32 $0x3000, s5  }
0xf: {  	s9 =	sadd.s32 $0x4000, s5;
	s10 =	sadd.s32 $0x5000, s5;
	s11 =	sadd.s32 $0x6000, s5  }
0x10: {  	v0 =	vimm.f32 $1.000000000e+00;
	s12 =	sadd.s32 $0x7000, s5;
	s13 =	sadd.s32 $0x8000, s5;
	s14 =	sadd.s32 $0x9000, s5  }
.LBB2_1:
0x11: {  	[tilespmem:s16], [sflag:$0x1] =	stream.linear.gather [hbm4b:s3+s2], $0x2800, $0x38;
	[tilespmem:$0x4F80] =	vst v63  }
0x12: {  	_ =	swait.ge [sflag:s17], $0x2800  }
0x13: {  	[sflag:s17] =	ssyncset.done $0x0  }
0x14: {  	[sflag:s17] =	ssyncadd.s32 $0xFFFFD800  }
0x15: {  	[tilespmem:s2], [sflag:$0x1] =	stream.linear.gather [hbm4b:s4+s2], $0x2710, $0x38;
	[tilespmem:$0x4F80] =	vst v63  }
0x16: {  	_ =	swait.ge [sflag:s17], $0x2710  }
0x17: {  	[sflag:s17] =	ssyncset.done $0x0  }
0x18: {  	s31 =	simm.s32 $0x0;
	[sflag:s17] =	ssyncadd.s32 $0xFFFFD8F0  }
.LBB2_2:
0x19: {  	s0 =	sshra.s32 s31, $0x2  }
0x1a: {  	v1 =	vld [tilespmem:s0+$0x0];
	_ =	sdelay $0x7  }
0x1b: {  	[tilespmem:v1+s16+$0x0] =	vst.idx.add.f32.msk $0xffff, v0  }
0x1c: {  	v1 =	vld [tilespmem:s0+$0x10];
	_ =	sdelay $0x7  }
0x1d: {  	[tilespmem:v1+s16+$0x0] =	vst.idx.add.f32.msk $0xffff, v0  }
0x1e: {  	v1 =	vld [tilespmem:s0+$0x20];
	_ =	sdelay $0x7  }
0x1f: {  	[tilespmem:v1+s16+$0x0] =	vst.idx.add.f32.msk $0xffff, v0  }
0x20: {  	v1 =	vld [tilespmem:s0+$0x30];
	_ =	sdelay $0x7  }
0x21: {  	[tilespmem:v1+s16+$0x0] =	vst.idx.add.f32.msk $0xffff, v0  }
0x22: {  	v1 =	vld [tilespmem:s0+$0x40];
	_ =	sdelay $0x2  }
0x23: {  	p0 =	sne.s32 s31, $0x9B00  }
.Ltmp0:
0x24: {  	_ = 	snop;
	(pc) =	sbr.rel @p0 .LBB2_2-.Ltmp0, $2  }
0x25: {  	_ =	sdelay $0x2  }
0x26: {  	s31 =	sadd.s32 $0x140, s31;
	[tilespmem:v1+s16+$0x0] =	vst.idx.add.f32.msk $0xffff, v0  }
0x27: {  	[hbm4b:s5+s18] =	stream.strided.scatter [tilespmem:s16], [sflag:$0x1], $0x400, s19, s18, $0x38;
	[tilespmem:$0x4F80] =	vst v63  }
0x28: {  	_ =	swait.ge [sflag:s17], $0x400  }
0x29: {  	[sflag:s17] =	ssyncset.done $0x0  }
0x2a: {  	[sflag:s17] =	ssyncadd.s32 $0xFFFFFC00  }
0x2b: {  	[hbm4b:s6+s18] =	stream.strided.scatter [tilespmem:s20], [sflag:$0x1], $0x400, s19, s18, $0x38;
	[tilespmem:$0x4F80] =	vst v63  }
0x2c: {  	_ =	swait.ge [sflag:s17], $0x400  }
0x2d: {  	[sflag:s17] =	ssyncset.done $0x0  }
0x2e: {  	[sflag:s17] =	ssyncadd.s32 $0xFFFFFC00  }
0x2f: {  	[hbm4b:s7+s18] =	stream.strided.scatter [tilespmem:s21], [sflag:$0x1], $0x400, s19, s18, $0x38;
	[tilespmem:$0x4F80] =	vst v63  }
0x30: {  	_ =	swait.ge [sflag:s17], $0x400  }
0x31: {  	[sflag:s17] =	ssyncset.done $0x0  }
0x32: {  	[sflag:s17] =	ssyncadd.s32 $0xFFFFFC00  }
0x33: {  	[hbm4b:s8+s18] =	stream.strided.scatter [tilespmem:s22], [sflag:$0x1], $0x400, s19, s18, $0x38;
	[tilespmem:$0x4F80] =	vst v63  }
0x34: {  	_ =	swait.ge [sflag:s17], $0x400  }
0x35: {  	[sflag:s17] =	ssyncset.done $0x0  }
0x36: {  	[sflag:s17] =	ssyncadd.s32 $0xFFFFFC00  }
0x37: {  	[hbm4b:s9+s18] =	stream.strided.scatter [tilespmem:s23], [sflag:$0x1], $0x400, s19, s18, $0x38;
	[tilespmem:$0x4F80] =	vst v63  }
0x38: {  	_ =	swait.ge [sflag:s17], $0x400  }
0x39: {  	[sflag:s17] =	ssyncset.done $0x0  }
0x3a: {  	[sflag:s17] =	ssyncadd.s32 $0xFFFFFC00  }
0x3b: {  	[hbm4b:s10+s18] =	stream.strided.scatter [tilespmem:s24], [sflag:$0x1], $0x400, s19, s18, $0x38;
	[tilespmem:$0x4F80] =	vst v63  }
0x3c: {  	_ =	swait.ge [sflag:s17], $0x400  }
0x3d: {  	[sflag:s17] =	ssyncset.done $0x0  }
0x3e: {  	[sflag:s17] =	ssyncadd.s32 $0xFFFFFC00  }
0x3f: {  	[hbm4b:s11+s18] =	stream.strided.scatter [tilespmem:s25], [sflag:$0x1], $0x400, s19, s18, $0x38;
	[tilespmem:$0x4F80] =	vst v63  }
0x40: {  	_ =	swait.ge [sflag:s17], $0x400  }
0x41: {  	[sflag:s17] =	ssyncset.done $0x0  }
0x42: {  	[sflag:s17] =	ssyncadd.s32 $0xFFFFFC00  }
0x43: {  	[hbm4b:s12+s18] =	stream.strided.scatter [tilespmem:s26], [sflag:$0x1], $0x400, s19, s18, $0x38;
	[tilespmem:$0x4F80] =	vst v63  }
0x44: {  	_ =	swait.ge [sflag:s17], $0x400  }
0x45: {  	[sflag:s17] =	ssyncset.done $0x0  }
0x46: {  	[sflag:s17] =	ssyncadd.s32 $0xFFFFFC00  }
0x47: {  	[hbm4b:s13+s18] =	stream.strided.scatter [tilespmem:s28], [sflag:$0x1], $0x400, s19, s18, $0x38;
	[tilespmem:$0x4F80] =	vst v63  }
0x48: {  	s30 =	sadd.s32 $0x1, s30;
	_ =	swait.ge [sflag:s17], $0x400  }
0x49: {  	p0 =	sne.s32 s30, s15;
	[sflag:s17] =	ssyncset.done $0x0  }
.Ltmp1:
0x4a: {  	[sflag:s17] =	ssyncadd.s32 $0xFFFFFC00;
	(pc) =	sbr.rel @p0 .LBB2_1-.Ltmp1, $4  }
0x4b: {  	[hbm4b:s14+s18] =	stream.strided.scatter [tilespmem:s29], [sflag:$0x1], $0x400, s19, s18, $0x38;
	[tilespmem:$0x4F80] =	vst v63  }
0x4c: {  	_ =	swait.ge [sflag:s17], $0x400  }
0x4d: {  	[sflag:s17] =	ssyncset.done $0x0  }
0x4e: {  	[sflag:s17] =	ssyncadd.s32 $0xFFFFFC00  }
0x4f: {  	_ =	sfence.sel $0x180000  }
0x50: {  	[bflag:$0x0] =	sbarrier.arrive $0xFFFF  }
0x51: {  	_ =	strace $0x90000047  }
0x52: {  	[bflag:$0x2] =	sbarrier.arrive $0xFFFF  }
0x53: {  	p0 =	sne.s32 s1, $0x0;
	s0 =	rddreg [dreg:$0x2]  }
0x54: {  	s0 =	sadd.s32 @!p0 $0x100000, s0  }
0x55: {  	[sflag:s0] =	ssyncadd.tile.s32 @!p0 $0x1;
	_ =	shalt  }
.Lfunc_end2:
_tile_overlayer_lowered:
.L_overlay_start_2:
0x56: {  	(tag) =	ssettag $0x2  }
0x57: {  	s0 =	rddreg [dreg:$0x0];
	s2 =	stileid.u32  }
0x58: {  	s1 =	rddreg [dreg:$0x1];
	p0 =	sne.s32 s2, $0x0  }
0x59: {  	s3 =	rddreg [dreg:$0x2];
	[bflag:$0x3] =	sbarrier.arrive $0xFFFF;
	s2 =	simm.s32 @!p0 $0x1C01  }
0x5a: {  	[timem:s3], [sflag:s2] =	dma.local @!p0 [hbm:s0], s1  }
0x5b: {  	s0 =	simm.s32 @!p0 $0x1  }
0x5c: {  	_ =	swait.ge @!p0 [sflag:s0], s1  }
0x5d: {  	s1 =	ssub.s32 @!p0 $0x0, s1;
	[sflag:s0] =	ssyncset.done @!p0 $0x0  }
0x5e: {  	[sflag:s0] =	ssyncadd.s32 @!p0 s1  }
0x5f: {  	[bflag:$0x3] =	sbarrier.arrive $0xFFFF  }
0x60: {  	_ =	shalt  }

</sc_bundles>
